<compile_context>
chip_gen: v7x
topology: tpu7x:2x2x1
jax: 0.10.2.dev20260603
libtpu: 0.0.44.dev20260713+nightly
codegen_flags: <defaults>
</compile_context>

<pallas_src>
import functools

import jax
import jax.numpy as jnp
from jax import lax
from jax.experimental import pallas as pl
from jax.experimental.pallas import tpu as pltpu
from jax.experimental.pallas import tpu_sc as plsc

TEAM = 5
D = 32
NIDS = 2 * TEAM
FD = 96


def _sc_gather(ids_flat, coop_tab, st_tab, wk_tab, ab_tab):
    n = ids_flat.shape[0]
    info = plsc.get_sparse_core_info()
    nw = info.num_cores * info.num_subcores
    b_per_w = n // nw
    ch = 128
    n_ch = b_per_w // ch

    mesh = plsc.VectorSubcoreMesh(core_axis_name="c", subcore_axis_name="s")

    def body(idx_hbm, coop_hbm, st_hbm, wk_hbm, ab_hbm, out_hbm, ab_out,
             idx_v, c_v, s_v, w_v, a_v, sem):
        wid = lax.axis_index("s") * info.num_cores + lax.axis_index("c")
        base = wid * b_per_w
        pltpu.sync_copy(idx_hbm.at[pl.ds(base, b_per_w)], idx_v)

        def chunk(c, carry):
            off = c * ch
            idx_c = idx_v.at[pl.ds(off, ch)]
            cp1 = pltpu.async_copy(coop_hbm.at[idx_c], c_v.at[pl.ds(off, ch)], sem)
            cp2 = pltpu.async_copy(st_hbm.at[idx_c], s_v.at[pl.ds(off, ch)], sem)
            cp3 = pltpu.async_copy(wk_hbm.at[idx_c], w_v.at[pl.ds(off, ch)], sem)
            cp4 = pltpu.async_copy(ab_hbm.at[idx_c], a_v.at[pl.ds(off, ch)], sem)
            cp1.wait()
            cp2.wait()
            cp3.wait()
            cp4.wait()
            return carry

        lax.fori_loop(0, n_ch, chunk, 0)
        rows = out_hbm.at[pl.ds(base, b_per_w)]
        pltpu.sync_copy(c_v, rows.at[:, pl.ds(0, D)])
        pltpu.sync_copy(s_v, rows.at[:, pl.ds(D, D)])
        pltpu.sync_copy(w_v, rows.at[:, pl.ds(2 * D, D)])
        pltpu.sync_copy(a_v, ab_out.at[pl.ds(base, b_per_w)])

    run = pl.kernel(
        body,
        out_type=[jax.ShapeDtypeStruct((n, FD), jnp.float32),
                  jax.ShapeDtypeStruct((n,), jnp.float32)],
        mesh=mesh,
        compiler_params=pltpu.CompilerParams(use_tc_tiling_on_sc=False),
        scratch_types=[
            pltpu.VMEM((b_per_w,), jnp.int32),
            pltpu.VMEM((b_per_w, D), jnp.float32),
            pltpu.VMEM((b_per_w, D), jnp.float32),
            pltpu.VMEM((b_per_w, D), jnp.float32),
            pltpu.VMEM((b_per_w,), jnp.float32),
            pltpu.SemaphoreType.DMA,
        ],
    )
    return run(ids_flat, coop_tab, st_tab, wk_tab, ab_tab.reshape(-1))


def _call_block(Xs, Ys, W1, b1c, W2, b2, aW, abias, mask_diag, nb):
    f32 = jnp.float32
    Qs = [lax.dot_general(aW, X, (((1,), (0,)), ((), ())),
                          preferred_element_type=f32) + abias for X in Xs]
    Zs, ZQs = [], []
    for i in range(TEAM):
        for j in range(TEAM):
            Zs.append(Xs[i] * Ys[j])
            ZQs.append(Qs[i] * Ys[j])
    Z = jnp.concatenate(Zs, axis=1)
    ZQ = jnp.concatenate(ZQs, axis=1)
    H = jnp.maximum(
        lax.dot_general(W1, Z, (((1,), (0,)), ((), ())),
                        preferred_element_type=f32) + b1c, 0.0)
    E = jnp.maximum(
        lax.dot_general(W2, H, (((1,), (0,)), ((), ())),
                        preferred_element_type=f32) + b2, 0.0)
    ones_d = jnp.ones((1, D), f32)
    L = lax.dot_general(ones_d, ZQ, (((1,), (0,)), ((), ())),
                        preferred_element_type=f32)

    def seg(A, i, j):
        p = i * TEAM + j
        return A[:, p * nb:(p + 1) * nb]

    total = jnp.zeros((1, nb), f32)
    for i in range(TEAM):
        js = [j for j in range(TEAM) if not (mask_diag and j == i)]
        m = seg(L, i, js[0])
        for j in js[1:]:
            m = jnp.maximum(m, seg(L, i, j))
        exps = [jnp.exp(seg(L, i, j) - m) for j in js]
        den = exps[0]
        for ex in exps[1:]:
            den = den + ex
        rec = 1.0 / den
        for j, ex in zip(js, exps):
            total = total + seg(E, i, j) * ex * rec
    return total


def _tc_body(nb, btot, *refs):
    slot_refs = refs[:NIDS]
    (ab_ref, cW1, cb1, cW2, cb2, caW, cab,
     pW1, pb1, pW2, pb2, paW, pab, out_ref) = refs[NIDS:]
    blk = pl.program_id(0)

    bank = jnp.concatenate([r[...] for r in slot_refs], axis=0)
    bankT = jnp.transpose(bank)
    Cs = [bankT[0:D, k * nb:(k + 1) * nb] for k in range(NIDS)]
    Ss = [bankT[D:2 * D, k * nb:(k + 1) * nb] for k in range(NIDS)]
    Ws = [bankT[2 * D:3 * D, k * nb:(k + 1) * nb] for k in range(NIDS)]
    abs_ = [ab_ref[pl.ds(k * btot + blk * nb, nb)] for k in range(NIDS)]

    coop_args = (cW1[...], cb1[...], cW2[...], cb2[...], caW[...], cab[...])
    comp_args = (pW1[...], pb1[...], pW2[...], pb2[...], paW[...], pab[...])

    abA = jnp.reshape(abs_[0] + abs_[1] + abs_[2] + abs_[3] + abs_[4],
                      (1, nb))
    abB = jnp.reshape(abs_[5] + abs_[6] + abs_[7] + abs_[8] + abs_[9],
                      (1, nb))

    Sa = (abA
          + _call_block(Cs[:TEAM], Cs[:TEAM], *coop_args, True, nb)
          + _call_block(Ss[:TEAM], Ws[TEAM:], *comp_args, False, nb))
    Sb = (abB
          + _call_block(Cs[TEAM:], Cs[TEAM:], *coop_args, True, nb)
          + _call_block(Ss[TEAM:], Ws[:TEAM], *comp_args, False, nb))
    out_ref[...] = jnp.reshape(jax.nn.sigmoid(Sa - Sb), (nb,))


def _tc_compute(gat, ab_gat, coop_W1, coop_b1, coop_W2, coop_b2,
                coop_attW, coop_attb, comp_W1, comp_b1, comp_W2, comp_b2,
                comp_attW, comp_attb):
    b = gat.shape[0] // NIDS
    nb = 512
    grid = b // nb
    bpg = b // nb

    def full(shape):
        return pl.BlockSpec(shape, lambda i: (0,) * len(shape))

    slot_specs = [
        pl.BlockSpec((nb, FD), functools.partial(
            lambda k, i: (k * bpg + i, 0), k))
        for k in range(NIDS)
    ]
    in_specs = slot_specs + [
        pl.BlockSpec((b * NIDS,), lambda i: (0,)),
        full((50, D)), full((50, 1)), full((1, 50)), full((1, 1)),
        full((D, D)), full((D, 1)),
        full((50, D)), full((50, 1)), full((1, 50)), full((1, 1)),
        full((D, D)), full((D, 1)),
    ]
    out = pl.pallas_call(
        functools.partial(_tc_body, nb, b),
        grid=(grid,),
        in_specs=in_specs,
        out_specs=pl.BlockSpec((nb,), lambda i: (i,)),
        out_shape=jax.ShapeDtypeStruct((b,), jnp.float32),
    )(*([gat] * NIDS), ab_gat,
      coop_W1, coop_b1.reshape(50, 1), coop_W2, coop_b2.reshape(1, 1),
      coop_attW, coop_attb.reshape(D, 1),
      comp_W1, comp_b1.reshape(50, 1), comp_W2, comp_b2.reshape(1, 1),
      comp_attW, comp_attb.reshape(D, 1))
    return out


def kernel(two_team_hero_id, ability_tab, coop_tab, coop_W1, coop_b1,
           coop_W2, coop_b2, coop_attW, coop_attb, st_tab, wk_tab,
           comp_W1, comp_b1, comp_W2, comp_b2, comp_attW, comp_attb):
    ids_sm = two_team_hero_id.astype(jnp.int32).T.reshape(-1)
    gat, ab_gat = _sc_gather(ids_sm, coop_tab, st_tab, wk_tab, ability_tab)
    return _tc_compute(gat, ab_gat, coop_W1, coop_b1, coop_W2, coop_b2,
                       coop_attW, coop_attb, comp_W1, comp_b1, comp_W2,
                       comp_b2, comp_attW, comp_attb)

# --- scband reference (transcript-rebuilt; emitter-appended) ---
"""Pipeline reference for scband-nac-net-67370857005638 (READ-ONLY COPY).

The authoritative reference and input builder live on the scoring server;
editing this copy changes nothing except your own understanding.
"""

import jax, jax.numpy as jnp
import numpy as np

TEAM = 5
D = 32
H = 100000
B = 4096

def enemy_index(t):
    it, ie = [], []
    for i in range(t):
        for j in range(t):
            it.append(i)
            ie.append(j + t)
    return np.array(it), np.array(ie)

def teammate_index(t):
    it, im = [], []
    for i in range(t):
        for j in range(t):
            if i == j:
                continue
            it.append(i)
            im.append(j)
    return np.array(it), np.array(im)

IT_C, IM_C = teammate_index(TEAM)
IT_E, IE_E = enemy_index(TEAM)

def setup_inputs(seed: int = 0) -> dict:
    key = jax.random.key(seed)
    ks = jax.random.split(key, 20)
    inp = {}
    inp['two_team_hero_id'] = jax.random.randint(ks[0], (B, 2 * TEAM), 0, H)
    inp['ability_tab'] = 0.1 * jax.random.normal(ks[1], (H, 1), dtype=jnp.float32)
    inp['coop_tab'] = 0.1 * jax.random.normal(ks[2], (H, D), dtype=jnp.float32)
    inp['coop_W1'] = 0.1 * jax.random.normal(ks[3], (50, D), dtype=jnp.float32)
    inp['coop_b1'] = 0.01 * jax.random.normal(ks[4], (50,), dtype=jnp.float32)
    inp['coop_W2'] = 0.1 * jax.random.normal(ks[5], (1, 50), dtype=jnp.float32)
    inp['coop_b2'] = 0.01 * jax.random.normal(ks[6], (1,), dtype=jnp.float32)
    inp['coop_attW'] = 0.1 * jax.random.normal(ks[7], (D, D), dtype=jnp.float32)
    inp['coop_attb'] = 0.01 * jax.random.normal(ks[8], (D,), dtype=jnp.float32)
    inp['st_tab'] = 0.1 * jax.random.normal(ks[9], (H, D), dtype=jnp.float32)
    inp['wk_tab'] = 0.1 * jax.random.normal(ks[10], (H, D), dtype=jnp.float32)
    inp['comp_W1'] = 0.1 * jax.random.normal(ks[11], (50, D), dtype=jnp.float32)
    inp['comp_b1'] = 0.01 * jax.random.normal(ks[12], (50,), dtype=jnp.float32)
    inp['comp_W2'] = 0.1 * jax.random.normal(ks[13], (1, 50), dtype=jnp.float32)
    inp['comp_b2'] = 0.01 * jax.random.normal(ks[14], (1,), dtype=jnp.float32)
    inp['comp_attW'] = 0.1 * jax.random.normal(ks[15], (D, D), dtype=jnp.float32)
    inp['comp_attb'] = 0.01 * jax.random.normal(ks[16], (D,), dtype=jnp.float32)
    return inp

def reference(two_team_hero_id, ability_tab, coop_tab, coop_W1, coop_b1, coop_W2, coop_b2, coop_attW, coop_attb, st_tab, wk_tab, comp_W1, comp_b1, comp_W2, comp_b2, comp_attW, comp_attb):
    def mlp(x, W1, b1, W2, b2):
        h = jax.nn.relu(x @ W1.T + b1)
        return jax.nn.relu(h @ W2.T + b2)

    def attention(A, Bt, l1, l2, W, b):
        A = A.reshape(-1, l1, l2, D)
        Bt = Bt.reshape(-1, l1, l2, D)
        w = ((A @ W.T + b) * Bt).sum(axis=3)
        w = jax.nn.softmax(w, axis=2)
        return w.reshape(-1, l1 * l2)

    def coop(team_ids):
        t = coop_tab[team_ids[:, IT_C]]
        m = coop_tab[team_ids[:, IM_C]]
        eff = mlp(t * m, coop_W1, coop_b1, coop_W2, coop_b2)[..., 0]
        eff = eff * attention(t, m, TEAM, TEAM - 1, coop_attW, coop_attb)
        return eff.sum(axis=1, keepdims=True)

    def comp(two_ids):
        a = st_tab[two_ids[:, IT_E]]
        b = wk_tab[two_ids[:, IE_E]]
        eff = mlp(a * b, comp_W1, comp_b1, comp_W2, comp_b2)[..., 0]
        eff = eff * attention(a, b, TEAM, TEAM, comp_attW, comp_attb)
        return eff.sum(axis=1, keepdims=True)

    A_ids = two_team_hero_id[:, :TEAM]
    B_ids = two_team_hero_id[:, TEAM:]
    n = two_team_hero_id.shape[0]
    A_ab = ability_tab[A_ids].reshape(n, -1).sum(axis=1, keepdims=True)
    B_ab = ability_tab[B_ids].reshape(n, -1).sum(axis=1, keepdims=True)
    Sa = A_ab + coop(A_ids) + comp(two_team_hero_id)
    Sb = B_ab + coop(B_ids) + comp(jnp.concatenate([B_ids, A_ids], axis=1))
    return jax.nn.sigmoid(Sa - Sb).reshape(-1)

if __name__ == "__main__":
    import jax
    _d = setup_inputs()
    print(jax.jit(kernel)(*tuple(_d.values())))

</pallas_src>

<mosaic_0001>
#map = affine_map<(d0, d1) -> (0)>
#map1 = affine_map<(d0, d1) -> (0, 0)>
module attributes {stable_mosaic.version = 14 : i64} {
  func.func @body(%arg0: i32, %arg1: i32, %arg2: memref<40960xi32, #tpu.memory_space<hbm>>, %arg3: memref<100000x32xf32, #tpu.memory_space<hbm>>, %arg4: memref<100000x32xf32, #tpu.memory_space<hbm>>, %arg5: memref<100000x32xf32, #tpu.memory_space<hbm>>, %arg6: memref<100000xf32, #tpu.memory_space<hbm>>, %arg7: memref<40960x96xf32, #tpu.memory_space<hbm>>, %arg8: memref<40960xf32, #tpu.memory_space<hbm>>, %arg9: memref<1280xi32, #tpu.memory_space<vmem>>, %arg10: memref<1280x32xf32, #tpu.memory_space<vmem>>, %arg11: memref<1280x32xf32, #tpu.memory_space<vmem>>, %arg12: memref<1280x32xf32, #tpu.memory_space<vmem>>, %arg13: memref<1280xf32, #tpu.memory_space<vmem>>, %arg14: memref<!tpu.dma_semaphore, #tpu.memory_space<semaphore_mem>>) attributes {dimension_semantics = [#tpu.dimension_semantics<core_parallel>, #tpu.dimension_semantics<subcore_parallel>], iteration_bounds = array<i64: 2, 16>, scalar_prefetch = 0 : i64, scratch_operands = 6 : i64, tpu.core_type = #tpu.core_type<sc_vector_subcore>, window_params = [{transform_indices = #map}, {transform_indices = #map1}, {transform_indices = #map1}, {transform_indices = #map1}, {transform_indices = #map}, {transform_indices = #map1}, {transform_indices = #map}]} {
    %mul3A = arith.constant 2 : i32
    %mul3A_0 = arith.muli %arg1, %mul3A : i32
    %add3A = arith.addi %mul3A_0, %arg0 : i32
    %mul3A_1 = arith.constant 1280 : i32
    %mul3A_2 = arith.muli %add3A, %mul3A_1 : i32
    "tpu.region"() ({
      %run_scoped3A = tpu.sem_alloc : memref<!tpu.dma_semaphore, #tpu.memory_space<semaphore_mem>>
      %dma_start3A = tpu.memref_slice %arg2[%mul3A_2] : memref<40960xi32, #tpu.memory_space<hbm>> -> memref<1280xi32, #tpu.memory_space<hbm>>
      %dma_start3A_8 = tpu.memref_slice %arg2[%mul3A_2] : memref<40960xi32, #tpu.memory_space<hbm>> -> memref<1280xi32, #tpu.memory_space<hbm>>
      tpu.enqueue_dma source(%dma_start3A_8 : memref<1280xi32, #tpu.memory_space<hbm>>) target(%arg9 : memref<1280xi32, #tpu.memory_space<vmem>>) target_semaphore(%run_scoped3A : memref<!tpu.dma_semaphore, #tpu.memory_space<semaphore_mem>>)
      %dma_wait3A = tpu.memref_slice %arg2[%mul3A_2] : memref<40960xi32, #tpu.memory_space<hbm>> -> memref<1280xi32, #tpu.memory_space<hbm>>
      %dma_wait3A_9 = tpu.memref_slice %arg2[%mul3A_2] : memref<40960xi32, #tpu.memory_space<hbm>> -> memref<1280xi32, #tpu.memory_space<hbm>>
      tpu.wait_dma2 semaphore(%run_scoped3A : memref<!tpu.dma_semaphore, #tpu.memory_space<semaphore_mem>>) src(%dma_wait3A_9 : memref<1280xi32, #tpu.memory_space<hbm>>) dst(%arg9 : memref<1280xi32, #tpu.memory_space<vmem>>)
      tpu.yield
    }) : () -> ()
    %scan3A = arith.constant 0 : i32
    %scan3A_3 = arith.constant 0 : i32
    %scan3A_4 = arith.constant 10 : i32
    %scan3A_5 = arith.addi %scan3A_3, %scan3A_4 : i32
    %scan3A_6 = arith.constant 1 : i32
    scf.for %scan3A_8 = %scan3A_3 to %scan3A_5 step %scan3A_6  : i32 {
      %mul3A_9 = arith.constant 128 : i32
      %mul3A_10 = arith.muli %scan3A_8, %mul3A_9 : i32
      %dma_start3A = arith.constant 0 : i32
      %dma_start3A_11 = tpu.memref_slice %arg10[%mul3A_10, %dma_start3A] : memref<1280x32xf32, #tpu.memory_space<vmem>> -> memref<128x32xf32, #tpu.memory_space<vmem>>
      %dma_start3A_12 = tpu.memref_slice %arg9[%mul3A_10] : memref<1280xi32, #tpu.memory_space<vmem>> -> memref<128xi32, #tpu.memory_space<vmem>>
      %dma_start3A_13 = arith.constant 0 : i32
      %dma_start3A_14 = arith.constant 0 : i32
      %dma_start3A_15 = tpu.memref_slice %arg3[%dma_start3A_13, %dma_start3A_14] : memref<100000x32xf32, #tpu.memory_space<hbm>> -> memref<100000x32xf32, #tpu.memory_space<hbm>>
      tpu.enqueue_indirect_dma source(%dma_start3A_15 : memref<100000x32xf32, #tpu.memory_space<hbm>>) target(%dma_start3A_11 : memref<128x32xf32, #tpu.memory_space<vmem>>) offsets(%dma_start3A_12 : memref<128xi32, #tpu.memory_space<vmem>>) semaphore(%arg14 : memref<!tpu.dma_semaphore, #tpu.memory_space<semaphore_mem>>)
      %dma_start3A_16 = arith.constant 0 : i32
      %dma_start3A_17 = tpu.memref_slice %arg11[%mul3A_10, %dma_start3A_16] : memref<1280x32xf32, #tpu.memory_space<vmem>> -> memref<128x32xf32, #tpu.memory_space<vmem>>
      %dma_start3A_18 = tpu.memref_slice %arg9[%mul3A_10] : memref<1280xi32, #tpu.memory_space<vmem>> -> memref<128xi32, #tpu.memory_space<vmem>>
      %dma_start3A_19 = arith.constant 0 : i32
      %dma_start3A_20 = arith.constant 0 : i32
      %dma_start3A_21 = tpu.memref_slice %arg4[%dma_start3A_19, %dma_start3A_20] : memref<100000x32xf32, #tpu.memory_space<hbm>> -> memref<100000x32xf32, #tpu.memory_space<hbm>>
      tpu.enqueue_indirect_dma source(%dma_start3A_21 : memref<100000x32xf32, #tpu.memory_space<hbm>>) target(%dma_start3A_17 : memref<128x32xf32, #tpu.memory_space<vmem>>) offsets(%dma_start3A_18 : memref<128xi32, #tpu.memory_space<vmem>>) semaphore(%arg14 : memref<!tpu.dma_semaphore, #tpu.memory_space<semaphore_mem>>)
      %dma_start3A_22 = arith.constant 0 : i32
      %dma_start3A_23 = tpu.memref_slice %arg12[%mul3A_10, %dma_start3A_22] : memref<1280x32xf32, #tpu.memory_space<vmem>> -> memref<128x32xf32, #tpu.memory_space<vmem>>
      %dma_start3A_24 = tpu.memref_slice %arg9[%mul3A_10] : memref<1280xi32, #tpu.memory_space<vmem>> -> memref<128xi32, #tpu.memory_space<vmem>>
      %dma_start3A_25 = arith.constant 0 : i32
      %dma_start3A_26 = arith.constant 0 : i32
      %dma_start3A_27 = tpu.memref_slice %arg5[%dma_start3A_25, %dma_start3A_26] : memref<100000x32xf32, #tpu.memory_space<hbm>> -> memref<100000x32xf32, #tpu.memory_space<hbm>>
      tpu.enqueue_indirect_dma source(%dma_start3A_27 : memref<100000x32xf32, #tpu.memory_space<hbm>>) target(%dma_start3A_23 : memref<128x32xf32, #tpu.memory_space<vmem>>) offsets(%dma_start3A_24 : memref<128xi32, #tpu.memory_space<vmem>>) semaphore(%arg14 : memref<!tpu.dma_semaphore, #tpu.memory_space<semaphore_mem>>)
      %dma_start3A_28 = tpu.memref_slice %arg13[%mul3A_10] : memref<1280xf32, #tpu.memory_space<vmem>> -> memref<128xf32, #tpu.memory_space<vmem>>
      %dma_start3A_29 = tpu.memref_slice %arg9[%mul3A_10] : memref<1280xi32, #tpu.memory_space<vmem>> -> memref<128xi32, #tpu.memory_space<vmem>>
      %dma_start3A_30 = arith.constant 0 : i32
      %dma_start3A_31 = tpu.memref_slice %arg6[%dma_start3A_30] : memref<100000xf32, #tpu.memory_space<hbm>> -> memref<100000xf32, #tpu.memory_space<hbm>>
      tpu.enqueue_indirect_dma source(%dma_start3A_31 : memref<100000xf32, #tpu.memory_space<hbm>>) target(%dma_start3A_28 : memref<128xf32, #tpu.memory_space<vmem>>) offsets(%dma_start3A_29 : memref<128xi32, #tpu.memory_space<vmem>>) semaphore(%arg14 : memref<!tpu.dma_semaphore, #tpu.memory_space<semaphore_mem>>)
      %dma_wait3A = arith.constant 0 : i32
      %dma_wait3A_32 = tpu.memref_slice %arg10[%mul3A_10, %dma_wait3A] : memref<1280x32xf32, #tpu.memory_space<vmem>> -> memref<128x32xf32, #tpu.memory_space<vmem>>
      %dma_wait3A_33 = tpu.memref_slice %arg9[%mul3A_10] : memref<1280xi32, #tpu.memory_space<vmem>> -> memref<128xi32, #tpu.memory_space<vmem>>
      %dma_wait3A_34 = arith.constant 0 : i32
      %dma_wait3A_35 = arith.constant 0 : i32
      %dma_wait3A_36 = tpu.memref_slice %arg3[%dma_wait3A_34, %dma_wait3A_35] : memref<100000x32xf32, #tpu.memory_space<hbm>> -> memref<100000x32xf32, #tpu.memory_space<hbm>>
      tpu.wait_indirect_dma semaphore(%arg14 : memref<!tpu.dma_semaphore, #tpu.memory_space<semaphore_mem>>) src(%dma_wait3A_36 : memref<100000x32xf32, #tpu.memory_space<hbm>>) dst(%dma_wait3A_32 : memref<128x32xf32, #tpu.memory_space<vmem>>)
      %dma_wait3A_37 = arith.constant 0 : i32
      %dma_wait3A_38 = tpu.memref_slice %arg11[%mul3A_10, %dma_wait3A_37] : memref<1280x32xf32, #tpu.memory_space<vmem>> -> memref<128x32xf32, #tpu.memory_space<vmem>>
      %dma_wait3A_39 = tpu.memref_slice %arg9[%mul3A_10] : memref<1280xi32, #tpu.memory_space<vmem>> -> memref<128xi32, #tpu.memory_space<vmem>>
      %dma_wait3A_40 = arith.constant 0 : i32
      %dma_wait3A_41 = arith.constant 0 : i32
      %dma_wait3A_42 = tpu.memref_slice %arg4[%dma_wait3A_40, %dma_wait3A_41] : memref<100000x32xf32, #tpu.memory_space<hbm>> -> memref<100000x32xf32, #tpu.memory_space<hbm>>
      tpu.wait_indirect_dma semaphore(%arg14 : memref<!tpu.dma_semaphore, #tpu.memory_space<semaphore_mem>>) src(%dma_wait3A_42 : memref<100000x32xf32, #tpu.memory_space<hbm>>) dst(%dma_wait3A_38 : memref<128x32xf32, #tpu.memory_space<vmem>>)
      %dma_wait3A_43 = arith.constant 0 : i32
      %dma_wait3A_44 = tpu.memref_slice %arg12[%mul3A_10, %dma_wait3A_43] : memref<1280x32xf32, #tpu.memory_space<vmem>> -> memref<128x32xf32, #tpu.memory_space<vmem>>
      %dma_wait3A_45 = tpu.memref_slice %arg9[%mul3A_10] : memref<1280xi32, #tpu.memory_space<vmem>> -> memref<128xi32, #tpu.memory_space<vmem>>
      %dma_wait3A_46 = arith.constant 0 : i32
      %dma_wait3A_47 = arith.constant 0 : i32
      %dma_wait3A_48 = tpu.memref_slice %arg5[%dma_wait3A_46, %dma_wait3A_47] : memref<100000x32xf32, #tpu.memory_space<hbm>> -> memref<100000x32xf32, #tpu.memory_space<hbm>>
      tpu.wait_indirect_dma semaphore(%arg14 : memref<!tpu.dma_semaphore, #tpu.memory_space<semaphore_mem>>) src(%dma_wait3A_48 : memref<100000x32xf32, #tpu.memory_space<hbm>>) dst(%dma_wait3A_44 : memref<128x32xf32, #tpu.memory_space<vmem>>)
      %dma_wait3A_49 = tpu.memref_slice %arg13[%mul3A_10] : memref<1280xf32, #tpu.memory_space<vmem>> -> memref<128xf32, #tpu.memory_space<vmem>>
      %dma_wait3A_50 = tpu.memref_slice %arg9[%mul3A_10] : memref<1280xi32, #tpu.memory_space<vmem>> -> memref<128xi32, #tpu.memory_space<vmem>>
      %dma_wait3A_51 = arith.constant 0 : i32
      %dma_wait3A_52 = tpu.memref_slice %arg6[%dma_wait3A_51] : memref<100000xf32, #tpu.memory_space<hbm>> -> memref<100000xf32, #tpu.memory_space<hbm>>
      tpu.wait_indirect_dma semaphore(%arg14 : memref<!tpu.dma_semaphore, #tpu.memory_space<semaphore_mem>>) src(%dma_wait3A_52 : memref<100000xf32, #tpu.memory_space<hbm>>) dst(%dma_wait3A_49 : memref<128xf32, #tpu.memory_space<vmem>>)
    }
    %scan3A_7 = arith.constant 10 : i32
    "tpu.region"() ({
      %run_scoped3A = tpu.sem_alloc : memref<!tpu.dma_semaphore, #tpu.memory_space<semaphore_mem>>
      %dma_start3A = arith.constant 0 : i32
      %dma_start3A_8 = tpu.memref_slice %arg7[%mul3A_2, %dma_start3A] : memref<40960x96xf32, #tpu.memory_space<hbm>> -> memref<1280x96xf32, #tpu.memory_space<hbm>>
      %dma_start3A_9 = arith.constant 0 : i32
      %dma_start3A_10 = arith.constant 0 : i32
      %dma_start3A_11 = tpu.memref_slice %dma_start3A_8[%dma_start3A_9, %dma_start3A_10] : memref<1280x96xf32, #tpu.memory_space<hbm>> -> memref<1280x32xf32, #tpu.memory_space<hbm>>
      %dma_start3A_12 = arith.constant 0 : i32
      %dma_start3A_13 = tpu.memref_slice %arg7[%mul3A_2, %dma_start3A_12] : memref<40960x96xf32, #tpu.memory_space<hbm>> -> memref<1280x96xf32, #tpu.memory_space<hbm>>
      %dma_start3A_14 = arith.constant 0 : i32
      %dma_start3A_15 = arith.constant 0 : i32
      %dma_start3A_16 = tpu.memref_slice %dma_start3A_13[%dma_start3A_14, %dma_start3A_15] : memref<1280x96xf32, #tpu.memory_space<hbm>> -> memref<1280x32xf32, #tpu.memory_space<hbm>>
      tpu.enqueue_dma source(%arg10 : memref<1280x32xf32, #tpu.memory_space<vmem>>) target(%dma_start3A_16 : memref<1280x32xf32, #tpu.memory_space<hbm>>) target_semaphore(%run_scoped3A : memref<!tpu.dma_semaphore, #tpu.memory_space<semaphore_mem>>)
      %dma_wait3A = arith.constant 0 : i32
      %dma_wait3A_17 = tpu.memref_slice %arg7[%mul3A_2, %dma_wait3A] : memref<40960x96xf32, #tpu.memory_space<hbm>> -> memref<1280x96xf32, #tpu.memory_space<hbm>>
      %dma_wait3A_18 = arith.constant 0 : i32
      %dma_wait3A_19 = arith.constant 0 : i32
      %dma_wait3A_20 = tpu.memref_slice %dma_wait3A_17[%dma_wait3A_18, %dma_wait3A_19] : memref<1280x96xf32, #tpu.memory_space<hbm>> -> memref<1280x32xf32, #tpu.memory_space<hbm>>
      %dma_wait3A_21 = arith.constant 0 : i32
      %dma_wait3A_22 = tpu.memref_slice %arg7[%mul3A_2, %dma_wait3A_21] : memref<40960x96xf32, #tpu.memory_space<hbm>> -> memref<1280x96xf32, #tpu.memory_space<hbm>>
      %dma_wait3A_23 = arith.constant 0 : i32
      %dma_wait3A_24 = arith.constant 0 : i32
      %dma_wait3A_25 = tpu.memref_slice %dma_wait3A_22[%dma_wait3A_23, %dma_wait3A_24] : memref<1280x96xf32, #tpu.memory_space<hbm>> -> memref<1280x32xf32, #tpu.memory_space<hbm>>
      tpu.wait_dma2 semaphore(%run_scoped3A : memref<!tpu.dma_semaphore, #tpu.memory_space<semaphore_mem>>) src(%arg10 : memref<1280x32xf32, #tpu.memory_space<vmem>>) dst(%dma_wait3A_25 : memref<1280x32xf32, #tpu.memory_space<hbm>>)
      tpu.yield
    }) : () -> ()
    "tpu.region"() ({
      %run_scoped3A = tpu.sem_alloc : memref<!tpu.dma_semaphore, #tpu.memory_space<semaphore_mem>>
      %dma_start3A = arith.constant 0 : i32
      %dma_start3A_8 = tpu.memref_slice %arg7[%mul3A_2, %dma_start3A] : memref<40960x96xf32, #tpu.memory_space<hbm>> -> memref<1280x96xf32, #tpu.memory_space<hbm>>
      %dma_start3A_9 = arith.constant 0 : i32
      %dma_start3A_10 = arith.constant 32 : i32
      %dma_start3A_11 = tpu.memref_slice %dma_start3A_8[%dma_start3A_9, %dma_start3A_10] : memref<1280x96xf32, #tpu.memory_space<hbm>> -> memref<1280x32xf32, #tpu.memory_space<hbm>>
      %dma_start3A_12 = arith.constant 0 : i32
      %dma_start3A_13 = tpu.memref_slice %arg7[%mul3A_2, %dma_start3A_12] : memref<40960x96xf32, #tpu.memory_space<hbm>> -> memref<1280x96xf32, #tpu.memory_space<hbm>>
      %dma_start3A_14 = arith.constant 0 : i32
      %dma_start3A_15 = arith.constant 32 : i32
      %dma_start3A_16 = tpu.memref_slice %dma_start3A_13[%dma_start3A_14, %dma_start3A_15] : memref<1280x96xf32, #tpu.memory_space<hbm>> -> memref<1280x32xf32, #tpu.memory_space<hbm>>
      tpu.enqueue_dma source(%arg11 : memref<1280x32xf32, #tpu.memory_space<vmem>>) target(%dma_start3A_16 : memref<1280x32xf32, #tpu.memory_space<hbm>>) target_semaphore(%run_scoped3A : memref<!tpu.dma_semaphore, #tpu.memory_space<semaphore_mem>>)
      %dma_wait3A = arith.constant 0 : i32
      %dma_wait3A_17 = tpu.memref_slice %arg7[%mul3A_2, %dma_wait3A] : memref<40960x96xf32, #tpu.memory_space<hbm>> -> memref<1280x96xf32, #tpu.memory_space<hbm>>
      %dma_wait3A_18 = arith.constant 0 : i32
      %dma_wait3A_19 = arith.constant 32 : i32
      %dma_wait3A_20 = tpu.memref_slice %dma_wait3A_17[%dma_wait3A_18, %dma_wait3A_19] : memref<1280x96xf32, #tpu.memory_space<hbm>> -> memref<1280x32xf32, #tpu.memory_space<hbm>>
      %dma_wait3A_21 = arith.constant 0 : i32
      %dma_wait3A_22 = tpu.memref_slice %arg7[%mul3A_2, %dma_wait3A_21] : memref<40960x96xf32, #tpu.memory_space<hbm>> -> memref<1280x96xf32, #tpu.memory_space<hbm>>
      %dma_wait3A_23 = arith.constant 0 : i32
      %dma_wait3A_24 = arith.constant 32 : i32
      %dma_wait3A_25 = tpu.memref_slice %dma_wait3A_22[%dma_wait3A_23, %dma_wait3A_24] : memref<1280x96xf32, #tpu.memory_space<hbm>> -> memref<1280x32xf32, #tpu.memory_space<hbm>>
      tpu.wait_dma2 semaphore(%run_scoped3A : memref<!tpu.dma_semaphore, #tpu.memory_space<semaphore_mem>>) src(%arg11 : memref<1280x32xf32, #tpu.memory_space<vmem>>) dst(%dma_wait3A_25 : memref<1280x32xf32, #tpu.memory_space<hbm>>)
      tpu.yield
    }) : () -> ()
    "tpu.region"() ({
      %run_scoped3A = tpu.sem_alloc : memref<!tpu.dma_semaphore, #tpu.memory_space<semaphore_mem>>
      %dma_start3A = arith.constant 0 : i32
      %dma_start3A_8 = tpu.memref_slice %arg7[%mul3A_2, %dma_start3A] : memref<40960x96xf32, #tpu.memory_space<hbm>> -> memref<1280x96xf32, #tpu.memory_space<hbm>>
      %dma_start3A_9 = arith.constant 0 : i32
      %dma_start3A_10 = arith.constant 64 : i32
      %dma_start3A_11 = tpu.memref_slice %dma_start3A_8[%dma_start3A_9, %dma_start3A_10] : memref<1280x96xf32, #tpu.memory_space<hbm>> -> memref<1280x32xf32, #tpu.memory_space<hbm>>
      %dma_start3A_12 = arith.constant 0 : i32
      %dma_start3A_13 = tpu.memref_slice %arg7[%mul3A_2, %dma_start3A_12] : memref<40960x96xf32, #tpu.memory_space<hbm>> -> memref<1280x96xf32, #tpu.memory_space<hbm>>
      %dma_start3A_14 = arith.constant 0 : i32
      %dma_start3A_15 = arith.constant 64 : i32
      %dma_start3A_16 = tpu.memref_slice %dma_start3A_13[%dma_start3A_14, %dma_start3A_15] : memref<1280x96xf32, #tpu.memory_space<hbm>> -> memref<1280x32xf32, #tpu.memory_space<hbm>>
      tpu.enqueue_dma source(%arg12 : memref<1280x32xf32, #tpu.memory_space<vmem>>) target(%dma_start3A_16 : memref<1280x32xf32, #tpu.memory_space<hbm>>) target_semaphore(%run_scoped3A : memref<!tpu.dma_semaphore, #tpu.memory_space<semaphore_mem>>)
      %dma_wait3A = arith.constant 0 : i32
      %dma_wait3A_17 = tpu.memref_slice %arg7[%mul3A_2, %dma_wait3A] : memref<40960x96xf32, #tpu.memory_space<hbm>> -> memref<1280x96xf32, #tpu.memory_space<hbm>>
      %dma_wait3A_18 = arith.constant 0 : i32
      %dma_wait3A_19 = arith.constant 64 : i32
      %dma_wait3A_20 = tpu.memref_slice %dma_wait3A_17[%dma_wait3A_18, %dma_wait3A_19] : memref<1280x96xf32, #tpu.memory_space<hbm>> -> memref<1280x32xf32, #tpu.memory_space<hbm>>
      %dma_wait3A_21 = arith.constant 0 : i32
      %dma_wait3A_22 = tpu.memref_slice %arg7[%mul3A_2, %dma_wait3A_21] : memref<40960x96xf32, #tpu.memory_space<hbm>> -> memref<1280x96xf32, #tpu.memory_space<hbm>>
      %dma_wait3A_23 = arith.constant 0 : i32
      %dma_wait3A_24 = arith.constant 64 : i32
      %dma_wait3A_25 = tpu.memref_slice %dma_wait3A_22[%dma_wait3A_23, %dma_wait3A_24] : memref<1280x96xf32, #tpu.memory_space<hbm>> -> memref<1280x32xf32, #tpu.memory_space<hbm>>
      tpu.wait_dma2 semaphore(%run_scoped3A : memref<!tpu.dma_semaphore, #tpu.memory_space<semaphore_mem>>) src(%arg12 : memref<1280x32xf32, #tpu.memory_space<vmem>>) dst(%dma_wait3A_25 : memref<1280x32xf32, #tpu.memory_space<hbm>>)
      tpu.yield
    }) : () -> ()
    "tpu.region"() ({
      %run_scoped3A = tpu.sem_alloc : memref<!tpu.dma_semaphore, #tpu.memory_space<semaphore_mem>>
      %dma_start3A = tpu.memref_slice %arg8[%mul3A_2] : memref<40960xf32, #tpu.memory_space<hbm>> -> memref<1280xf32, #tpu.memory_space<hbm>>
      %dma_start3A_8 = tpu.memref_slice %arg8[%mul3A_2] : memref<40960xf32, #tpu.memory_space<hbm>> -> memref<1280xf32, #tpu.memory_space<hbm>>
      tpu.enqueue_dma source(%arg13 : memref<1280xf32, #tpu.memory_space<vmem>>) target(%dma_start3A_8 : memref<1280xf32, #tpu.memory_space<hbm>>) target_semaphore(%run_scoped3A : memref<!tpu.dma_semaphore, #tpu.memory_space<semaphore_mem>>)
      %dma_wait3A = tpu.memref_slice %arg8[%mul3A_2] : memref<40960xf32, #tpu.memory_space<hbm>> -> memref<1280xf32, #tpu.memory_space<hbm>>
      %dma_wait3A_9 = tpu.memref_slice %arg8[%mul3A_2] : memref<40960xf32, #tpu.memory_space<hbm>> -> memref<1280xf32, #tpu.memory_space<hbm>>
      tpu.wait_dma2 semaphore(%run_scoped3A : memref<!tpu.dma_semaphore, #tpu.memory_space<semaphore_mem>>) src(%arg13 : memref<1280xf32, #tpu.memory_space<vmem>>) dst(%dma_wait3A_9 : memref<1280xf32, #tpu.memory_space<hbm>>)
      tpu.yield
    }) : () -> ()
    return
  }
}

module attributes {stable_mosaic.version = 14 : i64} {
  func.func @_tc_body(%arg0: i32, %arg1: memref<512x96xf32, #tpu.memory_space<vmem>>, %arg2: memref<512x96xf32, #tpu.memory_space<vmem>>, %arg3: memref<512x96xf32, #tpu.memory_space<vmem>>, %arg4: memref<512x96xf32, #tpu.memory_space<vmem>>, %arg5: memref<512x96xf32, #tpu.memory_space<vmem>>, %arg6: memref<512x96xf32, #tpu.memory_space<vmem>>, %arg7: memref<512x96xf32, #tpu.memory_space<vmem>>, %arg8: memref<512x96xf32, #tpu.memory_space<vmem>>, %arg9: memref<512x96xf32, #tpu.memory_space<vmem>>, %arg10: memref<512x96xf32, #tpu.memory_space<vmem>>, %arg11: memref<40960xf32, #tpu.memory_space<vmem>>, %arg12: memref<50x32xf32, #tpu.memory_space<vmem>>, %arg13: memref<50x1xf32, #tpu.memory_space<vmem>>, %arg14: memref<1x50xf32, #tpu.memory_space<vmem>>, %arg15: memref<1x1xf32, #tpu.memory_space<vmem>>, %arg16: memref<32x32xf32, #tpu.memory_space<vmem>>, %arg17: memref<32x1xf32, #tpu.memory_space<vmem>>, %arg18: memref<50x32xf32, #tpu.memory_space<vmem>>, %arg19: memref<50x1xf32, #tpu.memory_space<vmem>>, %arg20: memref<1x50xf32, #tpu.memory_space<vmem>>, %arg21: memref<1x1xf32, #tpu.memory_space<vmem>>, %arg22: memref<32x32xf32, #tpu.memory_space<vmem>>, %arg23: memref<32x1xf32, #tpu.memory_space<vmem>>, %arg24: memref<512xf32, #tpu.memory_space<vmem>>) attributes {dimension_semantics = [#tpu.dimension_semantics<arbitrary>], iteration_bounds = array<i64: 8>, scalar_prefetch = 0 : i64, scratch_operands = 0 : i64, tpu.core_type = #tpu.core_type<tc>, window_params = [{transform_indices = @transform_0, window_bounds = array<i64: 512, 96>}, {transform_indices = @transform_1, window_bounds = array<i64: 512, 96>}, {transform_indices = @transform_2, window_bounds = array<i64: 512, 96>}, {transform_indices = @transform_3, window_bounds = array<i64: 512, 96>}, {transform_indices = @transform_4, window_bounds = array<i64: 512, 96>}, {transform_indices = @transform_5, window_bounds = array<i64: 512, 96>}, {transform_indices = @transform_6, window_bounds = array<i64: 512, 96>}, {transform_indices = @transform_7, window_bounds = array<i64: 512, 96>}, {transform_indices = @transform_8, window_bounds = array<i64: 512, 96>}, {transform_indices = @transform_9, window_bounds = array<i64: 512, 96>}, {pipeline_mode = #tpu.pipeline_mode<synchronous>, transform_indices = @transform_10, window_bounds = array<i64: 40960>}, {pipeline_mode = #tpu.pipeline_mode<synchronous>, transform_indices = @transform_11, window_bounds = array<i64: 50, 32>}, {pipeline_mode = #tpu.pipeline_mode<synchronous>, transform_indices = @transform_12, window_bounds = array<i64: 50, 1>}, {pipeline_mode = #tpu.pipeline_mode<synchronous>, transform_indices = @transform_13, window_bounds = array<i64: 1, 50>}, {pipeline_mode = #tpu.pipeline_mode<synchronous>, transform_indices = @transform_14, window_bounds = array<i64: 1, 1>}, {pipeline_mode = #tpu.pipeline_mode<synchronous>, transform_indices = @transform_15, window_bounds = array<i64: 32, 32>}, {pipeline_mode = #tpu.pipeline_mode<synchronous>, transform_indices = @transform_16, window_bounds = array<i64: 32, 1>}, {pipeline_mode = #tpu.pipeline_mode<synchronous>, transform_indices = @transform_17, window_bounds = array<i64: 50, 32>}, {pipeline_mode = #tpu.pipeline_mode<synchronous>, transform_indices = @transform_18, window_bounds = array<i64: 50, 1>}, {pipeline_mode = #tpu.pipeline_mode<synchronous>, transform_indices = @transform_19, window_bounds = array<i64: 1, 50>}, {pipeline_mode = #tpu.pipeline_mode<synchronous>, transform_indices = @transform_20, window_bounds = array<i64: 1, 1>}, {pipeline_mode = #tpu.pipeline_mode<synchronous>, transform_indices = @transform_21, window_bounds = array<i64: 32, 32>}, {pipeline_mode = #tpu.pipeline_mode<synchronous>, transform_indices = @transform_22, window_bounds = array<i64: 32, 1>}, {transform_indices = @transform_23, window_bounds = array<i64: 512>}]} {
    %get3A = arith.constant 0 : index
    %get3A_0 = arith.constant 0 : index
    %get3A_1 = vector.load %arg1[%get3A, %get3A_0] : memref<512x96xf32, #tpu.memory_space<vmem>>, vector<512x96xf32>
    %get3A_2 = arith.constant 0 : index
    %get3A_3 = arith.constant 0 : index
    %get3A_4 = vector.load %arg2[%get3A_2, %get3A_3] : memref<512x96xf32, #tpu.memory_space<vmem>>, vector<512x96xf32>
    %get3A_5 = arith.constant 0 : index
    %get3A_6 = arith.constant 0 : index
    %get3A_7 = vector.load %arg3[%get3A_5, %get3A_6] : memref<512x96xf32, #tpu.memory_space<vmem>>, vector<512x96xf32>
    %get3A_8 = arith.constant 0 : index
    %get3A_9 = arith.constant 0 : index
    %get3A_10 = vector.load %arg4[%get3A_8, %get3A_9] : memref<512x96xf32, #tpu.memory_space<vmem>>, vector<512x96xf32>
    %get3A_11 = arith.constant 0 : index
    %get3A_12 = arith.constant 0 : index
    %get3A_13 = vector.load %arg5[%get3A_11, %get3A_12] : memref<512x96xf32, #tpu.memory_space<vmem>>, vector<512x96xf32>
    %get3A_14 = arith.constant 0 : index
    %get3A_15 = arith.constant 0 : index
    %get3A_16 = vector.load %arg6[%get3A_14, %get3A_15] : memref<512x96xf32, #tpu.memory_space<vmem>>, vector<512x96xf32>
    %get3A_17 = arith.constant 0 : index
    %get3A_18 = arith.constant 0 : index
    %get3A_19 = vector.load %arg7[%get3A_17, %get3A_18] : memref<512x96xf32, #tpu.memory_space<vmem>>, vector<512x96xf32>
    %get3A_20 = arith.constant 0 : index
    %get3A_21 = arith.constant 0 : index
    %get3A_22 = vector.load %arg8[%get3A_20, %get3A_21] : memref<512x96xf32, #tpu.memory_space<vmem>>, vector<512x96xf32>
    %get3A_23 = arith.constant 0 : index
    %get3A_24 = arith.constant 0 : index
    %get3A_25 = vector.load %arg9[%get3A_23, %get3A_24] : memref<512x96xf32, #tpu.memory_space<vmem>>, vector<512x96xf32>
    %get3A_26 = arith.constant 0 : index
    %get3A_27 = arith.constant 0 : index
    %get3A_28 = vector.load %arg10[%get3A_26, %get3A_27] : memref<512x96xf32, #tpu.memory_space<vmem>>, vector<512x96xf32>
    %concatenate3A = tpu.concatenate %get3A_1, %get3A_4, %get3A_7, %get3A_10, %get3A_13, %get3A_16, %get3A_19, %get3A_22, %get3A_25, %get3A_28 in 0 : vector<512x96xf32>, vector<512x96xf32>, vector<512x96xf32>, vector<512x96xf32>, vector<512x96xf32>, vector<512x96xf32>, vector<512x96xf32>, vector<512x96xf32>, vector<512x96xf32>, vector<512x96xf32> -> vector<5120x96xf32>
    %transpose3A = tpu.transpose %concatenate3A, [1, 0] : vector<5120x96xf32> -> vector<96x5120xf32>
    %slice3A = vector.extract_strided_slice %transpose3A {offsets = [0, 0], sizes = [32, 512], strides = [1, 1]} : vector<96x5120xf32> to vector<32x512xf32>
    %slice3A_29 = vector.extract_strided_slice %transpose3A {offsets = [0, 512], sizes = [32, 512], strides = [1, 1]} : vector<96x5120xf32> to vector<32x512xf32>
    %slice3A_30 = vector.extract_strided_slice %transpose3A {offsets = [0, 1024], sizes = [32, 512], strides = [1, 1]} : vector<96x5120xf32> to vector<32x512xf32>
    %slice3A_31 = vector.extract_strided_slice %transpose3A {offsets = [0, 1536], sizes = [32, 512], strides = [1, 1]} : vector<96x5120xf32> to vector<32x512xf32>
    %slice3A_32 = vector.extract_strided_slice %transpose3A {offsets = [0, 2048], sizes = [32, 512], strides = [1, 1]} : vector<96x5120xf32> to vector<32x512xf32>
    %slice3A_33 = vector.extract_strided_slice %transpose3A {offsets = [0, 2560], sizes = [32, 512], strides = [1, 1]} : vector<96x5120xf32> to vector<32x512xf32>
    %slice3A_34 = vector.extract_strided_slice %transpose3A {offsets = [0, 3072], sizes = [32, 512], strides = [1, 1]} : vector<96x5120xf32> to vector<32x512xf32>
    %slice3A_35 = vector.extract_strided_slice %transpose3A {offsets = [0, 3584], sizes = [32, 512], strides = [1, 1]} : vector<96x5120xf32> to vector<32x512xf32>
    %slice3A_36 = vector.extract_strided_slice %transpose3A {offsets = [0, 4096], sizes = [32, 512], strides = [1, 1]} : vector<96x5120xf32> to vector<32x512xf32>
    %slice3A_37 = vector.extract_strided_slice %transpose3A {offsets = [0, 4608], sizes = [32, 512], strides = [1, 1]} : vector<96x5120xf32> to vector<32x512xf32>
    %slice3A_38 = vector.extract_strided_slice %transpose3A {offsets = [32, 0], sizes = [32, 512], strides = [1, 1]} : vector<96x5120xf32> to vector<32x512xf32>
    %slice3A_39 = vector.extract_strided_slice %transpose3A {offsets = [32, 512], sizes = [32, 512], strides = [1, 1]} : vector<96x5120xf32> to vector<32x512xf32>
    %slice3A_40 = vector.extract_strided_slice %transpose3A {offsets = [32, 1024], sizes = [32, 512], strides = [1, 1]} : vector<96x5120xf32> to vector<32x512xf32>
    %slice3A_41 = vector.extract_strided_slice %transpose3A {offsets = [32, 1536], sizes = [32, 512], strides = [1, 1]} : vector<96x5120xf32> to vector<32x512xf32>
    %slice3A_42 = vector.extract_strided_slice %transpose3A {offsets = [32, 2048], sizes = [32, 512], strides = [1, 1]} : vector<96x5120xf32> to vector<32x512xf32>
    %slice3A_43 = vector.extract_strided_slice %transpose3A {offsets = [32, 2560], sizes = [32, 512], strides = [1, 1]} : vector<96x5120xf32> to vector<32x512xf32>
    %slice3A_44 = vector.extract_strided_slice %transpose3A {offsets = [32, 3072], sizes = [32, 512], strides = [1, 1]} : vector<96x5120xf32> to vector<32x512xf32>
    %slice3A_45 = vector.extract_strided_slice %transpose3A {offsets = [32, 3584], sizes = [32, 512], strides = [1, 1]} : vector<96x5120xf32> to vector<32x512xf32>
    %slice3A_46 = vector.extract_strided_slice %transpose3A {offsets = [32, 4096], sizes = [32, 512], strides = [1, 1]} : vector<96x5120xf32> to vector<32x512xf32>
    %slice3A_47 = vector.extract_strided_slice %transpose3A {offsets = [32, 4608], sizes = [32, 512], strides = [1, 1]} : vector<96x5120xf32> to vector<32x512xf32>
    %slice3A_48 = vector.extract_strided_slice %transpose3A {offsets = [64, 0], sizes = [32, 512], strides = [1, 1]} : vector<96x5120xf32> to vector<32x512xf32>
    %slice3A_49 = vector.extract_strided_slice %transpose3A {offsets = [64, 512], sizes = [32, 512], strides = [1, 1]} : vector<96x5120xf32> to vector<32x512xf32>
    %slice3A_50 = vector.extract_strided_slice %transpose3A {offsets = [64, 1024], sizes = [32, 512], strides = [1, 1]} : vector<96x5120xf32> to vector<32x512xf32>
    %slice3A_51 = vector.extract_strided_slice %transpose3A {offsets = [64, 1536], sizes = [32, 512], strides = [1, 1]} : vector<96x5120xf32> to vector<32x512xf32>
    %slice3A_52 = vector.extract_strided_slice %transpose3A {offsets = [64, 2048], sizes = [32, 512], strides = [1, 1]} : vector<96x5120xf32> to vector<32x512xf32>
    %slice3A_53 = vector.extract_strided_slice %transpose3A {offsets = [64, 2560], sizes = [32, 512], strides = [1, 1]} : vector<96x5120xf32> to vector<32x512xf32>
    %slice3A_54 = vector.extract_strided_slice %transpose3A {offsets = [64, 3072], sizes = [32, 512], strides = [1, 1]} : vector<96x5120xf32> to vector<32x512xf32>
    %slice3A_55 = vector.extract_strided_slice %transpose3A {offsets = [64, 3584], sizes = [32, 512], strides = [1, 1]} : vector<96x5120xf32> to vector<32x512xf32>
    %slice3A_56 = vector.extract_strided_slice %transpose3A {offsets = [64, 4096], sizes = [32, 512], strides = [1, 1]} : vector<96x5120xf32> to vector<32x512xf32>
    %slice3A_57 = vector.extract_strided_slice %transpose3A {offsets = [64, 4608], sizes = [32, 512], strides = [1, 1]} : vector<96x5120xf32> to vector<32x512xf32>
    %mul3A = arith.constant 512 : i32
    %mul3A_58 = arith.muli %arg0, %mul3A : i32
    %add3A = arith.constant 0 : i32
    %add3A_59 = arith.addi %add3A, %mul3A_58 : i32
    %get3A_60 = arith.index_cast %add3A_59 : i32 to index
    %get3A_61 = vector.load %arg11[%get3A_60] : memref<40960xf32, #tpu.memory_space<vmem>>, vector<512xf32>
    %mul3A_62 = arith.constant 512 : i32
    %mul3A_63 = arith.muli %arg0, %mul3A_62 : i32
    %add3A_64 = arith.constant 4096 : i32
    %add3A_65 = arith.addi %add3A_64, %mul3A_63 : i32
    %get3A_66 = arith.index_cast %add3A_65 : i32 to index
    %get3A_67 = vector.load %arg11[%get3A_66] : memref<40960xf32, #tpu.memory_space<vmem>>, vector<512xf32>
    %mul3A_68 = arith.constant 512 : i32
    %mul3A_69 = arith.muli %arg0, %mul3A_68 : i32
    %add3A_70 = arith.constant 8192 : i32
    %add3A_71 = arith.addi %add3A_70, %mul3A_69 : i32
    %get3A_72 = arith.index_cast %add3A_71 : i32 to index
    %get3A_73 = vector.load %arg11[%get3A_72] : memref<40960xf32, #tpu.memory_space<vmem>>, vector<512xf32>
    %mul3A_74 = arith.constant 512 : i32
    %mul3A_75 = arith.muli %arg0, %mul3A_74 : i32
    %add3A_76 = arith.constant 12288 : i32
    %add3A_77 = arith.addi %add3A_76, %mul3A_75 : i32
    %get3A_78 = arith.index_cast %add3A_77 : i32 to index
    %get3A_79 = vector.load %arg11[%get3A_78] : memref<40960xf32, #tpu.memory_space<vmem>>, vector<512xf32>
    %mul3A_80 = arith.constant 512 : i32
    %mul3A_81 = arith.muli %arg0, %mul3A_80 : i32
    %add3A_82 = arith.constant 16384 : i32
    %add3A_83 = arith.addi %add3A_82, %mul3A_81 : i32
    %get3A_84 = arith.index_cast %add3A_83 : i32 to index
    %get3A_85 = vector.load %arg11[%get3A_84] : memref<40960xf32, #tpu.memory_space<vmem>>, vector<512xf32>
    %mul3A_86 = arith.constant 512 : i32
    %mul3A_87 = arith.muli %arg0, %mul3A_86 : i32
    %add3A_88 = arith.constant 20480 : i32
    %add3A_89 = arith.addi %add3A_88, %mul3A_87 : i32
    %get3A_90 = arith.index_cast %add3A_89 : i32 to index
    %get3A_91 = vector.load %arg11[%get3A_90] : memref<40960xf32, #tpu.memory_space<vmem>>, vector<512xf32>
    %mul3A_92 = arith.constant 512 : i32
    %mul3A_93 = arith.muli %arg0, %mul3A_92 : i32
    %add3A_94 = arith.constant 24576 : i32
    %add3A_95 = arith.addi %add3A_94, %mul3A_93 : i32
    %get3A_96 = arith.index_cast %add3A_95 : i32 to index
    %get3A_97 = vector.load %arg11[%get3A_96] : memref<40960xf32, #tpu.memory_space<vmem>>, vector<512xf32>
    %mul3A_98 = arith.constant 512 : i32
    %mul3A_99 = arith.muli %arg0, %mul3A_98 : i32
    %add3A_100 = arith.constant 28672 : i32
    %add3A_101 = arith.addi %add3A_100, %mul3A_99 : i32
    %get3A_102 = arith.index_cast %add3A_101 : i32 to index
    %get3A_103 = vector.load %arg11[%get3A_102] : memref<40960xf32, #tpu.memory_space<vmem>>, vector<512xf32>
    %mul3A_104 = arith.constant 512 : i32
    %mul3A_105 = arith.muli %arg0, %mul3A_104 : i32
    %add3A_106 = arith.constant 32768 : i32
    %add3A_107 = arith.addi %add3A_106, %mul3A_105 : i32
    %get3A_108 = arith.index_cast %add3A_107 : i32 to index
    %get3A_109 = vector.load %arg11[%get3A_108] : memref<40960xf32, #tpu.memory_space<vmem>>, vector<512xf32>
    %mul3A_110 = arith.constant 512 : i32
    %mul3A_111 = arith.muli %arg0, %mul3A_110 : i32
    %add3A_112 = arith.constant 36864 : i32
    %add3A_113 = arith.addi %add3A_112, %mul3A_111 : i32
    %get3A_114 = arith.index_cast %add3A_113 : i32 to index
    %get3A_115 = vector.load %arg11[%get3A_114] : memref<40960xf32, #tpu.memory_space<vmem>>, vector<512xf32>
    %get3A_116 = arith.constant 0 : index
    %get3A_117 = arith.constant 0 : index
    %get3A_118 = vector.load %arg12[%get3A_116, %get3A_117] : memref<50x32xf32, #tpu.memory_space<vmem>>, vector<50x32xf32>
    %get3A_119 = arith.constant 0 : index
    %get3A_120 = arith.constant 0 : index
    %get3A_121 = vector.load %arg13[%get3A_119, %get3A_120] : memref<50x1xf32, #tpu.memory_space<vmem>>, vector<50x1xf32>
    %get3A_122 = arith.constant 0 : index
    %get3A_123 = arith.constant 0 : index
    %get3A_124 = vector.load %arg14[%get3A_122, %get3A_123] : memref<1x50xf32, #tpu.memory_space<vmem>>, vector<1x50xf32>
    %get3A_125 = arith.constant 0 : index
    %get3A_126 = arith.constant 0 : index
    %get3A_127 = vector.load %arg15[%get3A_125, %get3A_126] : memref<1x1xf32, #tpu.memory_space<vmem>>, vector<1x1xf32>
    %get3A_128 = arith.constant 0 : index
    %get3A_129 = arith.constant 0 : index
    %get3A_130 = vector.load %arg16[%get3A_128, %get3A_129] : memref<32x32xf32, #tpu.memory_space<vmem>>, vector<32x32xf32>
    %get3A_131 = arith.constant 0 : index
    %get3A_132 = arith.constant 0 : index
    %get3A_133 = vector.load %arg17[%get3A_131, %get3A_132] : memref<32x1xf32, #tpu.memory_space<vmem>>, vector<32x1xf32>
    %get3A_134 = arith.constant 0 : index
    %get3A_135 = arith.constant 0 : index
    %get3A_136 = vector.load %arg18[%get3A_134, %get3A_135] : memref<50x32xf32, #tpu.memory_space<vmem>>, vector<50x32xf32>
    %get3A_137 = arith.constant 0 : index
    %get3A_138 = arith.constant 0 : index
    %get3A_139 = vector.load %arg19[%get3A_137, %get3A_138] : memref<50x1xf32, #tpu.memory_space<vmem>>, vector<50x1xf32>
    %get3A_140 = arith.constant 0 : index
    %get3A_141 = arith.constant 0 : index
    %get3A_142 = vector.load %arg20[%get3A_140, %get3A_141] : memref<1x50xf32, #tpu.memory_space<vmem>>, vector<1x50xf32>
    %get3A_143 = arith.constant 0 : index
    %get3A_144 = arith.constant 0 : index
    %get3A_145 = vector.load %arg21[%get3A_143, %get3A_144] : memref<1x1xf32, #tpu.memory_space<vmem>>, vector<1x1xf32>
    %get3A_146 = arith.constant 0 : index
    %get3A_147 = arith.constant 0 : index
    %get3A_148 = vector.load %arg22[%get3A_146, %get3A_147] : memref<32x32xf32, #tpu.memory_space<vmem>>, vector<32x32xf32>
    %get3A_149 = arith.constant 0 : index
    %get3A_150 = arith.constant 0 : index
    %get3A_151 = vector.load %arg23[%get3A_149, %get3A_150] : memref<32x1xf32, #tpu.memory_space<vmem>>, vector<32x1xf32>
    %add3A_152 = arith.addf %get3A_61, %get3A_67 : vector<512xf32>
    %add3A_153 = arith.addf %add3A_152, %get3A_73 : vector<512xf32>
    %add3A_154 = arith.addf %add3A_153, %get3A_79 : vector<512xf32>
    %add3A_155 = arith.addf %add3A_154, %get3A_85 : vector<512xf32>
    %reshape3A = vector.shape_cast %add3A_155 : vector<512xf32> to vector<1x512xf32>
    %add3A_156 = arith.addf %get3A_91, %get3A_97 : vector<512xf32>
    %add3A_157 = arith.addf %add3A_156, %get3A_103 : vector<512xf32>
    %add3A_158 = arith.addf %add3A_157, %get3A_109 : vector<512xf32>
    %add3A_159 = arith.addf %add3A_158, %get3A_115 : vector<512xf32>
    %reshape3A_160 = vector.shape_cast %add3A_159 : vector<512xf32> to vector<1x512xf32>
    %dot_general3A = arith.constant dense<0.000000e+00> : vector<32x512xf32>
    %dot_general3A_161 = tpu.matmul %get3A_130, %slice3A, %dot_general3A {dimension_numbers = #tpu.dot_dimension_numbers<[1], [0], [0], [1], [0, 0, 1, 1], [], []>, transpose_lhs_hint = false} : vector<32x32xf32>, vector<32x512xf32>, vector<32x512xf32> -> vector<32x512xf32>
    %add3A_162 = vector.broadcast %get3A_133 : vector<32x1xf32> to vector<32x512xf32>
    %add3A_163 = arith.addf %dot_general3A_161, %add3A_162 : vector<32x512xf32>
    %dot_general3A_164 = arith.constant dense<0.000000e+00> : vector<32x512xf32>
    %dot_general3A_165 = tpu.matmul %get3A_130, %slice3A_29, %dot_general3A_164 {dimension_numbers = #tpu.dot_dimension_numbers<[1], [0], [0], [1], [0, 0, 1, 1], [], []>, transpose_lhs_hint = false} : vector<32x32xf32>, vector<32x512xf32>, vector<32x512xf32> -> vector<32x512xf32>
    %add3A_166 = vector.broadcast %get3A_133 : vector<32x1xf32> to vector<32x512xf32>
    %add3A_167 = arith.addf %dot_general3A_165, %add3A_166 : vector<32x512xf32>
    %dot_general3A_168 = arith.constant dense<0.000000e+00> : vector<32x512xf32>
    %dot_general3A_169 = tpu.matmul %get3A_130, %slice3A_30, %dot_general3A_168 {dimension_numbers = #tpu.dot_dimension_numbers<[1], [0], [0], [1], [0, 0, 1, 1], [], []>, transpose_lhs_hint = false} : vector<32x32xf32>, vector<32x512xf32>, vector<32x512xf32> -> vector<32x512xf32>
    %add3A_170 = vector.broadcast %get3A_133 : vector<32x1xf32> to vector<32x512xf32>
    %add3A_171 = arith.addf %dot_general3A_169, %add3A_170 : vector<32x512xf32>
    %dot_general3A_172 = arith.constant dense<0.000000e+00> : vector<32x512xf32>
    %dot_general3A_173 = tpu.matmul %get3A_130, %slice3A_31, %dot_general3A_172 {dimension_numbers = #tpu.dot_dimension_numbers<[1], [0], [0], [1], [0, 0, 1, 1], [], []>, transpose_lhs_hint = false} : vector<32x32xf32>, vector<32x512xf32>, vector<32x512xf32> -> vector<32x512xf32>
    %add3A_174 = vector.broadcast %get3A_133 : vector<32x1xf32> to vector<32x512xf32>
    %add3A_175 = arith.addf %dot_general3A_173, %add3A_174 : vector<32x512xf32>
    %dot_general3A_176 = arith.constant dense<0.000000e+00> : vector<32x512xf32>
    %dot_general3A_177 = tpu.matmul %get3A_130, %slice3A_32, %dot_general3A_176 {dimension_numbers = #tpu.dot_dimension_numbers<[1], [0], [0], [1], [0, 0, 1, 1], [], []>, transpose_lhs_hint = false} : vector<32x32xf32>, vector<32x512xf32>, vector<32x512xf32> -> vector<32x512xf32>
    %add3A_178 = vector.broadcast %get3A_133 : vector<32x1xf32> to vector<32x512xf32>
    %add3A_179 = arith.addf %dot_general3A_177, %add3A_178 : vector<32x512xf32>
    %mul3A_180 = arith.mulf %slice3A, %slice3A : vector<32x512xf32>
    %mul3A_181 = arith.mulf %add3A_163, %slice3A : vector<32x512xf32>
    %mul3A_182 = arith.mulf %slice3A, %slice3A_29 : vector<32x512xf32>
    %mul3A_183 = arith.mulf %add3A_163, %slice3A_29 : vector<32x512xf32>
    %mul3A_184 = arith.mulf %slice3A, %slice3A_30 : vector<32x512xf32>
    %mul3A_185 = arith.mulf %add3A_163, %slice3A_30 : vector<32x512xf32>
    %mul3A_186 = arith.mulf %slice3A, %slice3A_31 : vector<32x512xf32>
    %mul3A_187 = arith.mulf %add3A_163, %slice3A_31 : vector<32x512xf32>
    %mul3A_188 = arith.mulf %slice3A, %slice3A_32 : vector<32x512xf32>
    %mul3A_189 = arith.mulf %add3A_163, %slice3A_32 : vector<32x512xf32>
    %mul3A_190 = arith.mulf %slice3A_29, %slice3A : vector<32x512xf32>
    %mul3A_191 = arith.mulf %add3A_167, %slice3A : vector<32x512xf32>
    %mul3A_192 = arith.mulf %slice3A_29, %slice3A_29 : vector<32x512xf32>
    %mul3A_193 = arith.mulf %add3A_167, %slice3A_29 : vector<32x512xf32>
    %mul3A_194 = arith.mulf %slice3A_29, %slice3A_30 : vector<32x512xf32>
    %mul3A_195 = arith.mulf %add3A_167, %slice3A_30 : vector<32x512xf32>
    %mul3A_196 = arith.mulf %slice3A_29, %slice3A_31 : vector<32x512xf32>
    %mul3A_197 = arith.mulf %add3A_167, %slice3A_31 : vector<32x512xf32>
    %mul3A_198 = arith.mulf %slice3A_29, %slice3A_32 : vector<32x512xf32>
    %mul3A_199 = arith.mulf %add3A_167, %slice3A_32 : vector<32x512xf32>
    %mul3A_200 = arith.mulf %slice3A_30, %slice3A : vector<32x512xf32>
    %mul3A_201 = arith.mulf %add3A_171, %slice3A : vector<32x512xf32>
    %mul3A_202 = arith.mulf %slice3A_30, %slice3A_29 : vector<32x512xf32>
    %mul3A_203 = arith.mulf %add3A_171, %slice3A_29 : vector<32x512xf32>
    %mul3A_204 = arith.mulf %slice3A_30, %slice3A_30 : vector<32x512xf32>
    %mul3A_205 = arith.mulf %add3A_171, %slice3A_30 : vector<32x512xf32>
    %mul3A_206 = arith.mulf %slice3A_30, %slice3A_31 : vector<32x512xf32>
    %mul3A_207 = arith.mulf %add3A_171, %slice3A_31 : vector<32x512xf32>
    %mul3A_208 = arith.mulf %slice3A_30, %slice3A_32 : vector<32x512xf32>
    %mul3A_209 = arith.mulf %add3A_171, %slice3A_32 : vector<32x512xf32>
    %mul3A_210 = arith.mulf %slice3A_31, %slice3A : vector<32x512xf32>
    %mul3A_211 = arith.mulf %add3A_175, %slice3A : vector<32x512xf32>
    %mul3A_212 = arith.mulf %slice3A_31, %slice3A_29 : vector<32x512xf32>
    %mul3A_213 = arith.mulf %add3A_175, %slice3A_29 : vector<32x512xf32>
    %mul3A_214 = arith.mulf %slice3A_31, %slice3A_30 : vector<32x512xf32>
    %mul3A_215 = arith.mulf %add3A_175, %slice3A_30 : vector<32x512xf32>
    %mul3A_216 = arith.mulf %slice3A_31, %slice3A_31 : vector<32x512xf32>
    %mul3A_217 = arith.mulf %add3A_175, %slice3A_31 : vector<32x512xf32>
    %mul3A_218 = arith.mulf %slice3A_31, %slice3A_32 : vector<32x512xf32>
    %mul3A_219 = arith.mulf %add3A_175, %slice3A_32 : vector<32x512xf32>
    %mul3A_220 = arith.mulf %slice3A_32, %slice3A : vector<32x512xf32>
    %mul3A_221 = arith.mulf %add3A_179, %slice3A : vector<32x512xf32>
    %mul3A_222 = arith.mulf %slice3A_32, %slice3A_29 : vector<32x512xf32>
    %mul3A_223 = arith.mulf %add3A_179, %slice3A_29 : vector<32x512xf32>
    %mul3A_224 = arith.mulf %slice3A_32, %slice3A_30 : vector<32x512xf32>
    %mul3A_225 = arith.mulf %add3A_179, %slice3A_30 : vector<32x512xf32>
    %mul3A_226 = arith.mulf %slice3A_32, %slice3A_31 : vector<32x512xf32>
    %mul3A_227 = arith.mulf %add3A_179, %slice3A_31 : vector<32x512xf32>
    %mul3A_228 = arith.mulf %slice3A_32, %slice3A_32 : vector<32x512xf32>
    %mul3A_229 = arith.mulf %add3A_179, %slice3A_32 : vector<32x512xf32>
    %concatenate3A_230 = tpu.concatenate %mul3A_180, %mul3A_182, %mul3A_184, %mul3A_186, %mul3A_188, %mul3A_190, %mul3A_192, %mul3A_194, %mul3A_196, %mul3A_198, %mul3A_200, %mul3A_202, %mul3A_204, %mul3A_206, %mul3A_208, %mul3A_210, %mul3A_212, %mul3A_214, %mul3A_216, %mul3A_218, %mul3A_220, %mul3A_222, %mul3A_224, %mul3A_226, %mul3A_228 in 1 : vector<32x512xf32>, vector<32x512xf32>, vector<32x512xf32>, vector<32x512xf32>, vector<32x512xf32>, vector<32x512xf32>, vector<32x512xf32>, vector<32x512xf32>, vector<32x512xf32>, vector<32x512xf32>, vector<32x512xf32>, vector<32x512xf32>, vector<32x512xf32>, vector<32x512xf32>, vector<32x512xf32>, vector<32x512xf32>, vector<32x512xf32>, vector<32x512xf32>, vector<32x512xf32>, vector<32x512xf32>, vector<32x512xf32>, vector<32x512xf32>, vector<32x512xf32>, vector<32x512xf32>, vector<32x512xf32> -> vector<32x12800xf32>
    %concatenate3A_231 = tpu.concatenate %mul3A_181, %mul3A_183, %mul3A_185, %mul3A_187, %mul3A_189, %mul3A_191, %mul3A_193, %mul3A_195, %mul3A_197, %mul3A_199, %mul3A_201, %mul3A_203, %mul3A_205, %mul3A_207, %mul3A_209, %mul3A_211, %mul3A_213, %mul3A_215, %mul3A_217, %mul3A_219, %mul3A_221, %mul3A_223, %mul3A_225, %mul3A_227, %mul3A_229 in 1 : vector<32x512xf32>, vector<32x512xf32>, vector<32x512xf32>, vector<32x512xf32>, vector<32x512xf32>, vector<32x512xf32>, vector<32x512xf32>, vector<32x512xf32>, vector<32x512xf32>, vector<32x512xf32>, vector<32x512xf32>, vector<32x512xf32>, vector<32x512xf32>, vector<32x512xf32>, vector<32x512xf32>, vector<32x512xf32>, vector<32x512xf32>, vector<32x512xf32>, vector<32x512xf32>, vector<32x512xf32>, vector<32x512xf32>, vector<32x512xf32>, vector<32x512xf32>, vector<32x512xf32>, vector<32x512xf32> -> vector<32x12800xf32>
    %dot_general3A_232 = arith.constant dense<0.000000e+00> : vector<50x12800xf32>
    %dot_general3A_233 = tpu.matmul %get3A_118, %concatenate3A_230, %dot_general3A_232 {dimension_numbers = #tpu.dot_dimension_numbers<[1], [0], [0], [1], [0, 0, 1, 1], [], []>, transpose_lhs_hint = false} : vector<50x32xf32>, vector<32x12800xf32>, vector<50x12800xf32> -> vector<50x12800xf32>
    %add3A_234 = vector.broadcast %get3A_121 : vector<50x1xf32> to vector<50x12800xf32>
    %add3A_235 = arith.addf %dot_general3A_233, %add3A_234 : vector<50x12800xf32>
    %max3A = arith.constant 0.000000e+00 : f32
    %max3A_236 = vector.broadcast %max3A : f32 to vector<50x12800xf32>
    %max3A_237 = arith.maximumf %add3A_235, %max3A_236 : vector<50x12800xf32>
    %dot_general3A_238 = arith.constant dense<0.000000e+00> : vector<1x12800xf32>
    %dot_general3A_239 = tpu.matmul %get3A_124, %max3A_237, %dot_general3A_238 {dimension_numbers = #tpu.dot_dimension_numbers<[1], [0], [0], [1], [0, 0, 1, 1], [], []>, transpose_lhs_hint = false} : vector<1x50xf32>, vector<50x12800xf32>, vector<1x12800xf32> -> vector<1x12800xf32>
    %add3A_240 = vector.broadcast %get3A_127 : vector<1x1xf32> to vector<1x12800xf32>
    %add3A_241 = arith.addf %dot_general3A_239, %add3A_240 : vector<1x12800xf32>
    %max3A_242 = arith.constant 0.000000e+00 : f32
    %max3A_243 = vector.broadcast %max3A_242 : f32 to vector<1x12800xf32>
    %max3A_244 = arith.maximumf %add3A_241, %max3A_243 : vector<1x12800xf32>
    %broadcast_in_dim3A = arith.constant 1.000000e+00 : f32
    %broadcast_in_dim3A_245 = vector.broadcast %broadcast_in_dim3A : f32 to vector<1x32xf32>
    %dot_general3A_246 = arith.constant dense<0.000000e+00> : vector<1x12800xf32>
    %dot_general3A_247 = tpu.matmul %broadcast_in_dim3A_245, %concatenate3A_231, %dot_general3A_246 {dimension_numbers = #tpu.dot_dimension_numbers<[1], [0], [0], [1], [0, 0, 1, 1], [], []>, transpose_lhs_hint = false} : vector<1x32xf32>, vector<32x12800xf32>, vector<1x12800xf32> -> vector<1x12800xf32>
    %broadcast_in_dim3A_248 = arith.constant 0.000000e+00 : f32
    %broadcast_in_dim3A_249 = vector.broadcast %broadcast_in_dim3A_248 : f32 to vector<1x512xf32>
    %slice3A_250 = vector.extract_strided_slice %dot_general3A_247 {offsets = [0, 512], sizes = [1, 512], strides = [1, 1]} : vector<1x12800xf32> to vector<1x512xf32>
    %slice3A_251 = vector.extract_strided_slice %dot_general3A_247 {offsets = [0, 1024], sizes = [1, 512], strides = [1, 1]} : vector<1x12800xf32> to vector<1x512xf32>
    %max3A_252 = arith.maximumf %slice3A_250, %slice3A_251 : vector<1x512xf32>
    %slice3A_253 = vector.extract_strided_slice %dot_general3A_247 {offsets = [0, 1536], sizes = [1, 512], strides = [1, 1]} : vector<1x12800xf32> to vector<1x512xf32>
    %max3A_254 = arith.maximumf %max3A_252, %slice3A_253 : vector<1x512xf32>
    %slice3A_255 = vector.extract_strided_slice %dot_general3A_247 {offsets = [0, 2048], sizes = [1, 512], strides = [1, 1]} : vector<1x12800xf32> to vector<1x512xf32>
    %max3A_256 = arith.maximumf %max3A_254, %slice3A_255 : vector<1x512xf32>
    %slice3A_257 = vector.extract_strided_slice %dot_general3A_247 {offsets = [0, 512], sizes = [1, 512], strides = [1, 1]} : vector<1x12800xf32> to vector<1x512xf32>
    %sub3A = arith.subf %slice3A_257, %max3A_256 : vector<1x512xf32>
    %exp3A = math.exp %sub3A : vector<1x512xf32>
    %slice3A_258 = vector.extract_strided_slice %dot_general3A_247 {offsets = [0, 1024], sizes = [1, 512], strides = [1, 1]} : vector<1x12800xf32> to vector<1x512xf32>
    %sub3A_259 = arith.subf %slice3A_258, %max3A_256 : vector<1x512xf32>
    %exp3A_260 = math.exp %sub3A_259 : vector<1x512xf32>
    %slice3A_261 = vector.extract_strided_slice %dot_general3A_247 {offsets = [0, 1536], sizes = [1, 512], strides = [1, 1]} : vector<1x12800xf32> to vector<1x512xf32>
    %sub3A_262 = arith.subf %slice3A_261, %max3A_256 : vector<1x512xf32>
    %exp3A_263 = math.exp %sub3A_262 : vector<1x512xf32>
    %slice3A_264 = vector.extract_strided_slice %dot_general3A_247 {offsets = [0, 2048], sizes = [1, 512], strides = [1, 1]} : vector<1x12800xf32> to vector<1x512xf32>
    %sub3A_265 = arith.subf %slice3A_264, %max3A_256 : vector<1x512xf32>
    %exp3A_266 = math.exp %sub3A_265 : vector<1x512xf32>
    %add3A_267 = arith.addf %exp3A, %exp3A_260 : vector<1x512xf32>
    %add3A_268 = arith.addf %add3A_267, %exp3A_263 : vector<1x512xf32>
    %add3A_269 = arith.addf %add3A_268, %exp3A_266 : vector<1x512xf32>
    %div3A = arith.constant 1.000000e+00 : f32
    %div3A_270 = vector.broadcast %div3A : f32 to vector<1x512xf32>
    %div3A_271 = arith.divf %div3A_270, %add3A_269 : vector<1x512xf32>
    %slice3A_272 = vector.extract_strided_slice %max3A_244 {offsets = [0, 512], sizes = [1, 512], strides = [1, 1]} : vector<1x12800xf32> to vector<1x512xf32>
    %mul3A_273 = arith.mulf %slice3A_272, %exp3A : vector<1x512xf32>
    %mul3A_274 = arith.mulf %mul3A_273, %div3A_271 : vector<1x512xf32>
    %add3A_275 = arith.addf %broadcast_in_dim3A_249, %mul3A_274 : vector<1x512xf32>
    %slice3A_276 = vector.extract_strided_slice %max3A_244 {offsets = [0, 1024], sizes = [1, 512], strides = [1, 1]} : vector<1x12800xf32> to vector<1x512xf32>
    %mul3A_277 = arith.mulf %slice3A_276, %exp3A_260 : vector<1x512xf32>
    %mul3A_278 = arith.mulf %mul3A_277, %div3A_271 : vector<1x512xf32>
    %add3A_279 = arith.addf %add3A_275, %mul3A_278 : vector<1x512xf32>
    %slice3A_280 = vector.extract_strided_slice %max3A_244 {offsets = [0, 1536], sizes = [1, 512], strides = [1, 1]} : vector<1x12800xf32> to vector<1x512xf32>
    %mul3A_281 = arith.mulf %slice3A_280, %exp3A_263 : vector<1x512xf32>
    %mul3A_282 = arith.mulf %mul3A_281, %div3A_271 : vector<1x512xf32>
    %add3A_283 = arith.addf %add3A_279, %mul3A_282 : vector<1x512xf32>
    %slice3A_284 = vector.extract_strided_slice %max3A_244 {offsets = [0, 2048], sizes = [1, 512], strides = [1, 1]} : vector<1x12800xf32> to vector<1x512xf32>
    %mul3A_285 = arith.mulf %slice3A_284, %exp3A_266 : vector<1x512xf32>
    %mul3A_286 = arith.mulf %mul3A_285, %div3A_271 : vector<1x512xf32>
    %add3A_287 = arith.addf %add3A_283, %mul3A_286 : vector<1x512xf32>
    %slice3A_288 = vector.extract_strided_slice %dot_general3A_247 {offsets = [0, 2560], sizes = [1, 512], strides = [1, 1]} : vector<1x12800xf32> to vector<1x512xf32>
    %slice3A_289 = vector.extract_strided_slice %dot_general3A_247 {offsets = [0, 3584], sizes = [1, 512], strides = [1, 1]} : vector<1x12800xf32> to vector<1x512xf32>
    %max3A_290 = arith.maximumf %slice3A_288, %slice3A_289 : vector<1x512xf32>
    %slice3A_291 = vector.extract_strided_slice %dot_general3A_247 {offsets = [0, 4096], sizes = [1, 512], strides = [1, 1]} : vector<1x12800xf32> to vector<1x512xf32>
    %max3A_292 = arith.maximumf %max3A_290, %slice3A_291 : vector<1x512xf32>
    %slice3A_293 = vector.extract_strided_slice %dot_general3A_247 {offsets = [0, 4608], sizes = [1, 512], strides = [1, 1]} : vector<1x12800xf32> to vector<1x512xf32>
    %max3A_294 = arith.maximumf %max3A_292, %slice3A_293 : vector<1x512xf32>
    %slice3A_295 = vector.extract_strided_slice %dot_general3A_247 {offsets = [0, 2560], sizes = [1, 512], strides = [1, 1]} : vector<1x12800xf32> to vector<1x512xf32>
    %sub3A_296 = arith.subf %slice3A_295, %max3A_294 : vector<1x512xf32>
    %exp3A_297 = math.exp %sub3A_296 : vector<1x512xf32>
    %slice3A_298 = vector.extract_strided_slice %dot_general3A_247 {offsets = [0, 3584], sizes = [1, 512], strides = [1, 1]} : vector<1x12800xf32> to vector<1x512xf32>
    %sub3A_299 = arith.subf %slice3A_298, %max3A_294 : vector<1x512xf32>
    %exp3A_300 = math.exp %sub3A_299 : vector<1x512xf32>
    %slice3A_301 = vector.extract_strided_slice %dot_general3A_247 {offsets = [0, 4096], sizes = [1, 512], strides = [1, 1]} : vector<1x12800xf32> to vector<1x512xf32>
    %sub3A_302 = arith.subf %slice3A_301, %max3A_294 : vector<1x512xf32>
    %exp3A_303 = math.exp %sub3A_302 : vector<1x512xf32>
    %slice3A_304 = vector.extract_strided_slice %dot_general3A_247 {offsets = [0, 4608], sizes = [1, 512], strides = [1, 1]} : vector<1x12800xf32> to vector<1x512xf32>
    %sub3A_305 = arith.subf %slice3A_304, %max3A_294 : vector<1x512xf32>
    %exp3A_306 = math.exp %sub3A_305 : vector<1x512xf32>
    %add3A_307 = arith.addf %exp3A_297, %exp3A_300 : vector<1x512xf32>
    %add3A_308 = arith.addf %add3A_307, %exp3A_303 : vector<1x512xf32>
    %add3A_309 = arith.addf %add3A_308, %exp3A_306 : vector<1x512xf32>
    %div3A_310 = arith.constant 1.000000e+00 : f32
    %div3A_311 = vector.broadcast %div3A_310 : f32 to vector<1x512xf32>
    %div3A_312 = arith.divf %div3A_311, %add3A_309 : vector<1x512xf32>
    %slice3A_313 = vector.extract_strided_slice %max3A_244 {offsets = [0, 2560], sizes = [1, 512], strides = [1, 1]} : vector<1x12800xf32> to vector<1x512xf32>
    %mul3A_314 = arith.mulf %slice3A_313, %exp3A_297 : vector<1x512xf32>
    %mul3A_315 = arith.mulf %mul3A_314, %div3A_312 : vector<1x512xf32>
    %add3A_316 = arith.addf %add3A_287, %mul3A_315 : vector<1x512xf32>
    %slice3A_317 = vector.extract_strided_slice %max3A_244 {offsets = [0, 3584], sizes = [1, 512], strides = [1, 1]} : vector<1x12800xf32> to vector<1x512xf32>
    %mul3A_318 = arith.mulf %slice3A_317, %exp3A_300 : vector<1x512xf32>
    %mul3A_319 = arith.mulf %mul3A_318, %div3A_312 : vector<1x512xf32>
    %add3A_320 = arith.addf %add3A_316, %mul3A_319 : vector<1x512xf32>
    %slice3A_321 = vector.extract_strided_slice %max3A_244 {offsets = [0, 4096], sizes = [1, 512], strides = [1, 1]} : vector<1x12800xf32> to vector<1x512xf32>
    %mul3A_322 = arith.mulf %slice3A_321, %exp3A_303 : vector<1x512xf32>
    %mul3A_323 = arith.mulf %mul3A_322, %div3A_312 : vector<1x512xf32>
    %add3A_324 = arith.addf %add3A_320, %mul3A_323 : vector<1x512xf32>
    %slice3A_325 = vector.extract_strided_slice %max3A_244 {offsets = [0, 4608], sizes = [1, 512], strides = [1, 1]} : vector<1x12800xf32> to vector<1x512xf32>
    %mul3A_326 = arith.mulf %slice3A_325, %exp3A_306 : vector<1x512xf32>
    %mul3A_327 = arith.mulf %mul3A_326, %div3A_312 : vector<1x512xf32>
    %add3A_328 = arith.addf %add3A_324, %mul3A_327 : vector<1x512xf32>
    %slice3A_329 = vector.extract_strided_slice %dot_general3A_247 {offsets = [0, 5120], sizes = [1, 512], strides = [1, 1]} : vector<1x12800xf32> to vector<1x512xf32>
    %slice3A_330 = vector.extract_strided_slice %dot_general3A_247 {offsets = [0, 5632], sizes = [1, 512], strides = [1, 1]} : vector<1x12800xf32> to vector<1x512xf32>
    %max3A_331 = arith.maximumf %slice3A_329, %slice3A_330 : vector<1x512xf32>
    %slice3A_332 = vector.extract_strided_slice %dot_general3A_247 {offsets = [0, 6656], sizes = [1, 512], strides = [1, 1]} : vector<1x12800xf32> to vector<1x512xf32>
    %max3A_333 = arith.maximumf %max3A_331, %slice3A_332 : vector<1x512xf32>
    %slice3A_334 = vector.extract_strided_slice %dot_general3A_247 {offsets = [0, 7168], sizes = [1, 512], strides = [1, 1]} : vector<1x12800xf32> to vector<1x512xf32>
    %max3A_335 = arith.maximumf %max3A_333, %slice3A_334 : vector<1x512xf32>
    %slice3A_336 = vector.extract_strided_slice %dot_general3A_247 {offsets = [0, 5120], sizes = [1, 512], strides = [1, 1]} : vector<1x12800xf32> to vector<1x512xf32>
    %sub3A_337 = arith.subf %slice3A_336, %max3A_335 : vector<1x512xf32>
    %exp3A_338 = math.exp %sub3A_337 : vector<1x512xf32>
    %slice3A_339 = vector.extract_strided_slice %dot_general3A_247 {offsets = [0, 5632], sizes = [1, 512], strides = [1, 1]} : vector<1x12800xf32> to vector<1x512xf32>
    %sub3A_340 = arith.subf %slice3A_339, %max3A_335 : vector<1x512xf32>
    %exp3A_341 = math.exp %sub3A_340 : vector<1x512xf32>
    %slice3A_342 = vector.extract_strided_slice %dot_general3A_247 {offsets = [0, 6656], sizes = [1, 512], strides = [1, 1]} : vector<1x12800xf32> to vector<1x512xf32>
    %sub3A_343 = arith.subf %slice3A_342, %max3A_335 : vector<1x512xf32>
    %exp3A_344 = math.exp %sub3A_343 : vector<1x512xf32>
    %slice3A_345 = vector.extract_strided_slice %dot_general3A_247 {offsets = [0, 7168], sizes = [1, 512], strides = [1, 1]} : vector<1x12800xf32> to vector<1x512xf32>
    %sub3A_346 = arith.subf %slice3A_345, %max3A_335 : vector<1x512xf32>
    %exp3A_347 = math.exp %sub3A_346 : vector<1x512xf32>
    %add3A_348 = arith.addf %exp3A_338, %exp3A_341 : vector<1x512xf32>
    %add3A_349 = arith.addf %add3A_348, %exp3A_344 : vector<1x512xf32>
    %add3A_350 = arith.addf %add3A_349, %exp3A_347 : vector<1x512xf32>
    %div3A_351 = arith.constant 1.000000e+00 : f32
    %div3A_352 = vector.broadcast %div3A_351 : f32 to vector<1x512xf32>
    %div3A_353 = arith.divf %div3A_352, %add3A_350 : vector<1x512xf32>
    %slice3A_354 = vector.extract_strided_slice %max3A_244 {offsets = [0, 5120], sizes = [1, 512], strides = [1, 1]} : vector<1x12800xf32> to vector<1x512xf32>
    %mul3A_355 = arith.mulf %slice3A_354, %exp3A_338 : vector<1x512xf32>
    %mul3A_356 = arith.mulf %mul3A_355, %div3A_353 : vector<1x512xf32>
    %add3A_357 = arith.addf %add3A_328, %mul3A_356 : vector<1x512xf32>
    %slice3A_358 = vector.extract_strided_slice %max3A_244 {offsets = [0, 5632], sizes = [1, 512], strides = [1, 1]} : vector<1x12800xf32> to vector<1x512xf32>
    %mul3A_359 = arith.mulf %slice3A_358, %exp3A_341 : vector<1x512xf32>
    %mul3A_360 = arith.mulf %mul3A_359, %div3A_353 : vector<1x512xf32>
    %add3A_361 = arith.addf %add3A_357, %mul3A_360 : vector<1x512xf32>
    %slice3A_362 = vector.extract_strided_slice %max3A_244 {offsets = [0, 6656], sizes = [1, 512], strides = [1, 1]} : vector<1x12800xf32> to vector<1x512xf32>
    %mul3A_363 = arith.mulf %slice3A_362, %exp3A_344 : vector<1x512xf32>
    %mul3A_364 = arith.mulf %mul3A_363, %div3A_353 : vector<1x512xf32>
    %add3A_365 = arith.addf %add3A_361, %mul3A_364 : vector<1x512xf32>
    %slice3A_366 = vector.extract_strided_slice %max3A_244 {offsets = [0, 7168], sizes = [1, 512], strides = [1, 1]} : vector<1x12800xf32> to vector<1x512xf32>
    %mul3A_367 = arith.mulf %slice3A_366, %exp3A_347 : vector<1x512xf32>
    %mul3A_368 = arith.mulf %mul3A_367, %div3A_353 : vector<1x512xf32>
    %add3A_369 = arith.addf %add3A_365, %mul3A_368 : vector<1x512xf32>
    %slice3A_370 = vector.extract_strided_slice %dot_general3A_247 {offsets = [0, 7680], sizes = [1, 512], strides = [1, 1]} : vector<1x12800xf32> to vector<1x512xf32>
    %slice3A_371 = vector.extract_strided_slice %dot_general3A_247 {offsets = [0, 8192], sizes = [1, 512], strides = [1, 1]} : vector<1x12800xf32> to vector<1x512xf32>
    %max3A_372 = arith.maximumf %slice3A_370, %slice3A_371 : vector<1x512xf32>
    %slice3A_373 = vector.extract_strided_slice %dot_general3A_247 {offsets = [0, 8704], sizes = [1, 512], strides = [1, 1]} : vector<1x12800xf32> to vector<1x512xf32>
    %max3A_374 = arith.maximumf %max3A_372, %slice3A_373 : vector<1x512xf32>
    %slice3A_375 = vector.extract_strided_slice %dot_general3A_247 {offsets = [0, 9728], sizes = [1, 512], strides = [1, 1]} : vector<1x12800xf32> to vector<1x512xf32>
    %max3A_376 = arith.maximumf %max3A_374, %slice3A_375 : vector<1x512xf32>
    %slice3A_377 = vector.extract_strided_slice %dot_general3A_247 {offsets = [0, 7680], sizes = [1, 512], strides = [1, 1]} : vector<1x12800xf32> to vector<1x512xf32>
    %sub3A_378 = arith.subf %slice3A_377, %max3A_376 : vector<1x512xf32>
    %exp3A_379 = math.exp %sub3A_378 : vector<1x512xf32>
    %slice3A_380 = vector.extract_strided_slice %dot_general3A_247 {offsets = [0, 8192], sizes = [1, 512], strides = [1, 1]} : vector<1x12800xf32> to vector<1x512xf32>
    %sub3A_381 = arith.subf %slice3A_380, %max3A_376 : vector<1x512xf32>
    %exp3A_382 = math.exp %sub3A_381 : vector<1x512xf32>
    %slice3A_383 = vector.extract_strided_slice %dot_general3A_247 {offsets = [0, 8704], sizes = [1, 512], strides = [1, 1]} : vector<1x12800xf32> to vector<1x512xf32>
    %sub3A_384 = arith.subf %slice3A_383, %max3A_376 : vector<1x512xf32>
    %exp3A_385 = math.exp %sub3A_384 : vector<1x512xf32>
    %slice3A_386 = vector.extract_strided_slice %dot_general3A_247 {offsets = [0, 9728], sizes = [1, 512], strides = [1, 1]} : vector<1x12800xf32> to vector<1x512xf32>
    %sub3A_387 = arith.subf %slice3A_386, %max3A_376 : vector<1x512xf32>
    %exp3A_388 = math.exp %sub3A_387 : vector<1x512xf32>
    %add3A_389 = arith.addf %exp3A_379, %exp3A_382 : vector<1x512xf32>
    %add3A_390 = arith.addf %add3A_389, %exp3A_385 : vector<1x512xf32>
    %add3A_391 = arith.addf %add3A_390, %exp3A_388 : vector<1x512xf32>
    %div3A_392 = arith.constant 1.000000e+00 : f32
    %div3A_393 = vector.broadcast %div3A_392 : f32 to vector<1x512xf32>
    %div3A_394 = arith.divf %div3A_393, %add3A_391 : vector<1x512xf32>
    %slice3A_395 = vector.extract_strided_slice %max3A_244 {offsets = [0, 7680], sizes = [1, 512], strides = [1, 1]} : vector<1x12800xf32> to vector<1x512xf32>
    %mul3A_396 = arith.mulf %slice3A_395, %exp3A_379 : vector<1x512xf32>
    %mul3A_397 = arith.mulf %mul3A_396, %div3A_394 : vector<1x512xf32>
    %add3A_398 = arith.addf %add3A_369, %mul3A_397 : vector<1x512xf32>
    %slice3A_399 = vector.extract_strided_slice %max3A_244 {offsets = [0, 8192], sizes = [1, 512], strides = [1, 1]} : vector<1x12800xf32> to vector<1x512xf32>
    %mul3A_400 = arith.mulf %slice3A_399, %exp3A_382 : vector<1x512xf32>
    %mul3A_401 = arith.mulf %mul3A_400, %div3A_394 : vector<1x512xf32>
    %add3A_402 = arith.addf %add3A_398, %mul3A_401 : vector<1x512xf32>
    %slice3A_403 = vector.extract_strided_slice %max3A_244 {offsets = [0, 8704], sizes = [1, 512], strides = [1, 1]} : vector<1x12800xf32> to vector<1x512xf32>
    %mul3A_404 = arith.mulf %slice3A_403, %exp3A_385 : vector<1x512xf32>
    %mul3A_405 = arith.mulf %mul3A_404, %div3A_394 : vector<1x512xf32>
    %add3A_406 = arith.addf %add3A_402, %mul3A_405 : vector<1x512xf32>
    %slice3A_407 = vector.extract_strided_slice %max3A_244 {offsets = [0, 9728], sizes = [1, 512], strides = [1, 1]} : vector<1x12800xf32> to vector<1x512xf32>
    %mul3A_408 = arith.mulf %slice3A_407, %exp3A_388 : vector<1x512xf32>
    %mul3A_409 = arith.mulf %mul3A_408, %div3A_394 : vector<1x512xf32>
    %add3A_410 = arith.addf %add3A_406, %mul3A_409 : vector<1x512xf32>
    %slice3A_411 = vector.extract_strided_slice %dot_general3A_247 {offsets = [0, 10240], sizes = [1, 512], strides = [1, 1]} : vector<1x12800xf32> to vector<1x512xf32>
    %slice3A_412 = vector.extract_strided_slice %dot_general3A_247 {offsets = [0, 10752], sizes = [1, 512], strides = [1, 1]} : vector<1x12800xf32> to vector<1x512xf32>
    %max3A_413 = arith.maximumf %slice3A_411, %slice3A_412 : vector<1x512xf32>
    %slice3A_414 = vector.extract_strided_slice %dot_general3A_247 {offsets = [0, 11264], sizes = [1, 512], strides = [1, 1]} : vector<1x12800xf32> to vector<1x512xf32>
    %max3A_415 = arith.maximumf %max3A_413, %slice3A_414 : vector<1x512xf32>
    %slice3A_416 = vector.extract_strided_slice %dot_general3A_247 {offsets = [0, 11776], sizes = [1, 512], strides = [1, 1]} : vector<1x12800xf32> to vector<1x512xf32>
    %max3A_417 = arith.maximumf %max3A_415, %slice3A_416 : vector<1x512xf32>
    %slice3A_418 = vector.extract_strided_slice %dot_general3A_247 {offsets = [0, 10240], sizes = [1, 512], strides = [1, 1]} : vector<1x12800xf32> to vector<1x512xf32>
    %sub3A_419 = arith.subf %slice3A_418, %max3A_417 : vector<1x512xf32>
    %exp3A_420 = math.exp %sub3A_419 : vector<1x512xf32>
    %slice3A_421 = vector.extract_strided_slice %dot_general3A_247 {offsets = [0, 10752], sizes = [1, 512], strides = [1, 1]} : vector<1x12800xf32> to vector<1x512xf32>
    %sub3A_422 = arith.subf %slice3A_421, %max3A_417 : vector<1x512xf32>
    %exp3A_423 = math.exp %sub3A_422 : vector<1x512xf32>
    %slice3A_424 = vector.extract_strided_slice %dot_general3A_247 {offsets = [0, 11264], sizes = [1, 512], strides = [1, 1]} : vector<1x12800xf32> to vector<1x512xf32>
    %sub3A_425 = arith.subf %slice3A_424, %max3A_417 : vector<1x512xf32>
    %exp3A_426 = math.exp %sub3A_425 : vector<1x512xf32>
    %slice3A_427 = vector.extract_strided_slice %dot_general3A_247 {offsets = [0, 11776], sizes = [1, 512], strides = [1, 1]} : vector<1x12800xf32> to vector<1x512xf32>
    %sub3A_428 = arith.subf %slice3A_427, %max3A_417 : vector<1x512xf32>
    %exp3A_429 = math.exp %sub3A_428 : vector<1x512xf32>
    %add3A_430 = arith.addf %exp3A_420, %exp3A_423 : vector<1x512xf32>
    %add3A_431 = arith.addf %add3A_430, %exp3A_426 : vector<1x512xf32>
    %add3A_432 = arith.addf %add3A_431, %exp3A_429 : vector<1x512xf32>
    %div3A_433 = arith.constant 1.000000e+00 : f32
    %div3A_434 = vector.broadcast %div3A_433 : f32 to vector<1x512xf32>
    %div3A_435 = arith.divf %div3A_434, %add3A_432 : vector<1x512xf32>
    %slice3A_436 = vector.extract_strided_slice %max3A_244 {offsets = [0, 10240], sizes = [1, 512], strides = [1, 1]} : vector<1x12800xf32> to vector<1x512xf32>
    %mul3A_437 = arith.mulf %slice3A_436, %exp3A_420 : vector<1x512xf32>
    %mul3A_438 = arith.mulf %mul3A_437, %div3A_435 : vector<1x512xf32>
    %add3A_439 = arith.addf %add3A_410, %mul3A_438 : vector<1x512xf32>
    %slice3A_440 = vector.extract_strided_slice %max3A_244 {offsets = [0, 10752], sizes = [1, 512], strides = [1, 1]} : vector<1x12800xf32> to vector<1x512xf32>
    %mul3A_441 = arith.mulf %slice3A_440, %exp3A_423 : vector<1x512xf32>
    %mul3A_442 = arith.mulf %mul3A_441, %div3A_435 : vector<1x512xf32>
    %add3A_443 = arith.addf %add3A_439, %mul3A_442 : vector<1x512xf32>
    %slice3A_444 = vector.extract_strided_slice %max3A_244 {offsets = [0, 11264], sizes = [1, 512], strides = [1, 1]} : vector<1x12800xf32> to vector<1x512xf32>
    %mul3A_445 = arith.mulf %slice3A_444, %exp3A_426 : vector<1x512xf32>
    %mul3A_446 = arith.mulf %mul3A_445, %div3A_435 : vector<1x512xf32>
    %add3A_447 = arith.addf %add3A_443, %mul3A_446 : vector<1x512xf32>
    %slice3A_448 = vector.extract_strided_slice %max3A_244 {offsets = [0, 11776], sizes = [1, 512], strides = [1, 1]} : vector<1x12800xf32> to vector<1x512xf32>
    %mul3A_449 = arith.mulf %slice3A_448, %exp3A_429 : vector<1x512xf32>
    %mul3A_450 = arith.mulf %mul3A_449, %div3A_435 : vector<1x512xf32>
    %add3A_451 = arith.addf %add3A_447, %mul3A_450 : vector<1x512xf32>
    %add3A_452 = arith.addf %reshape3A, %add3A_451 : vector<1x512xf32>
    %dot_general3A_453 = arith.constant dense<0.000000e+00> : vector<32x512xf32>
    %dot_general3A_454 = tpu.matmul %get3A_148, %slice3A_38, %dot_general3A_453 {dimension_numbers = #tpu.dot_dimension_numbers<[1], [0], [0], [1], [0, 0, 1, 1], [], []>, transpose_lhs_hint = false} : vector<32x32xf32>, vector<32x512xf32>, vector<32x512xf32> -> vector<32x512xf32>
    %add3A_455 = vector.broadcast %get3A_151 : vector<32x1xf32> to vector<32x512xf32>
    %add3A_456 = arith.addf %dot_general3A_454, %add3A_455 : vector<32x512xf32>
    %dot_general3A_457 = arith.constant dense<0.000000e+00> : vector<32x512xf32>
    %dot_general3A_458 = tpu.matmul %get3A_148, %slice3A_39, %dot_general3A_457 {dimension_numbers = #tpu.dot_dimension_numbers<[1], [0], [0], [1], [0, 0, 1, 1], [], []>, transpose_lhs_hint = false} : vector<32x32xf32>, vector<32x512xf32>, vector<32x512xf32> -> vector<32x512xf32>
    %add3A_459 = vector.broadcast %get3A_151 : vector<32x1xf32> to vector<32x512xf32>
    %add3A_460 = arith.addf %dot_general3A_458, %add3A_459 : vector<32x512xf32>
    %dot_general3A_461 = arith.constant dense<0.000000e+00> : vector<32x512xf32>
    %dot_general3A_462 = tpu.matmul %get3A_148, %slice3A_40, %dot_general3A_461 {dimension_numbers = #tpu.dot_dimension_numbers<[1], [0], [0], [1], [0, 0, 1, 1], [], []>, transpose_lhs_hint = false} : vector<32x32xf32>, vector<32x512xf32>, vector<32x512xf32> -> vector<32x512xf32>
    %add3A_463 = vector.broadcast %get3A_151 : vector<32x1xf32> to vector<32x512xf32>
    %add3A_464 = arith.addf %dot_general3A_462, %add3A_463 : vector<32x512xf32>
    %dot_general3A_465 = arith.constant dense<0.000000e+00> : vector<32x512xf32>
    %dot_general3A_466 = tpu.matmul %get3A_148, %slice3A_41, %dot_general3A_465 {dimension_numbers = #tpu.dot_dimension_numbers<[1], [0], [0], [1], [0, 0, 1, 1], [], []>, transpose_lhs_hint = false} : vector<32x32xf32>, vector<32x512xf32>, vector<32x512xf32> -> vector<32x512xf32>
    %add3A_467 = vector.broadcast %get3A_151 : vector<32x1xf32> to vector<32x512xf32>
    %add3A_468 = arith.addf %dot_general3A_466, %add3A_467 : vector<32x512xf32>
    %dot_general3A_469 = arith.constant dense<0.000000e+00> : vector<32x512xf32>
    %dot_general3A_470 = tpu.matmul %get3A_148, %slice3A_42, %dot_general3A_469 {dimension_numbers = #tpu.dot_dimension_numbers<[1], [0], [0], [1], [0, 0, 1, 1], [], []>, transpose_lhs_hint = false} : vector<32x32xf32>, vector<32x512xf32>, vector<32x512xf32> -> vector<32x512xf32>
    %add3A_471 = vector.broadcast %get3A_151 : vector<32x1xf32> to vector<32x512xf32>
    %add3A_472 = arith.addf %dot_general3A_470, %add3A_471 : vector<32x512xf32>
    %mul3A_473 = arith.mulf %slice3A_38, %slice3A_53 : vector<32x512xf32>
    %mul3A_474 = arith.mulf %add3A_456, %slice3A_53 : vector<32x512xf32>
    %mul3A_475 = arith.mulf %slice3A_38, %slice3A_54 : vector<32x512xf32>
    %mul3A_476 = arith.mulf %add3A_456, %slice3A_54 : vector<32x512xf32>
    %mul3A_477 = arith.mulf %slice3A_38, %slice3A_55 : vector<32x512xf32>
    %mul3A_478 = arith.mulf %add3A_456, %slice3A_55 : vector<32x512xf32>
    %mul3A_479 = arith.mulf %slice3A_38, %slice3A_56 : vector<32x512xf32>
    %mul3A_480 = arith.mulf %add3A_456, %slice3A_56 : vector<32x512xf32>
    %mul3A_481 = arith.mulf %slice3A_38, %slice3A_57 : vector<32x512xf32>
    %mul3A_482 = arith.mulf %add3A_456, %slice3A_57 : vector<32x512xf32>
    %mul3A_483 = arith.mulf %slice3A_39, %slice3A_53 : vector<32x512xf32>
    %mul3A_484 = arith.mulf %add3A_460, %slice3A_53 : vector<32x512xf32>
    %mul3A_485 = arith.mulf %slice3A_39, %slice3A_54 : vector<32x512xf32>
    %mul3A_486 = arith.mulf %add3A_460, %slice3A_54 : vector<32x512xf32>
    %mul3A_487 = arith.mulf %slice3A_39, %slice3A_55 : vector<32x512xf32>
    %mul3A_488 = arith.mulf %add3A_460, %slice3A_55 : vector<32x512xf32>
    %mul3A_489 = arith.mulf %slice3A_39, %slice3A_56 : vector<32x512xf32>
    %mul3A_490 = arith.mulf %add3A_460, %slice3A_56 : vector<32x512xf32>
    %mul3A_491 = arith.mulf %slice3A_39, %slice3A_57 : vector<32x512xf32>
    %mul3A_492 = arith.mulf %add3A_460, %slice3A_57 : vector<32x512xf32>
    %mul3A_493 = arith.mulf %slice3A_40, %slice3A_53 : vector<32x512xf32>
    %mul3A_494 = arith.mulf %add3A_464, %slice3A_53 : vector<32x512xf32>
    %mul3A_495 = arith.mulf %slice3A_40, %slice3A_54 : vector<32x512xf32>
    %mul3A_496 = arith.mulf %add3A_464, %slice3A_54 : vector<32x512xf32>
    %mul3A_497 = arith.mulf %slice3A_40, %slice3A_55 : vector<32x512xf32>
    %mul3A_498 = arith.mulf %add3A_464, %slice3A_55 : vector<32x512xf32>
    %mul3A_499 = arith.mulf %slice3A_40, %slice3A_56 : vector<32x512xf32>
    %mul3A_500 = arith.mulf %add3A_464, %slice3A_56 : vector<32x512xf32>
    %mul3A_501 = arith.mulf %slice3A_40, %slice3A_57 : vector<32x512xf32>
    %mul3A_502 = arith.mulf %add3A_464, %slice3A_57 : vector<32x512xf32>
    %mul3A_503 = arith.mulf %slice3A_41, %slice3A_53 : vector<32x512xf32>
    %mul3A_504 = arith.mulf %add3A_468, %slice3A_53 : vector<32x512xf32>
    %mul3A_505 = arith.mulf %slice3A_41, %slice3A_54 : vector<32x512xf32>
    %mul3A_506 = arith.mulf %add3A_468, %slice3A_54 : vector<32x512xf32>
    %mul3A_507 = arith.mulf %slice3A_41, %slice3A_55 : vector<32x512xf32>
    %mul3A_508 = arith.mulf %add3A_468, %slice3A_55 : vector<32x512xf32>
    %mul3A_509 = arith.mulf %slice3A_41, %slice3A_56 : vector<32x512xf32>
    %mul3A_510 = arith.mulf %add3A_468, %slice3A_56 : vector<32x512xf32>
    %mul3A_511 = arith.mulf %slice3A_41, %slice3A_57 : vector<32x512xf32>
    %mul3A_512 = arith.mulf %add3A_468, %slice3A_57 : vector<32x512xf32>
    %mul3A_513 = arith.mulf %slice3A_42, %slice3A_53 : vector<32x512xf32>
    %mul3A_514 = arith.mulf %add3A_472, %slice3A_53 : vector<32x512xf32>
    %mul3A_515 = arith.mulf %slice3A_42, %slice3A_54 : vector<32x512xf32>
    %mul3A_516 = arith.mulf %add3A_472, %slice3A_54 : vector<32x512xf32>
    %mul3A_517 = arith.mulf %slice3A_42, %slice3A_55 : vector<32x512xf32>
    %mul3A_518 = arith.mulf %add3A_472, %slice3A_55 : vector<32x512xf32>
    %mul3A_519 = arith.mulf %slice3A_42, %slice3A_56 : vector<32x512xf32>
    %mul3A_520 = arith.mulf %add3A_472, %slice3A_56 : vector<32x512xf32>
    %mul3A_521 = arith.mulf %slice3A_42, %slice3A_57 : vector<32x512xf32>
    %mul3A_522 = arith.mulf %add3A_472, %slice3A_57 : vector<32x512xf32>
    %concatenate3A_523 = tpu.concatenate %mul3A_473, %mul3A_475, %mul3A_477, %mul3A_479, %mul3A_481, %mul3A_483, %mul3A_485, %mul3A_487, %mul3A_489, %mul3A_491, %mul3A_493, %mul3A_495, %mul3A_497, %mul3A_499, %mul3A_501, %mul3A_503, %mul3A_505, %mul3A_507, %mul3A_509, %mul3A_511, %mul3A_513, %mul3A_515, %mul3A_517, %mul3A_519, %mul3A_521 in 1 : vector<32x512xf32>, vector<32x512xf32>, vector<32x512xf32>, vector<32x512xf32>, vector<32x512xf32>, vector<32x512xf32>, vector<32x512xf32>, vector<32x512xf32>, vector<32x512xf32>, vector<32x512xf32>, vector<32x512xf32>, vector<32x512xf32>, vector<32x512xf32>, vector<32x512xf32>, vector<32x512xf32>, vector<32x512xf32>, vector<32x512xf32>, vector<32x512xf32>, vector<32x512xf32>, vector<32x512xf32>, vector<32x512xf32>, vector<32x512xf32>, vector<32x512xf32>, vector<32x512xf32>, vector<32x512xf32> -> vector<32x12800xf32>
    %concatenate3A_524 = tpu.concatenate %mul3A_474, %mul3A_476, %mul3A_478, %mul3A_480, %mul3A_482, %mul3A_484, %mul3A_486, %mul3A_488, %mul3A_490, %mul3A_492, %mul3A_494, %mul3A_496, %mul3A_498, %mul3A_500, %mul3A_502, %mul3A_504, %mul3A_506, %mul3A_508, %mul3A_510, %mul3A_512, %mul3A_514, %mul3A_516, %mul3A_518, %mul3A_520, %mul3A_522 in 1 : vector<32x512xf32>, vector<32x512xf32>, vector<32x512xf32>, vector<32x512xf32>, vector<32x512xf32>, vector<32x512xf32>, vector<32x512xf32>, vector<32x512xf32>, vector<32x512xf32>, vector<32x512xf32>, vector<32x512xf32>, vector<32x512xf32>, vector<32x512xf32>, vector<32x512xf32>, vector<32x512xf32>, vector<32x512xf32>, vector<32x512xf32>, vector<32x512xf32>, vector<32x512xf32>, vector<32x512xf32>, vector<32x512xf32>, vector<32x512xf32>, vector<32x512xf32>, vector<32x512xf32>, vector<32x512xf32> -> vector<32x12800xf32>
    %dot_general3A_525 = arith.constant dense<0.000000e+00> : vector<50x12800xf32>
    %dot_general3A_526 = tpu.matmul %get3A_136, %concatenate3A_523, %dot_general3A_525 {dimension_numbers = #tpu.dot_dimension_numbers<[1], [0], [0], [1], [0, 0, 1, 1], [], []>, transpose_lhs_hint = false} : vector<50x32xf32>, vector<32x12800xf32>, vector<50x12800xf32> -> vector<50x12800xf32>
    %add3A_527 = vector.broadcast %get3A_139 : vector<50x1xf32> to vector<50x12800xf32>
    %add3A_528 = arith.addf %dot_general3A_526, %add3A_527 : vector<50x12800xf32>
    %max3A_529 = arith.constant 0.000000e+00 : f32
    %max3A_530 = vector.broadcast %max3A_529 : f32 to vector<50x12800xf32>
    %max3A_531 = arith.maximumf %add3A_528, %max3A_530 : vector<50x12800xf32>
    %dot_general3A_532 = arith.constant dense<0.000000e+00> : vector<1x12800xf32>
    %dot_general3A_533 = tpu.matmul %get3A_142, %max3A_531, %dot_general3A_532 {dimension_numbers = #tpu.dot_dimension_numbers<[1], [0], [0], [1], [0, 0, 1, 1], [], []>, transpose_lhs_hint = false} : vector<1x50xf32>, vector<50x12800xf32>, vector<1x12800xf32> -> vector<1x12800xf32>
    %add3A_534 = vector.broadcast %get3A_145 : vector<1x1xf32> to vector<1x12800xf32>
    %add3A_535 = arith.addf %dot_general3A_533, %add3A_534 : vector<1x12800xf32>
    %max3A_536 = arith.constant 0.000000e+00 : f32
    %max3A_537 = vector.broadcast %max3A_536 : f32 to vector<1x12800xf32>
    %max3A_538 = arith.maximumf %add3A_535, %max3A_537 : vector<1x12800xf32>
    %broadcast_in_dim3A_539 = arith.constant 1.000000e+00 : f32
    %broadcast_in_dim3A_540 = vector.broadcast %broadcast_in_dim3A_539 : f32 to vector<1x32xf32>
    %dot_general3A_541 = arith.constant dense<0.000000e+00> : vector<1x12800xf32>
    %dot_general3A_542 = tpu.matmul %broadcast_in_dim3A_540, %concatenate3A_524, %dot_general3A_541 {dimension_numbers = #tpu.dot_dimension_numbers<[1], [0], [0], [1], [0, 0, 1, 1], [], []>, transpose_lhs_hint = false} : vector<1x32xf32>, vector<32x12800xf32>, vector<1x12800xf32> -> vector<1x12800xf32>
    %broadcast_in_dim3A_543 = arith.constant 0.000000e+00 : f32
    %broadcast_in_dim3A_544 = vector.broadcast %broadcast_in_dim3A_543 : f32 to vector<1x512xf32>
    %slice3A_545 = vector.extract_strided_slice %dot_general3A_542 {offsets = [0, 0], sizes = [1, 512], strides = [1, 1]} : vector<1x12800xf32> to vector<1x512xf32>
    %slice3A_546 = vector.extract_strided_slice %dot_general3A_542 {offsets = [0, 512], sizes = [1, 512], strides = [1, 1]} : vector<1x12800xf32> to vector<1x512xf32>
    %max3A_547 = arith.maximumf %slice3A_545, %slice3A_546 : vector<1x512xf32>
    %slice3A_548 = vector.extract_strided_slice %dot_general3A_542 {offsets = [0, 1024], sizes = [1, 512], strides = [1, 1]} : vector<1x12800xf32> to vector<1x512xf32>
    %max3A_549 = arith.maximumf %max3A_547, %slice3A_548 : vector<1x512xf32>
    %slice3A_550 = vector.extract_strided_slice %dot_general3A_542 {offsets = [0, 1536], sizes = [1, 512], strides = [1, 1]} : vector<1x12800xf32> to vector<1x512xf32>
    %max3A_551 = arith.maximumf %max3A_549, %slice3A_550 : vector<1x512xf32>
    %slice3A_552 = vector.extract_strided_slice %dot_general3A_542 {offsets = [0, 2048], sizes = [1, 512], strides = [1, 1]} : vector<1x12800xf32> to vector<1x512xf32>
    %max3A_553 = arith.maximumf %max3A_551, %slice3A_552 : vector<1x512xf32>
    %slice3A_554 = vector.extract_strided_slice %dot_general3A_542 {offsets = [0, 0], sizes = [1, 512], strides = [1, 1]} : vector<1x12800xf32> to vector<1x512xf32>
    %sub3A_555 = arith.subf %slice3A_554, %max3A_553 : vector<1x512xf32>
    %exp3A_556 = math.exp %sub3A_555 : vector<1x512xf32>
    %slice3A_557 = vector.extract_strided_slice %dot_general3A_542 {offsets = [0, 512], sizes = [1, 512], strides = [1, 1]} : vector<1x12800xf32> to vector<1x512xf32>
    %sub3A_558 = arith.subf %slice3A_557, %max3A_553 : vector<1x512xf32>
    %exp3A_559 = math.exp %sub3A_558 : vector<1x512xf32>
    %slice3A_560 = vector.extract_strided_slice %dot_general3A_542 {offsets = [0, 1024], sizes = [1, 512], strides = [1, 1]} : vector<1x12800xf32> to vector<1x512xf32>
    %sub3A_561 = arith.subf %slice3A_560, %max3A_553 : vector<1x512xf32>
    %exp3A_562 = math.exp %sub3A_561 : vector<1x512xf32>
    %slice3A_563 = vector.extract_strided_slice %dot_general3A_542 {offsets = [0, 1536], sizes = [1, 512], strides = [1, 1]} : vector<1x12800xf32> to vector<1x512xf32>
    %sub3A_564 = arith.subf %slice3A_563, %max3A_553 : vector<1x512xf32>
    %exp3A_565 = math.exp %sub3A_564 : vector<1x512xf32>
    %slice3A_566 = vector.extract_strided_slice %dot_general3A_542 {offsets = [0, 2048], sizes = [1, 512], strides = [1, 1]} : vector<1x12800xf32> to vector<1x512xf32>
    %sub3A_567 = arith.subf %slice3A_566, %max3A_553 : vector<1x512xf32>
    %exp3A_568 = math.exp %sub3A_567 : vector<1x512xf32>
    %add3A_569 = arith.addf %exp3A_556, %exp3A_559 : vector<1x512xf32>
    %add3A_570 = arith.addf %add3A_569, %exp3A_562 : vector<1x512xf32>
    %add3A_571 = arith.addf %add3A_570, %exp3A_565 : vector<1x512xf32>
    %add3A_572 = arith.addf %add3A_571, %exp3A_568 : vector<1x512xf32>
    %div3A_573 = arith.constant 1.000000e+00 : f32
    %div3A_574 = vector.broadcast %div3A_573 : f32 to vector<1x512xf32>
    %div3A_575 = arith.divf %div3A_574, %add3A_572 : vector<1x512xf32>
    %slice3A_576 = vector.extract_strided_slice %max3A_538 {offsets = [0, 0], sizes = [1, 512], strides = [1, 1]} : vector<1x12800xf32> to vector<1x512xf32>
    %mul3A_577 = arith.mulf %slice3A_576, %exp3A_556 : vector<1x512xf32>
    %mul3A_578 = arith.mulf %mul3A_577, %div3A_575 : vector<1x512xf32>
    %add3A_579 = arith.addf %broadcast_in_dim3A_544, %mul3A_578 : vector<1x512xf32>
    %slice3A_580 = vector.extract_strided_slice %max3A_538 {offsets = [0, 512], sizes = [1, 512], strides = [1, 1]} : vector<1x12800xf32> to vector<1x512xf32>
    %mul3A_581 = arith.mulf %slice3A_580, %exp3A_559 : vector<1x512xf32>
    %mul3A_582 = arith.mulf %mul3A_581, %div3A_575 : vector<1x512xf32>
    %add3A_583 = arith.addf %add3A_579, %mul3A_582 : vector<1x512xf32>
    %slice3A_584 = vector.extract_strided_slice %max3A_538 {offsets = [0, 1024], sizes = [1, 512], strides = [1, 1]} : vector<1x12800xf32> to vector<1x512xf32>
    %mul3A_585 = arith.mulf %slice3A_584, %exp3A_562 : vector<1x512xf32>
    %mul3A_586 = arith.mulf %mul3A_585, %div3A_575 : vector<1x512xf32>
    %add3A_587 = arith.addf %add3A_583, %mul3A_586 : vector<1x512xf32>
    %slice3A_588 = vector.extract_strided_slice %max3A_538 {offsets = [0, 1536], sizes = [1, 512], strides = [1, 1]} : vector<1x12800xf32> to vector<1x512xf32>
    %mul3A_589 = arith.mulf %slice3A_588, %exp3A_565 : vector<1x512xf32>
    %mul3A_590 = arith.mulf %mul3A_589, %div3A_575 : vector<1x512xf32>
    %add3A_591 = arith.addf %add3A_587, %mul3A_590 : vector<1x512xf32>
    %slice3A_592 = vector.extract_strided_slice %max3A_538 {offsets = [0, 2048], sizes = [1, 512], strides = [1, 1]} : vector<1x12800xf32> to vector<1x512xf32>
    %mul3A_593 = arith.mulf %slice3A_592, %exp3A_568 : vector<1x512xf32>
    %mul3A_594 = arith.mulf %mul3A_593, %div3A_575 : vector<1x512xf32>
    %add3A_595 = arith.addf %add3A_591, %mul3A_594 : vector<1x512xf32>
    %slice3A_596 = vector.extract_strided_slice %dot_general3A_542 {offsets = [0, 2560], sizes = [1, 512], strides = [1, 1]} : vector<1x12800xf32> to vector<1x512xf32>
    %slice3A_597 = vector.extract_strided_slice %dot_general3A_542 {offsets = [0, 3072], sizes = [1, 512], strides = [1, 1]} : vector<1x12800xf32> to vector<1x512xf32>
    %max3A_598 = arith.maximumf %slice3A_596, %slice3A_597 : vector<1x512xf32>
    %slice3A_599 = vector.extract_strided_slice %dot_general3A_542 {offsets = [0, 3584], sizes = [1, 512], strides = [1, 1]} : vector<1x12800xf32> to vector<1x512xf32>
    %max3A_600 = arith.maximumf %max3A_598, %slice3A_599 : vector<1x512xf32>
    %slice3A_601 = vector.extract_strided_slice %dot_general3A_542 {offsets = [0, 4096], sizes = [1, 512], strides = [1, 1]} : vector<1x12800xf32> to vector<1x512xf32>
    %max3A_602 = arith.maximumf %max3A_600, %slice3A_601 : vector<1x512xf32>
    %slice3A_603 = vector.extract_strided_slice %dot_general3A_542 {offsets = [0, 4608], sizes = [1, 512], strides = [1, 1]} : vector<1x12800xf32> to vector<1x512xf32>
    %max3A_604 = arith.maximumf %max3A_602, %slice3A_603 : vector<1x512xf32>
    %slice3A_605 = vector.extract_strided_slice %dot_general3A_542 {offsets = [0, 2560], sizes = [1, 512], strides = [1, 1]} : vector<1x12800xf32> to vector<1x512xf32>
    %sub3A_606 = arith.subf %slice3A_605, %max3A_604 : vector<1x512xf32>
    %exp3A_607 = math.exp %sub3A_606 : vector<1x512xf32>
    %slice3A_608 = vector.extract_strided_slice %dot_general3A_542 {offsets = [0, 3072], sizes = [1, 512], strides = [1, 1]} : vector<1x12800xf32> to vector<1x512xf32>
    %sub3A_609 = arith.subf %slice3A_608, %max3A_604 : vector<1x512xf32>
    %exp3A_610 = math.exp %sub3A_609 : vector<1x512xf32>
    %slice3A_611 = vector.extract_strided_slice %dot_general3A_542 {offsets = [0, 3584], sizes = [1, 512], strides = [1, 1]} : vector<1x12800xf32> to vector<1x512xf32>
    %sub3A_612 = arith.subf %slice3A_611, %max3A_604 : vector<1x512xf32>
    %exp3A_613 = math.exp %sub3A_612 : vector<1x512xf32>
    %slice3A_614 = vector.extract_strided_slice %dot_general3A_542 {offsets = [0, 4096], sizes = [1, 512], strides = [1, 1]} : vector<1x12800xf32> to vector<1x512xf32>
    %sub3A_615 = arith.subf %slice3A_614, %max3A_604 : vector<1x512xf32>
    %exp3A_616 = math.exp %sub3A_615 : vector<1x512xf32>
    %slice3A_617 = vector.extract_strided_slice %dot_general3A_542 {offsets = [0, 4608], sizes = [1, 512], strides = [1, 1]} : vector<1x12800xf32> to vector<1x512xf32>
    %sub3A_618 = arith.subf %slice3A_617, %max3A_604 : vector<1x512xf32>
    %exp3A_619 = math.exp %sub3A_618 : vector<1x512xf32>
    %add3A_620 = arith.addf %exp3A_607, %exp3A_610 : vector<1x512xf32>
    %add3A_621 = arith.addf %add3A_620, %exp3A_613 : vector<1x512xf32>
    %add3A_622 = arith.addf %add3A_621, %exp3A_616 : vector<1x512xf32>
    %add3A_623 = arith.addf %add3A_622, %exp3A_619 : vector<1x512xf32>
    %div3A_624 = arith.constant 1.000000e+00 : f32
    %div3A_625 = vector.broadcast %div3A_624 : f32 to vector<1x512xf32>
    %div3A_626 = arith.divf %div3A_625, %add3A_623 : vector<1x512xf32>
    %slice3A_627 = vector.extract_strided_slice %max3A_538 {offsets = [0, 2560], sizes = [1, 512], strides = [1, 1]} : vector<1x12800xf32> to vector<1x512xf32>
    %mul3A_628 = arith.mulf %slice3A_627, %exp3A_607 : vector<1x512xf32>
    %mul3A_629 = arith.mulf %mul3A_628, %div3A_626 : vector<1x512xf32>
    %add3A_630 = arith.addf %add3A_595, %mul3A_629 : vector<1x512xf32>
    %slice3A_631 = vector.extract_strided_slice %max3A_538 {offsets = [0, 3072], sizes = [1, 512], strides = [1, 1]} : vector<1x12800xf32> to vector<1x512xf32>
    %mul3A_632 = arith.mulf %slice3A_631, %exp3A_610 : vector<1x512xf32>
    %mul3A_633 = arith.mulf %mul3A_632, %div3A_626 : vector<1x512xf32>
    %add3A_634 = arith.addf %add3A_630, %mul3A_633 : vector<1x512xf32>
    %slice3A_635 = vector.extract_strided_slice %max3A_538 {offsets = [0, 3584], sizes = [1, 512], strides = [1, 1]} : vector<1x12800xf32> to vector<1x512xf32>
    %mul3A_636 = arith.mulf %slice3A_635, %exp3A_613 : vector<1x512xf32>
    %mul3A_637 = arith.mulf %mul3A_636, %div3A_626 : vector<1x512xf32>
    %add3A_638 = arith.addf %add3A_634, %mul3A_637 : vector<1x512xf32>
    %slice3A_639 = vector.extract_strided_slice %max3A_538 {offsets = [0, 4096], sizes = [1, 512], strides = [1, 1]} : vector<1x12800xf32> to vector<1x512xf32>
    %mul3A_640 = arith.mulf %slice3A_639, %exp3A_616 : vector<1x512xf32>
    %mul3A_641 = arith.mulf %mul3A_640, %div3A_626 : vector<1x512xf32>
    %add3A_642 = arith.addf %add3A_638, %mul3A_641 : vector<1x512xf32>
    %slice3A_643 = vector.extract_strided_slice %max3A_538 {offsets = [0, 4608], sizes = [1, 512], strides = [1, 1]} : vector<1x12800xf32> to vector<1x512xf32>
    %mul3A_644 = arith.mulf %slice3A_643, %exp3A_619 : vector<1x512xf32>
    %mul3A_645 = arith.mulf %mul3A_644, %div3A_626 : vector<1x512xf32>
    %add3A_646 = arith.addf %add3A_642, %mul3A_645 : vector<1x512xf32>
    %slice3A_647 = vector.extract_strided_slice %dot_general3A_542 {offsets = [0, 5120], sizes = [1, 512], strides = [1, 1]} : vector<1x12800xf32> to vector<1x512xf32>
    %slice3A_648 = vector.extract_strided_slice %dot_general3A_542 {offsets = [0, 5632], sizes = [1, 512], strides = [1, 1]} : vector<1x12800xf32> to vector<1x512xf32>
    %max3A_649 = arith.maximumf %slice3A_647, %slice3A_648 : vector<1x512xf32>
    %slice3A_650 = vector.extract_strided_slice %dot_general3A_542 {offsets = [0, 6144], sizes = [1, 512], strides = [1, 1]} : vector<1x12800xf32> to vector<1x512xf32>
    %max3A_651 = arith.maximumf %max3A_649, %slice3A_650 : vector<1x512xf32>
    %slice3A_652 = vector.extract_strided_slice %dot_general3A_542 {offsets = [0, 6656], sizes = [1, 512], strides = [1, 1]} : vector<1x12800xf32> to vector<1x512xf32>
    %max3A_653 = arith.maximumf %max3A_651, %slice3A_652 : vector<1x512xf32>
    %slice3A_654 = vector.extract_strided_slice %dot_general3A_542 {offsets = [0, 7168], sizes = [1, 512], strides = [1, 1]} : vector<1x12800xf32> to vector<1x512xf32>
    %max3A_655 = arith.maximumf %max3A_653, %slice3A_654 : vector<1x512xf32>
    %slice3A_656 = vector.extract_strided_slice %dot_general3A_542 {offsets = [0, 5120], sizes = [1, 512], strides = [1, 1]} : vector<1x12800xf32> to vector<1x512xf32>
    %sub3A_657 = arith.subf %slice3A_656, %max3A_655 : vector<1x512xf32>
    %exp3A_658 = math.exp %sub3A_657 : vector<1x512xf32>
    %slice3A_659 = vector.extract_strided_slice %dot_general3A_542 {offsets = [0, 5632], sizes = [1, 512], strides = [1, 1]} : vector<1x12800xf32> to vector<1x512xf32>
    %sub3A_660 = arith.subf %slice3A_659, %max3A_655 : vector<1x512xf32>
    %exp3A_661 = math.exp %sub3A_660 : vector<1x512xf32>
    %slice3A_662 = vector.extract_strided_slice %dot_general3A_542 {offsets = [0, 6144], sizes = [1, 512], strides = [1, 1]} : vector<1x12800xf32> to vector<1x512xf32>
    %sub3A_663 = arith.subf %slice3A_662, %max3A_655 : vector<1x512xf32>
    %exp3A_664 = math.exp %sub3A_663 : vector<1x512xf32>
    %slice3A_665 = vector.extract_strided_slice %dot_general3A_542 {offsets = [0, 6656], sizes = [1, 512], strides = [1, 1]} : vector<1x12800xf32> to vector<1x512xf32>
    %sub3A_666 = arith.subf %slice3A_665, %max3A_655 : vector<1x512xf32>
    %exp3A_667 = math.exp %sub3A_666 : vector<1x512xf32>
    %slice3A_668 = vector.extract_strided_slice %dot_general3A_542 {offsets = [0, 7168], sizes = [1, 512], strides = [1, 1]} : vector<1x12800xf32> to vector<1x512xf32>
    %sub3A_669 = arith.subf %slice3A_668, %max3A_655 : vector<1x512xf32>
    %exp3A_670 = math.exp %sub3A_669 : vector<1x512xf32>
    %add3A_671 = arith.addf %exp3A_658, %exp3A_661 : vector<1x512xf32>
    %add3A_672 = arith.addf %add3A_671, %exp3A_664 : vector<1x512xf32>
    %add3A_673 = arith.addf %add3A_672, %exp3A_667 : vector<1x512xf32>
    %add3A_674 = arith.addf %add3A_673, %exp3A_670 : vector<1x512xf32>
    %div3A_675 = arith.constant 1.000000e+00 : f32
    %div3A_676 = vector.broadcast %div3A_675 : f32 to vector<1x512xf32>
    %div3A_677 = arith.divf %div3A_676, %add3A_674 : vector<1x512xf32>
    %slice3A_678 = vector.extract_strided_slice %max3A_538 {offsets = [0, 5120], sizes = [1, 512], strides = [1, 1]} : vector<1x12800xf32> to vector<1x512xf32>
    %mul3A_679 = arith.mulf %slice3A_678, %exp3A_658 : vector<1x512xf32>
    %mul3A_680 = arith.mulf %mul3A_679, %div3A_677 : vector<1x512xf32>
    %add3A_681 = arith.addf %add3A_646, %mul3A_680 : vector<1x512xf32>
    %slice3A_682 = vector.extract_strided_slice %max3A_538 {offsets = [0, 5632], sizes = [1, 512], strides = [1, 1]} : vector<1x12800xf32> to vector<1x512xf32>
    %mul3A_683 = arith.mulf %slice3A_682, %exp3A_661 : vector<1x512xf32>
    %mul3A_684 = arith.mulf %mul3A_683, %div3A_677 : vector<1x512xf32>
    %add3A_685 = arith.addf %add3A_681, %mul3A_684 : vector<1x512xf32>
    %slice3A_686 = vector.extract_strided_slice %max3A_538 {offsets = [0, 6144], sizes = [1, 512], strides = [1, 1]} : vector<1x12800xf32> to vector<1x512xf32>
    %mul3A_687 = arith.mulf %slice3A_686, %exp3A_664 : vector<1x512xf32>
    %mul3A_688 = arith.mulf %mul3A_687, %div3A_677 : vector<1x512xf32>
    %add3A_689 = arith.addf %add3A_685, %mul3A_688 : vector<1x512xf32>
    %slice3A_690 = vector.extract_strided_slice %max3A_538 {offsets = [0, 6656], sizes = [1, 512], strides = [1, 1]} : vector<1x12800xf32> to vector<1x512xf32>
    %mul3A_691 = arith.mulf %slice3A_690, %exp3A_667 : vector<1x512xf32>
    %mul3A_692 = arith.mulf %mul3A_691, %div3A_677 : vector<1x512xf32>
    %add3A_693 = arith.addf %add3A_689, %mul3A_692 : vector<1x512xf32>
    %slice3A_694 = vector.extract_strided_slice %max3A_538 {offsets = [0, 7168], sizes = [1, 512], strides = [1, 1]} : vector<1x12800xf32> to vector<1x512xf32>
    %mul3A_695 = arith.mulf %slice3A_694, %exp3A_670 : vector<1x512xf32>
    %mul3A_696 = arith.mulf %mul3A_695, %div3A_677 : vector<1x512xf32>
    %add3A_697 = arith.addf %add3A_693, %mul3A_696 : vector<1x512xf32>
    %slice3A_698 = vector.extract_strided_slice %dot_general3A_542 {offsets = [0, 7680], sizes = [1, 512], strides = [1, 1]} : vector<1x12800xf32> to vector<1x512xf32>
    %slice3A_699 = vector.extract_strided_slice %dot_general3A_542 {offsets = [0, 8192], sizes = [1, 512], strides = [1, 1]} : vector<1x12800xf32> to vector<1x512xf32>
    %max3A_700 = arith.maximumf %slice3A_698, %slice3A_699 : vector<1x512xf32>
    %slice3A_701 = vector.extract_strided_slice %dot_general3A_542 {offsets = [0, 8704], sizes = [1, 512], strides = [1, 1]} : vector<1x12800xf32> to vector<1x512xf32>
    %max3A_702 = arith.maximumf %max3A_700, %slice3A_701 : vector<1x512xf32>
    %slice3A_703 = vector.extract_strided_slice %dot_general3A_542 {offsets = [0, 9216], sizes = [1, 512], strides = [1, 1]} : vector<1x12800xf32> to vector<1x512xf32>
    %max3A_704 = arith.maximumf %max3A_702, %slice3A_703 : vector<1x512xf32>
    %slice3A_705 = vector.extract_strided_slice %dot_general3A_542 {offsets = [0, 9728], sizes = [1, 512], strides = [1, 1]} : vector<1x12800xf32> to vector<1x512xf32>
    %max3A_706 = arith.maximumf %max3A_704, %slice3A_705 : vector<1x512xf32>
    %slice3A_707 = vector.extract_strided_slice %dot_general3A_542 {offsets = [0, 7680], sizes = [1, 512], strides = [1, 1]} : vector<1x12800xf32> to vector<1x512xf32>
    %sub3A_708 = arith.subf %slice3A_707, %max3A_706 : vector<1x512xf32>
    %exp3A_709 = math.exp %sub3A_708 : vector<1x512xf32>
    %slice3A_710 = vector.extract_strided_slice %dot_general3A_542 {offsets = [0, 8192], sizes = [1, 512], strides = [1, 1]} : vector<1x12800xf32> to vector<1x512xf32>
    %sub3A_711 = arith.subf %slice3A_710, %max3A_706 : vector<1x512xf32>
    %exp3A_712 = math.exp %sub3A_711 : vector<1x512xf32>
    %slice3A_713 = vector.extract_strided_slice %dot_general3A_542 {offsets = [0, 8704], sizes = [1, 512], strides = [1, 1]} : vector<1x12800xf32> to vector<1x512xf32>
    %sub3A_714 = arith.subf %slice3A_713, %max3A_706 : vector<1x512xf32>
    %exp3A_715 = math.exp %sub3A_714 : vector<1x512xf32>
    %slice3A_716 = vector.extract_strided_slice %dot_general3A_542 {offsets = [0, 9216], sizes = [1, 512], strides = [1, 1]} : vector<1x12800xf32> to vector<1x512xf32>
    %sub3A_717 = arith.subf %slice3A_716, %max3A_706 : vector<1x512xf32>
    %exp3A_718 = math.exp %sub3A_717 : vector<1x512xf32>
    %slice3A_719 = vector.extract_strided_slice %dot_general3A_542 {offsets = [0, 9728], sizes = [1, 512], strides = [1, 1]} : vector<1x12800xf32> to vector<1x512xf32>
    %sub3A_720 = arith.subf %slice3A_719, %max3A_706 : vector<1x512xf32>
    %exp3A_721 = math.exp %sub3A_720 : vector<1x512xf32>
    %add3A_722 = arith.addf %exp3A_709, %exp3A_712 : vector<1x512xf32>
    %add3A_723 = arith.addf %add3A_722, %exp3A_715 : vector<1x512xf32>
    %add3A_724 = arith.addf %add3A_723, %exp3A_718 : vector<1x512xf32>
    %add3A_725 = arith.addf %add3A_724, %exp3A_721 : vector<1x512xf32>
    %div3A_726 = arith.constant 1.000000e+00 : f32
    %div3A_727 = vector.broadcast %div3A_726 : f32 to vector<1x512xf32>
    %div3A_728 = arith.divf %div3A_727, %add3A_725 : vector<1x512xf32>
    %slice3A_729 = vector.extract_strided_slice %max3A_538 {offsets = [0, 7680], sizes = [1, 512], strides = [1, 1]} : vector<1x12800xf32> to vector<1x512xf32>
    %mul3A_730 = arith.mulf %slice3A_729, %exp3A_709 : vector<1x512xf32>
    %mul3A_731 = arith.mulf %mul3A_730, %div3A_728 : vector<1x512xf32>
    %add3A_732 = arith.addf %add3A_697, %mul3A_731 : vector<1x512xf32>
    %slice3A_733 = vector.extract_strided_slice %max3A_538 {offsets = [0, 8192], sizes = [1, 512], strides = [1, 1]} : vector<1x12800xf32> to vector<1x512xf32>
    %mul3A_734 = arith.mulf %slice3A_733, %exp3A_712 : vector<1x512xf32>
    %mul3A_735 = arith.mulf %mul3A_734, %div3A_728 : vector<1x512xf32>
    %add3A_736 = arith.addf %add3A_732, %mul3A_735 : vector<1x512xf32>
    %slice3A_737 = vector.extract_strided_slice %max3A_538 {offsets = [0, 8704], sizes = [1, 512], strides = [1, 1]} : vector<1x12800xf32> to vector<1x512xf32>
    %mul3A_738 = arith.mulf %slice3A_737, %exp3A_715 : vector<1x512xf32>
    %mul3A_739 = arith.mulf %mul3A_738, %div3A_728 : vector<1x512xf32>
    %add3A_740 = arith.addf %add3A_736, %mul3A_739 : vector<1x512xf32>
    %slice3A_741 = vector.extract_strided_slice %max3A_538 {offsets = [0, 9216], sizes = [1, 512], strides = [1, 1]} : vector<1x12800xf32> to vector<1x512xf32>
    %mul3A_742 = arith.mulf %slice3A_741, %exp3A_718 : vector<1x512xf32>
    %mul3A_743 = arith.mulf %mul3A_742, %div3A_728 : vector<1x512xf32>
    %add3A_744 = arith.addf %add3A_740, %mul3A_743 : vector<1x512xf32>
    %slice3A_745 = vector.extract_strided_slice %max3A_538 {offsets = [0, 9728], sizes = [1, 512], strides = [1, 1]} : vector<1x12800xf32> to vector<1x512xf32>
    %mul3A_746 = arith.mulf %slice3A_745, %exp3A_721 : vector<1x512xf32>
    %mul3A_747 = arith.mulf %mul3A_746, %div3A_728 : vector<1x512xf32>
    %add3A_748 = arith.addf %add3A_744, %mul3A_747 : vector<1x512xf32>
    %slice3A_749 = vector.extract_strided_slice %dot_general3A_542 {offsets = [0, 10240], sizes = [1, 512], strides = [1, 1]} : vector<1x12800xf32> to vector<1x512xf32>
    %slice3A_750 = vector.extract_strided_slice %dot_general3A_542 {offsets = [0, 10752], sizes = [1, 512], strides = [1, 1]} : vector<1x12800xf32> to vector<1x512xf32>
    %max3A_751 = arith.maximumf %slice3A_749, %slice3A_750 : vector<1x512xf32>
    %slice3A_752 = vector.extract_strided_slice %dot_general3A_542 {offsets = [0, 11264], sizes = [1, 512], strides = [1, 1]} : vector<1x12800xf32> to vector<1x512xf32>
    %max3A_753 = arith.maximumf %max3A_751, %slice3A_752 : vector<1x512xf32>
    %slice3A_754 = vector.extract_strided_slice %dot_general3A_542 {offsets = [0, 11776], sizes = [1, 512], strides = [1, 1]} : vector<1x12800xf32> to vector<1x512xf32>
    %max3A_755 = arith.maximumf %max3A_753, %slice3A_754 : vector<1x512xf32>
    %slice3A_756 = vector.extract_strided_slice %dot_general3A_542 {offsets = [0, 12288], sizes = [1, 512], strides = [1, 1]} : vector<1x12800xf32> to vector<1x512xf32>
    %max3A_757 = arith.maximumf %max3A_755, %slice3A_756 : vector<1x512xf32>
    %slice3A_758 = vector.extract_strided_slice %dot_general3A_542 {offsets = [0, 10240], sizes = [1, 512], strides = [1, 1]} : vector<1x12800xf32> to vector<1x512xf32>
    %sub3A_759 = arith.subf %slice3A_758, %max3A_757 : vector<1x512xf32>
    %exp3A_760 = math.exp %sub3A_759 : vector<1x512xf32>
    %slice3A_761 = vector.extract_strided_slice %dot_general3A_542 {offsets = [0, 10752], sizes = [1, 512], strides = [1, 1]} : vector<1x12800xf32> to vector<1x512xf32>
    %sub3A_762 = arith.subf %slice3A_761, %max3A_757 : vector<1x512xf32>
    %exp3A_763 = math.exp %sub3A_762 : vector<1x512xf32>
    %slice3A_764 = vector.extract_strided_slice %dot_general3A_542 {offsets = [0, 11264], sizes = [1, 512], strides = [1, 1]} : vector<1x12800xf32> to vector<1x512xf32>
    %sub3A_765 = arith.subf %slice3A_764, %max3A_757 : vector<1x512xf32>
    %exp3A_766 = math.exp %sub3A_765 : vector<1x512xf32>
    %slice3A_767 = vector.extract_strided_slice %dot_general3A_542 {offsets = [0, 11776], sizes = [1, 512], strides = [1, 1]} : vector<1x12800xf32> to vector<1x512xf32>
    %sub3A_768 = arith.subf %slice3A_767, %max3A_757 : vector<1x512xf32>
    %exp3A_769 = math.exp %sub3A_768 : vector<1x512xf32>
    %slice3A_770 = vector.extract_strided_slice %dot_general3A_542 {offsets = [0, 12288], sizes = [1, 512], strides = [1, 1]} : vector<1x12800xf32> to vector<1x512xf32>
    %sub3A_771 = arith.subf %slice3A_770, %max3A_757 : vector<1x512xf32>
    %exp3A_772 = math.exp %sub3A_771 : vector<1x512xf32>
    %add3A_773 = arith.addf %exp3A_760, %exp3A_763 : vector<1x512xf32>
    %add3A_774 = arith.addf %add3A_773, %exp3A_766 : vector<1x512xf32>
    %add3A_775 = arith.addf %add3A_774, %exp3A_769 : vector<1x512xf32>
    %add3A_776 = arith.addf %add3A_775, %exp3A_772 : vector<1x512xf32>
    %div3A_777 = arith.constant 1.000000e+00 : f32
    %div3A_778 = vector.broadcast %div3A_777 : f32 to vector<1x512xf32>
    %div3A_779 = arith.divf %div3A_778, %add3A_776 : vector<1x512xf32>
    %slice3A_780 = vector.extract_strided_slice %max3A_538 {offsets = [0, 10240], sizes = [1, 512], strides = [1, 1]} : vector<1x12800xf32> to vector<1x512xf32>
    %mul3A_781 = arith.mulf %slice3A_780, %exp3A_760 : vector<1x512xf32>
    %mul3A_782 = arith.mulf %mul3A_781, %div3A_779 : vector<1x512xf32>
    %add3A_783 = arith.addf %add3A_748, %mul3A_782 : vector<1x512xf32>
    %slice3A_784 = vector.extract_strided_slice %max3A_538 {offsets = [0, 10752], sizes = [1, 512], strides = [1, 1]} : vector<1x12800xf32> to vector<1x512xf32>
    %mul3A_785 = arith.mulf %slice3A_784, %exp3A_763 : vector<1x512xf32>
    %mul3A_786 = arith.mulf %mul3A_785, %div3A_779 : vector<1x512xf32>
    %add3A_787 = arith.addf %add3A_783, %mul3A_786 : vector<1x512xf32>
    %slice3A_788 = vector.extract_strided_slice %max3A_538 {offsets = [0, 11264], sizes = [1, 512], strides = [1, 1]} : vector<1x12800xf32> to vector<1x512xf32>
    %mul3A_789 = arith.mulf %slice3A_788, %exp3A_766 : vector<1x512xf32>
    %mul3A_790 = arith.mulf %mul3A_789, %div3A_779 : vector<1x512xf32>
    %add3A_791 = arith.addf %add3A_787, %mul3A_790 : vector<1x512xf32>
    %slice3A_792 = vector.extract_strided_slice %max3A_538 {offsets = [0, 11776], sizes = [1, 512], strides = [1, 1]} : vector<1x12800xf32> to vector<1x512xf32>
    %mul3A_793 = arith.mulf %slice3A_792, %exp3A_769 : vector<1x512xf32>
    %mul3A_794 = arith.mulf %mul3A_793, %div3A_779 : vector<1x512xf32>
    %add3A_795 = arith.addf %add3A_791, %mul3A_794 : vector<1x512xf32>
    %slice3A_796 = vector.extract_strided_slice %max3A_538 {offsets = [0, 12288], sizes = [1, 512], strides = [1, 1]} : vector<1x12800xf32> to vector<1x512xf32>
    %mul3A_797 = arith.mulf %slice3A_796, %exp3A_772 : vector<1x512xf32>
    %mul3A_798 = arith.mulf %mul3A_797, %div3A_779 : vector<1x512xf32>
    %add3A_799 = arith.addf %add3A_795, %mul3A_798 : vector<1x512xf32>
    %add3A_800 = arith.addf %add3A_452, %add3A_799 : vector<1x512xf32>
    %dot_general3A_801 = arith.constant dense<0.000000e+00> : vector<32x512xf32>
    %dot_general3A_802 = tpu.matmul %get3A_130, %slice3A_33, %dot_general3A_801 {dimension_numbers = #tpu.dot_dimension_numbers<[1], [0], [0], [1], [0, 0, 1, 1], [], []>, transpose_lhs_hint = false} : vector<32x32xf32>, vector<32x512xf32>, vector<32x512xf32> -> vector<32x512xf32>
    %add3A_803 = vector.broadcast %get3A_133 : vector<32x1xf32> to vector<32x512xf32>
    %add3A_804 = arith.addf %dot_general3A_802, %add3A_803 : vector<32x512xf32>
    %dot_general3A_805 = arith.constant dense<0.000000e+00> : vector<32x512xf32>
    %dot_general3A_806 = tpu.matmul %get3A_130, %slice3A_34, %dot_general3A_805 {dimension_numbers = #tpu.dot_dimension_numbers<[1], [0], [0], [1], [0, 0, 1, 1], [], []>, transpose_lhs_hint = false} : vector<32x32xf32>, vector<32x512xf32>, vector<32x512xf32> -> vector<32x512xf32>
    %add3A_807 = vector.broadcast %get3A_133 : vector<32x1xf32> to vector<32x512xf32>
    %add3A_808 = arith.addf %dot_general3A_806, %add3A_807 : vector<32x512xf32>
    %dot_general3A_809 = arith.constant dense<0.000000e+00> : vector<32x512xf32>
    %dot_general3A_810 = tpu.matmul %get3A_130, %slice3A_35, %dot_general3A_809 {dimension_numbers = #tpu.dot_dimension_numbers<[1], [0], [0], [1], [0, 0, 1, 1], [], []>, transpose_lhs_hint = false} : vector<32x32xf32>, vector<32x512xf32>, vector<32x512xf32> -> vector<32x512xf32>
    %add3A_811 = vector.broadcast %get3A_133 : vector<32x1xf32> to vector<32x512xf32>
    %add3A_812 = arith.addf %dot_general3A_810, %add3A_811 : vector<32x512xf32>
    %dot_general3A_813 = arith.constant dense<0.000000e+00> : vector<32x512xf32>
    %dot_general3A_814 = tpu.matmul %get3A_130, %slice3A_36, %dot_general3A_813 {dimension_numbers = #tpu.dot_dimension_numbers<[1], [0], [0], [1], [0, 0, 1, 1], [], []>, transpose_lhs_hint = false} : vector<32x32xf32>, vector<32x512xf32>, vector<32x512xf32> -> vector<32x512xf32>
    %add3A_815 = vector.broadcast %get3A_133 : vector<32x1xf32> to vector<32x512xf32>
    %add3A_816 = arith.addf %dot_general3A_814, %add3A_815 : vector<32x512xf32>
    %dot_general3A_817 = arith.constant dense<0.000000e+00> : vector<32x512xf32>
    %dot_general3A_818 = tpu.matmul %get3A_130, %slice3A_37, %dot_general3A_817 {dimension_numbers = #tpu.dot_dimension_numbers<[1], [0], [0], [1], [0, 0, 1, 1], [], []>, transpose_lhs_hint = false} : vector<32x32xf32>, vector<32x512xf32>, vector<32x512xf32> -> vector<32x512xf32>
    %add3A_819 = vector.broadcast %get3A_133 : vector<32x1xf32> to vector<32x512xf32>
    %add3A_820 = arith.addf %dot_general3A_818, %add3A_819 : vector<32x512xf32>
    %mul3A_821 = arith.mulf %slice3A_33, %slice3A_33 : vector<32x512xf32>
    %mul3A_822 = arith.mulf %add3A_804, %slice3A_33 : vector<32x512xf32>
    %mul3A_823 = arith.mulf %slice3A_33, %slice3A_34 : vector<32x512xf32>
    %mul3A_824 = arith.mulf %add3A_804, %slice3A_34 : vector<32x512xf32>
    %mul3A_825 = arith.mulf %slice3A_33, %slice3A_35 : vector<32x512xf32>
    %mul3A_826 = arith.mulf %add3A_804, %slice3A_35 : vector<32x512xf32>
    %mul3A_827 = arith.mulf %slice3A_33, %slice3A_36 : vector<32x512xf32>
    %mul3A_828 = arith.mulf %add3A_804, %slice3A_36 : vector<32x512xf32>
    %mul3A_829 = arith.mulf %slice3A_33, %slice3A_37 : vector<32x512xf32>
    %mul3A_830 = arith.mulf %add3A_804, %slice3A_37 : vector<32x512xf32>
    %mul3A_831 = arith.mulf %slice3A_34, %slice3A_33 : vector<32x512xf32>
    %mul3A_832 = arith.mulf %add3A_808, %slice3A_33 : vector<32x512xf32>
    %mul3A_833 = arith.mulf %slice3A_34, %slice3A_34 : vector<32x512xf32>
    %mul3A_834 = arith.mulf %add3A_808, %slice3A_34 : vector<32x512xf32>
    %mul3A_835 = arith.mulf %slice3A_34, %slice3A_35 : vector<32x512xf32>
    %mul3A_836 = arith.mulf %add3A_808, %slice3A_35 : vector<32x512xf32>
    %mul3A_837 = arith.mulf %slice3A_34, %slice3A_36 : vector<32x512xf32>
    %mul3A_838 = arith.mulf %add3A_808, %slice3A_36 : vector<32x512xf32>
    %mul3A_839 = arith.mulf %slice3A_34, %slice3A_37 : vector<32x512xf32>
    %mul3A_840 = arith.mulf %add3A_808, %slice3A_37 : vector<32x512xf32>
    %mul3A_841 = arith.mulf %slice3A_35, %slice3A_33 : vector<32x512xf32>
    %mul3A_842 = arith.mulf %add3A_812, %slice3A_33 : vector<32x512xf32>
    %mul3A_843 = arith.mulf %slice3A_35, %slice3A_34 : vector<32x512xf32>
    %mul3A_844 = arith.mulf %add3A_812, %slice3A_34 : vector<32x512xf32>
    %mul3A_845 = arith.mulf %slice3A_35, %slice3A_35 : vector<32x512xf32>
    %mul3A_846 = arith.mulf %add3A_812, %slice3A_35 : vector<32x512xf32>
    %mul3A_847 = arith.mulf %slice3A_35, %slice3A_36 : vector<32x512xf32>
    %mul3A_848 = arith.mulf %add3A_812, %slice3A_36 : vector<32x512xf32>
    %mul3A_849 = arith.mulf %slice3A_35, %slice3A_37 : vector<32x512xf32>
    %mul3A_850 = arith.mulf %add3A_812, %slice3A_37 : vector<32x512xf32>
    %mul3A_851 = arith.mulf %slice3A_36, %slice3A_33 : vector<32x512xf32>
    %mul3A_852 = arith.mulf %add3A_816, %slice3A_33 : vector<32x512xf32>
    %mul3A_853 = arith.mulf %slice3A_36, %slice3A_34 : vector<32x512xf32>
    %mul3A_854 = arith.mulf %add3A_816, %slice3A_34 : vector<32x512xf32>
    %mul3A_855 = arith.mulf %slice3A_36, %slice3A_35 : vector<32x512xf32>
    %mul3A_856 = arith.mulf %add3A_816, %slice3A_35 : vector<32x512xf32>
    %mul3A_857 = arith.mulf %slice3A_36, %slice3A_36 : vector<32x512xf32>
    %mul3A_858 = arith.mulf %add3A_816, %slice3A_36 : vector<32x512xf32>
    %mul3A_859 = arith.mulf %slice3A_36, %slice3A_37 : vector<32x512xf32>
    %mul3A_860 = arith.mulf %add3A_816, %slice3A_37 : vector<32x512xf32>
    %mul3A_861 = arith.mulf %slice3A_37, %slice3A_33 : vector<32x512xf32>
    %mul3A_862 = arith.mulf %add3A_820, %slice3A_33 : vector<32x512xf32>
    %mul3A_863 = arith.mulf %slice3A_37, %slice3A_34 : vector<32x512xf32>
    %mul3A_864 = arith.mulf %add3A_820, %slice3A_34 : vector<32x512xf32>
    %mul3A_865 = arith.mulf %slice3A_37, %slice3A_35 : vector<32x512xf32>
    %mul3A_866 = arith.mulf %add3A_820, %slice3A_35 : vector<32x512xf32>
    %mul3A_867 = arith.mulf %slice3A_37, %slice3A_36 : vector<32x512xf32>
    %mul3A_868 = arith.mulf %add3A_820, %slice3A_36 : vector<32x512xf32>
    %mul3A_869 = arith.mulf %slice3A_37, %slice3A_37 : vector<32x512xf32>
    %mul3A_870 = arith.mulf %add3A_820, %slice3A_37 : vector<32x512xf32>
    %concatenate3A_871 = tpu.concatenate %mul3A_821, %mul3A_823, %mul3A_825, %mul3A_827, %mul3A_829, %mul3A_831, %mul3A_833, %mul3A_835, %mul3A_837, %mul3A_839, %mul3A_841, %mul3A_843, %mul3A_845, %mul3A_847, %mul3A_849, %mul3A_851, %mul3A_853, %mul3A_855, %mul3A_857, %mul3A_859, %mul3A_861, %mul3A_863, %mul3A_865, %mul3A_867, %mul3A_869 in 1 : vector<32x512xf32>, vector<32x512xf32>, vector<32x512xf32>, vector<32x512xf32>, vector<32x512xf32>, vector<32x512xf32>, vector<32x512xf32>, vector<32x512xf32>, vector<32x512xf32>, vector<32x512xf32>, vector<32x512xf32>, vector<32x512xf32>, vector<32x512xf32>, vector<32x512xf32>, vector<32x512xf32>, vector<32x512xf32>, vector<32x512xf32>, vector<32x512xf32>, vector<32x512xf32>, vector<32x512xf32>, vector<32x512xf32>, vector<32x512xf32>, vector<32x512xf32>, vector<32x512xf32>, vector<32x512xf32> -> vector<32x12800xf32>
    %concatenate3A_872 = tpu.concatenate %mul3A_822, %mul3A_824, %mul3A_826, %mul3A_828, %mul3A_830, %mul3A_832, %mul3A_834, %mul3A_836, %mul3A_838, %mul3A_840, %mul3A_842, %mul3A_844, %mul3A_846, %mul3A_848, %mul3A_850, %mul3A_852, %mul3A_854, %mul3A_856, %mul3A_858, %mul3A_860, %mul3A_862, %mul3A_864, %mul3A_866, %mul3A_868, %mul3A_870 in 1 : vector<32x512xf32>, vector<32x512xf32>, vector<32x512xf32>, vector<32x512xf32>, vector<32x512xf32>, vector<32x512xf32>, vector<32x512xf32>, vector<32x512xf32>, vector<32x512xf32>, vector<32x512xf32>, vector<32x512xf32>, vector<32x512xf32>, vector<32x512xf32>, vector<32x512xf32>, vector<32x512xf32>, vector<32x512xf32>, vector<32x512xf32>, vector<32x512xf32>, vector<32x512xf32>, vector<32x512xf32>, vector<32x512xf32>, vector<32x512xf32>, vector<32x512xf32>, vector<32x512xf32>, vector<32x512xf32> -> vector<32x12800xf32>
    %dot_general3A_873 = arith.constant dense<0.000000e+00> : vector<50x12800xf32>
    %dot_general3A_874 = tpu.matmul %get3A_118, %concatenate3A_871, %dot_general3A_873 {dimension_numbers = #tpu.dot_dimension_numbers<[1], [0], [0], [1], [0, 0, 1, 1], [], []>, transpose_lhs_hint = false} : vector<50x32xf32>, vector<32x12800xf32>, vector<50x12800xf32> -> vector<50x12800xf32>
    %add3A_875 = vector.broadcast %get3A_121 : vector<50x1xf32> to vector<50x12800xf32>
    %add3A_876 = arith.addf %dot_general3A_874, %add3A_875 : vector<50x12800xf32>
    %max3A_877 = arith.constant 0.000000e+00 : f32
    %max3A_878 = vector.broadcast %max3A_877 : f32 to vector<50x12800xf32>
    %max3A_879 = arith.maximumf %add3A_876, %max3A_878 : vector<50x12800xf32>
    %dot_general3A_880 = arith.constant dense<0.000000e+00> : vector<1x12800xf32>
    %dot_general3A_881 = tpu.matmul %get3A_124, %max3A_879, %dot_general3A_880 {dimension_numbers = #tpu.dot_dimension_numbers<[1], [0], [0], [1], [0, 0, 1, 1], [], []>, transpose_lhs_hint = false} : vector<1x50xf32>, vector<50x12800xf32>, vector<1x12800xf32> -> vector<1x12800xf32>
    %add3A_882 = vector.broadcast %get3A_127 : vector<1x1xf32> to vector<1x12800xf32>
    %add3A_883 = arith.addf %dot_general3A_881, %add3A_882 : vector<1x12800xf32>
    %max3A_884 = arith.constant 0.000000e+00 : f32
    %max3A_885 = vector.broadcast %max3A_884 : f32 to vector<1x12800xf32>
    %max3A_886 = arith.maximumf %add3A_883, %max3A_885 : vector<1x12800xf32>
    %broadcast_in_dim3A_887 = arith.constant 1.000000e+00 : f32
    %broadcast_in_dim3A_888 = vector.broadcast %broadcast_in_dim3A_887 : f32 to vector<1x32xf32>
    %dot_general3A_889 = arith.constant dense<0.000000e+00> : vector<1x12800xf32>
    %dot_general3A_890 = tpu.matmul %broadcast_in_dim3A_888, %concatenate3A_872, %dot_general3A_889 {dimension_numbers = #tpu.dot_dimension_numbers<[1], [0], [0], [1], [0, 0, 1, 1], [], []>, transpose_lhs_hint = false} : vector<1x32xf32>, vector<32x12800xf32>, vector<1x12800xf32> -> vector<1x12800xf32>
    %broadcast_in_dim3A_891 = arith.constant 0.000000e+00 : f32
    %broadcast_in_dim3A_892 = vector.broadcast %broadcast_in_dim3A_891 : f32 to vector<1x512xf32>
    %slice3A_893 = vector.extract_strided_slice %dot_general3A_890 {offsets = [0, 512], sizes = [1, 512], strides = [1, 1]} : vector<1x12800xf32> to vector<1x512xf32>
    %slice3A_894 = vector.extract_strided_slice %dot_general3A_890 {offsets = [0, 1024], sizes = [1, 512], strides = [1, 1]} : vector<1x12800xf32> to vector<1x512xf32>
    %max3A_895 = arith.maximumf %slice3A_893, %slice3A_894 : vector<1x512xf32>
    %slice3A_896 = vector.extract_strided_slice %dot_general3A_890 {offsets = [0, 1536], sizes = [1, 512], strides = [1, 1]} : vector<1x12800xf32> to vector<1x512xf32>
    %max3A_897 = arith.maximumf %max3A_895, %slice3A_896 : vector<1x512xf32>
    %slice3A_898 = vector.extract_strided_slice %dot_general3A_890 {offsets = [0, 2048], sizes = [1, 512], strides = [1, 1]} : vector<1x12800xf32> to vector<1x512xf32>
    %max3A_899 = arith.maximumf %max3A_897, %slice3A_898 : vector<1x512xf32>
    %slice3A_900 = vector.extract_strided_slice %dot_general3A_890 {offsets = [0, 512], sizes = [1, 512], strides = [1, 1]} : vector<1x12800xf32> to vector<1x512xf32>
    %sub3A_901 = arith.subf %slice3A_900, %max3A_899 : vector<1x512xf32>
    %exp3A_902 = math.exp %sub3A_901 : vector<1x512xf32>
    %slice3A_903 = vector.extract_strided_slice %dot_general3A_890 {offsets = [0, 1024], sizes = [1, 512], strides = [1, 1]} : vector<1x12800xf32> to vector<1x512xf32>
    %sub3A_904 = arith.subf %slice3A_903, %max3A_899 : vector<1x512xf32>
    %exp3A_905 = math.exp %sub3A_904 : vector<1x512xf32>
    %slice3A_906 = vector.extract_strided_slice %dot_general3A_890 {offsets = [0, 1536], sizes = [1, 512], strides = [1, 1]} : vector<1x12800xf32> to vector<1x512xf32>
    %sub3A_907 = arith.subf %slice3A_906, %max3A_899 : vector<1x512xf32>
    %exp3A_908 = math.exp %sub3A_907 : vector<1x512xf32>
    %slice3A_909 = vector.extract_strided_slice %dot_general3A_890 {offsets = [0, 2048], sizes = [1, 512], strides = [1, 1]} : vector<1x12800xf32> to vector<1x512xf32>
    %sub3A_910 = arith.subf %slice3A_909, %max3A_899 : vector<1x512xf32>
    %exp3A_911 = math.exp %sub3A_910 : vector<1x512xf32>
    %add3A_912 = arith.addf %exp3A_902, %exp3A_905 : vector<1x512xf32>
    %add3A_913 = arith.addf %add3A_912, %exp3A_908 : vector<1x512xf32>
    %add3A_914 = arith.addf %add3A_913, %exp3A_911 : vector<1x512xf32>
    %div3A_915 = arith.constant 1.000000e+00 : f32
    %div3A_916 = vector.broadcast %div3A_915 : f32 to vector<1x512xf32>
    %div3A_917 = arith.divf %div3A_916, %add3A_914 : vector<1x512xf32>
    %slice3A_918 = vector.extract_strided_slice %max3A_886 {offsets = [0, 512], sizes = [1, 512], strides = [1, 1]} : vector<1x12800xf32> to vector<1x512xf32>
    %mul3A_919 = arith.mulf %slice3A_918, %exp3A_902 : vector<1x512xf32>
    %mul3A_920 = arith.mulf %mul3A_919, %div3A_917 : vector<1x512xf32>
    %add3A_921 = arith.addf %broadcast_in_dim3A_892, %mul3A_920 : vector<1x512xf32>
    %slice3A_922 = vector.extract_strided_slice %max3A_886 {offsets = [0, 1024], sizes = [1, 512], strides = [1, 1]} : vector<1x12800xf32> to vector<1x512xf32>
    %mul3A_923 = arith.mulf %slice3A_922, %exp3A_905 : vector<1x512xf32>
    %mul3A_924 = arith.mulf %mul3A_923, %div3A_917 : vector<1x512xf32>
    %add3A_925 = arith.addf %add3A_921, %mul3A_924 : vector<1x512xf32>
    %slice3A_926 = vector.extract_strided_slice %max3A_886 {offsets = [0, 1536], sizes = [1, 512], strides = [1, 1]} : vector<1x12800xf32> to vector<1x512xf32>
    %mul3A_927 = arith.mulf %slice3A_926, %exp3A_908 : vector<1x512xf32>
    %mul3A_928 = arith.mulf %mul3A_927, %div3A_917 : vector<1x512xf32>
    %add3A_929 = arith.addf %add3A_925, %mul3A_928 : vector<1x512xf32>
    %slice3A_930 = vector.extract_strided_slice %max3A_886 {offsets = [0, 2048], sizes = [1, 512], strides = [1, 1]} : vector<1x12800xf32> to vector<1x512xf32>
    %mul3A_931 = arith.mulf %slice3A_930, %exp3A_911 : vector<1x512xf32>
    %mul3A_932 = arith.mulf %mul3A_931, %div3A_917 : vector<1x512xf32>
    %add3A_933 = arith.addf %add3A_929, %mul3A_932 : vector<1x512xf32>
    %slice3A_934 = vector.extract_strided_slice %dot_general3A_890 {offsets = [0, 2560], sizes = [1, 512], strides = [1, 1]} : vector<1x12800xf32> to vector<1x512xf32>
    %slice3A_935 = vector.extract_strided_slice %dot_general3A_890 {offsets = [0, 3584], sizes = [1, 512], strides = [1, 1]} : vector<1x12800xf32> to vector<1x512xf32>
    %max3A_936 = arith.maximumf %slice3A_934, %slice3A_935 : vector<1x512xf32>
    %slice3A_937 = vector.extract_strided_slice %dot_general3A_890 {offsets = [0, 4096], sizes = [1, 512], strides = [1, 1]} : vector<1x12800xf32> to vector<1x512xf32>
    %max3A_938 = arith.maximumf %max3A_936, %slice3A_937 : vector<1x512xf32>
    %slice3A_939 = vector.extract_strided_slice %dot_general3A_890 {offsets = [0, 4608], sizes = [1, 512], strides = [1, 1]} : vector<1x12800xf32> to vector<1x512xf32>
    %max3A_940 = arith.maximumf %max3A_938, %slice3A_939 : vector<1x512xf32>
    %slice3A_941 = vector.extract_strided_slice %dot_general3A_890 {offsets = [0, 2560], sizes = [1, 512], strides = [1, 1]} : vector<1x12800xf32> to vector<1x512xf32>
    %sub3A_942 = arith.subf %slice3A_941, %max3A_940 : vector<1x512xf32>
    %exp3A_943 = math.exp %sub3A_942 : vector<1x512xf32>
    %slice3A_944 = vector.extract_strided_slice %dot_general3A_890 {offsets = [0, 3584], sizes = [1, 512], strides = [1, 1]} : vector<1x12800xf32> to vector<1x512xf32>
    %sub3A_945 = arith.subf %slice3A_944, %max3A_940 : vector<1x512xf32>
    %exp3A_946 = math.exp %sub3A_945 : vector<1x512xf32>
    %slice3A_947 = vector.extract_strided_slice %dot_general3A_890 {offsets = [0, 4096], sizes = [1, 512], strides = [1, 1]} : vector<1x12800xf32> to vector<1x512xf32>
    %sub3A_948 = arith.subf %slice3A_947, %max3A_940 : vector<1x512xf32>
    %exp3A_949 = math.exp %sub3A_948 : vector<1x512xf32>
    %slice3A_950 = vector.extract_strided_slice %dot_general3A_890 {offsets = [0, 4608], sizes = [1, 512], strides = [1, 1]} : vector<1x12800xf32> to vector<1x512xf32>
    %sub3A_951 = arith.subf %slice3A_950, %max3A_940 : vector<1x512xf32>
    %exp3A_952 = math.exp %sub3A_951 : vector<1x512xf32>
    %add3A_953 = arith.addf %exp3A_943, %exp3A_946 : vector<1x512xf32>
    %add3A_954 = arith.addf %add3A_953, %exp3A_949 : vector<1x512xf32>
    %add3A_955 = arith.addf %add3A_954, %exp3A_952 : vector<1x512xf32>
    %div3A_956 = arith.constant 1.000000e+00 : f32
    %div3A_957 = vector.broadcast %div3A_956 : f32 to vector<1x512xf32>
    %div3A_958 = arith.divf %div3A_957, %add3A_955 : vector<1x512xf32>
    %slice3A_959 = vector.extract_strided_slice %max3A_886 {offsets = [0, 2560], sizes = [1, 512], strides = [1, 1]} : vector<1x12800xf32> to vector<1x512xf32>
    %mul3A_960 = arith.mulf %slice3A_959, %exp3A_943 : vector<1x512xf32>
    %mul3A_961 = arith.mulf %mul3A_960, %div3A_958 : vector<1x512xf32>
    %add3A_962 = arith.addf %add3A_933, %mul3A_961 : vector<1x512xf32>
    %slice3A_963 = vector.extract_strided_slice %max3A_886 {offsets = [0, 3584], sizes = [1, 512], strides = [1, 1]} : vector<1x12800xf32> to vector<1x512xf32>
    %mul3A_964 = arith.mulf %slice3A_963, %exp3A_946 : vector<1x512xf32>
    %mul3A_965 = arith.mulf %mul3A_964, %div3A_958 : vector<1x512xf32>
    %add3A_966 = arith.addf %add3A_962, %mul3A_965 : vector<1x512xf32>
    %slice3A_967 = vector.extract_strided_slice %max3A_886 {offsets = [0, 4096], sizes = [1, 512], strides = [1, 1]} : vector<1x12800xf32> to vector<1x512xf32>
    %mul3A_968 = arith.mulf %slice3A_967, %exp3A_949 : vector<1x512xf32>
    %mul3A_969 = arith.mulf %mul3A_968, %div3A_958 : vector<1x512xf32>
    %add3A_970 = arith.addf %add3A_966, %mul3A_969 : vector<1x512xf32>
    %slice3A_971 = vector.extract_strided_slice %max3A_886 {offsets = [0, 4608], sizes = [1, 512], strides = [1, 1]} : vector<1x12800xf32> to vector<1x512xf32>
    %mul3A_972 = arith.mulf %slice3A_971, %exp3A_952 : vector<1x512xf32>
    %mul3A_973 = arith.mulf %mul3A_972, %div3A_958 : vector<1x512xf32>
    %add3A_974 = arith.addf %add3A_970, %mul3A_973 : vector<1x512xf32>
    %slice3A_975 = vector.extract_strided_slice %dot_general3A_890 {offsets = [0, 5120], sizes = [1, 512], strides = [1, 1]} : vector<1x12800xf32> to vector<1x512xf32>
    %slice3A_976 = vector.extract_strided_slice %dot_general3A_890 {offsets = [0, 5632], sizes = [1, 512], strides = [1, 1]} : vector<1x12800xf32> to vector<1x512xf32>
    %max3A_977 = arith.maximumf %slice3A_975, %slice3A_976 : vector<1x512xf32>
    %slice3A_978 = vector.extract_strided_slice %dot_general3A_890 {offsets = [0, 6656], sizes = [1, 512], strides = [1, 1]} : vector<1x12800xf32> to vector<1x512xf32>
    %max3A_979 = arith.maximumf %max3A_977, %slice3A_978 : vector<1x512xf32>
    %slice3A_980 = vector.extract_strided_slice %dot_general3A_890 {offsets = [0, 7168], sizes = [1, 512], strides = [1, 1]} : vector<1x12800xf32> to vector<1x512xf32>
    %max3A_981 = arith.maximumf %max3A_979, %slice3A_980 : vector<1x512xf32>
    %slice3A_982 = vector.extract_strided_slice %dot_general3A_890 {offsets = [0, 5120], sizes = [1, 512], strides = [1, 1]} : vector<1x12800xf32> to vector<1x512xf32>
    %sub3A_983 = arith.subf %slice3A_982, %max3A_981 : vector<1x512xf32>
    %exp3A_984 = math.exp %sub3A_983 : vector<1x512xf32>
    %slice3A_985 = vector.extract_strided_slice %dot_general3A_890 {offsets = [0, 5632], sizes = [1, 512], strides = [1, 1]} : vector<1x12800xf32> to vector<1x512xf32>
    %sub3A_986 = arith.subf %slice3A_985, %max3A_981 : vector<1x512xf32>
    %exp3A_987 = math.exp %sub3A_986 : vector<1x512xf32>
    %slice3A_988 = vector.extract_strided_slice %dot_general3A_890 {offsets = [0, 6656], sizes = [1, 512], strides = [1, 1]} : vector<1x12800xf32> to vector<1x512xf32>
    %sub3A_989 = arith.subf %slice3A_988, %max3A_981 : vector<1x512xf32>
    %exp3A_990 = math.exp %sub3A_989 : vector<1x512xf32>
    %slice3A_991 = vector.extract_strided_slice %dot_general3A_890 {offsets = [0, 7168], sizes = [1, 512], strides = [1, 1]} : vector<1x12800xf32> to vector<1x512xf32>
    %sub3A_992 = arith.subf %slice3A_991, %max3A_981 : vector<1x512xf32>
    %exp3A_993 = math.exp %sub3A_992 : vector<1x512xf32>
    %add3A_994 = arith.addf %exp3A_984, %exp3A_987 : vector<1x512xf32>
    %add3A_995 = arith.addf %add3A_994, %exp3A_990 : vector<1x512xf32>
    %add3A_996 = arith.addf %add3A_995, %exp3A_993 : vector<1x512xf32>
    %div3A_997 = arith.constant 1.000000e+00 : f32
    %div3A_998 = vector.broadcast %div3A_997 : f32 to vector<1x512xf32>
    %div3A_999 = arith.divf %div3A_998, %add3A_996 : vector<1x512xf32>
    %slice3A_1000 = vector.extract_strided_slice %max3A_886 {offsets = [0, 5120], sizes = [1, 512], strides = [1, 1]} : vector<1x12800xf32> to vector<1x512xf32>
    %mul3A_1001 = arith.mulf %slice3A_1000, %exp3A_984 : vector<1x512xf32>
    %mul3A_1002 = arith.mulf %mul3A_1001, %div3A_999 : vector<1x512xf32>
    %add3A_1003 = arith.addf %add3A_974, %mul3A_1002 : vector<1x512xf32>
    %slice3A_1004 = vector.extract_strided_slice %max3A_886 {offsets = [0, 5632], sizes = [1, 512], strides = [1, 1]} : vector<1x12800xf32> to vector<1x512xf32>
    %mul3A_1005 = arith.mulf %slice3A_1004, %exp3A_987 : vector<1x512xf32>
    %mul3A_1006 = arith.mulf %mul3A_1005, %div3A_999 : vector<1x512xf32>
    %add3A_1007 = arith.addf %add3A_1003, %mul3A_1006 : vector<1x512xf32>
    %slice3A_1008 = vector.extract_strided_slice %max3A_886 {offsets = [0, 6656], sizes = [1, 512], strides = [1, 1]} : vector<1x12800xf32> to vector<1x512xf32>
    %mul3A_1009 = arith.mulf %slice3A_1008, %exp3A_990 : vector<1x512xf32>
    %mul3A_1010 = arith.mulf %mul3A_1009, %div3A_999 : vector<1x512xf32>
    %add3A_1011 = arith.addf %add3A_1007, %mul3A_1010 : vector<1x512xf32>
    %slice3A_1012 = vector.extract_strided_slice %max3A_886 {offsets = [0, 7168], sizes = [1, 512], strides = [1, 1]} : vector<1x12800xf32> to vector<1x512xf32>
    %mul3A_1013 = arith.mulf %slice3A_1012, %exp3A_993 : vector<1x512xf32>
    %mul3A_1014 = arith.mulf %mul3A_1013, %div3A_999 : vector<1x512xf32>
    %add3A_1015 = arith.addf %add3A_1011, %mul3A_1014 : vector<1x512xf32>
    %slice3A_1016 = vector.extract_strided_slice %dot_general3A_890 {offsets = [0, 7680], sizes = [1, 512], strides = [1, 1]} : vector<1x12800xf32> to vector<1x512xf32>
    %slice3A_1017 = vector.extract_strided_slice %dot_general3A_890 {offsets = [0, 8192], sizes = [1, 512], strides = [1, 1]} : vector<1x12800xf32> to vector<1x512xf32>
    %max3A_1018 = arith.maximumf %slice3A_1016, %slice3A_1017 : vector<1x512xf32>
    %slice3A_1019 = vector.extract_strided_slice %dot_general3A_890 {offsets = [0, 8704], sizes = [1, 512], strides = [1, 1]} : vector<1x12800xf32> to vector<1x512xf32>
    %max3A_1020 = arith.maximumf %max3A_1018, %slice3A_1019 : vector<1x512xf32>
    %slice3A_1021 = vector.extract_strided_slice %dot_general3A_890 {offsets = [0, 9728], sizes = [1, 512], strides = [1, 1]} : vector<1x12800xf32> to vector<1x512xf32>
    %max3A_1022 = arith.maximumf %max3A_1020, %slice3A_1021 : vector<1x512xf32>
    %slice3A_1023 = vector.extract_strided_slice %dot_general3A_890 {offsets = [0, 7680], sizes = [1, 512], strides = [1, 1]} : vector<1x12800xf32> to vector<1x512xf32>
    %sub3A_1024 = arith.subf %slice3A_1023, %max3A_1022 : vector<1x512xf32>
    %exp3A_1025 = math.exp %sub3A_1024 : vector<1x512xf32>
    %slice3A_1026 = vector.extract_strided_slice %dot_general3A_890 {offsets = [0, 8192], sizes = [1, 512], strides = [1, 1]} : vector<1x12800xf32> to vector<1x512xf32>
    %sub3A_1027 = arith.subf %slice3A_1026, %max3A_1022 : vector<1x512xf32>
    %exp3A_1028 = math.exp %sub3A_1027 : vector<1x512xf32>
    %slice3A_1029 = vector.extract_strided_slice %dot_general3A_890 {offsets = [0, 8704], sizes = [1, 512], strides = [1, 1]} : vector<1x12800xf32> to vector<1x512xf32>
    %sub3A_1030 = arith.subf %slice3A_1029, %max3A_1022 : vector<1x512xf32>
    %exp3A_1031 = math.exp %sub3A_1030 : vector<1x512xf32>
    %slice3A_1032 = vector.extract_strided_slice %dot_general3A_890 {offsets = [0, 9728], sizes = [1, 512], strides = [1, 1]} : vector<1x12800xf32> to vector<1x512xf32>
    %sub3A_1033 = arith.subf %slice3A_1032, %max3A_1022 : vector<1x512xf32>
    %exp3A_1034 = math.exp %sub3A_1033 : vector<1x512xf32>
    %add3A_1035 = arith.addf %exp3A_1025, %exp3A_1028 : vector<1x512xf32>
    %add3A_1036 = arith.addf %add3A_1035, %exp3A_1031 : vector<1x512xf32>
    %add3A_1037 = arith.addf %add3A_1036, %exp3A_1034 : vector<1x512xf32>
    %div3A_1038 = arith.constant 1.000000e+00 : f32
    %div3A_1039 = vector.broadcast %div3A_1038 : f32 to vector<1x512xf32>
    %div3A_1040 = arith.divf %div3A_1039, %add3A_1037 : vector<1x512xf32>
    %slice3A_1041 = vector.extract_strided_slice %max3A_886 {offsets = [0, 7680], sizes = [1, 512], strides = [1, 1]} : vector<1x12800xf32> to vector<1x512xf32>
    %mul3A_1042 = arith.mulf %slice3A_1041, %exp3A_1025 : vector<1x512xf32>
    %mul3A_1043 = arith.mulf %mul3A_1042, %div3A_1040 : vector<1x512xf32>
    %add3A_1044 = arith.addf %add3A_1015, %mul3A_1043 : vector<1x512xf32>
    %slice3A_1045 = vector.extract_strided_slice %max3A_886 {offsets = [0, 8192], sizes = [1, 512], strides = [1, 1]} : vector<1x12800xf32> to vector<1x512xf32>
    %mul3A_1046 = arith.mulf %slice3A_1045, %exp3A_1028 : vector<1x512xf32>
    %mul3A_1047 = arith.mulf %mul3A_1046, %div3A_1040 : vector<1x512xf32>
    %add3A_1048 = arith.addf %add3A_1044, %mul3A_1047 : vector<1x512xf32>
    %slice3A_1049 = vector.extract_strided_slice %max3A_886 {offsets = [0, 8704], sizes = [1, 512], strides = [1, 1]} : vector<1x12800xf32> to vector<1x512xf32>
    %mul3A_1050 = arith.mulf %slice3A_1049, %exp3A_1031 : vector<1x512xf32>
    %mul3A_1051 = arith.mulf %mul3A_1050, %div3A_1040 : vector<1x512xf32>
    %add3A_1052 = arith.addf %add3A_1048, %mul3A_1051 : vector<1x512xf32>
    %slice3A_1053 = vector.extract_strided_slice %max3A_886 {offsets = [0, 9728], sizes = [1, 512], strides = [1, 1]} : vector<1x12800xf32> to vector<1x512xf32>
    %mul3A_1054 = arith.mulf %slice3A_1053, %exp3A_1034 : vector<1x512xf32>
    %mul3A_1055 = arith.mulf %mul3A_1054, %div3A_1040 : vector<1x512xf32>
    %add3A_1056 = arith.addf %add3A_1052, %mul3A_1055 : vector<1x512xf32>
    %slice3A_1057 = vector.extract_strided_slice %dot_general3A_890 {offsets = [0, 10240], sizes = [1, 512], strides = [1, 1]} : vector<1x12800xf32> to vector<1x512xf32>
    %slice3A_1058 = vector.extract_strided_slice %dot_general3A_890 {offsets = [0, 10752], sizes = [1, 512], strides = [1, 1]} : vector<1x12800xf32> to vector<1x512xf32>
    %max3A_1059 = arith.maximumf %slice3A_1057, %slice3A_1058 : vector<1x512xf32>
    %slice3A_1060 = vector.extract_strided_slice %dot_general3A_890 {offsets = [0, 11264], sizes = [1, 512], strides = [1, 1]} : vector<1x12800xf32> to vector<1x512xf32>
    %max3A_1061 = arith.maximumf %max3A_1059, %slice3A_1060 : vector<1x512xf32>
    %slice3A_1062 = vector.extract_strided_slice %dot_general3A_890 {offsets = [0, 11776], sizes = [1, 512], strides = [1, 1]} : vector<1x12800xf32> to vector<1x512xf32>
    %max3A_1063 = arith.maximumf %max3A_1061, %slice3A_1062 : vector<1x512xf32>
    %slice3A_1064 = vector.extract_strided_slice %dot_general3A_890 {offsets = [0, 10240], sizes = [1, 512], strides = [1, 1]} : vector<1x12800xf32> to vector<1x512xf32>
    %sub3A_1065 = arith.subf %slice3A_1064, %max3A_1063 : vector<1x512xf32>
    %exp3A_1066 = math.exp %sub3A_1065 : vector<1x512xf32>
    %slice3A_1067 = vector.extract_strided_slice %dot_general3A_890 {offsets = [0, 10752], sizes = [1, 512], strides = [1, 1]} : vector<1x12800xf32> to vector<1x512xf32>
    %sub3A_1068 = arith.subf %slice3A_1067, %max3A_1063 : vector<1x512xf32>
    %exp3A_1069 = math.exp %sub3A_1068 : vector<1x512xf32>
    %slice3A_1070 = vector.extract_strided_slice %dot_general3A_890 {offsets = [0, 11264], sizes = [1, 512], strides = [1, 1]} : vector<1x12800xf32> to vector<1x512xf32>
    %sub3A_1071 = arith.subf %slice3A_1070, %max3A_1063 : vector<1x512xf32>
    %exp3A_1072 = math.exp %sub3A_1071 : vector<1x512xf32>
    %slice3A_1073 = vector.extract_strided_slice %dot_general3A_890 {offsets = [0, 11776], sizes = [1, 512], strides = [1, 1]} : vector<1x12800xf32> to vector<1x512xf32>
    %sub3A_1074 = arith.subf %slice3A_1073, %max3A_1063 : vector<1x512xf32>
    %exp3A_1075 = math.exp %sub3A_1074 : vector<1x512xf32>
    %add3A_1076 = arith.addf %exp3A_1066, %exp3A_1069 : vector<1x512xf32>
    %add3A_1077 = arith.addf %add3A_1076, %exp3A_1072 : vector<1x512xf32>
    %add3A_1078 = arith.addf %add3A_1077, %exp3A_1075 : vector<1x512xf32>
    %div3A_1079 = arith.constant 1.000000e+00 : f32
    %div3A_1080 = vector.broadcast %div3A_1079 : f32 to vector<1x512xf32>
    %div3A_1081 = arith.divf %div3A_1080, %add3A_1078 : vector<1x512xf32>
    %slice3A_1082 = vector.extract_strided_slice %max3A_886 {offsets = [0, 10240], sizes = [1, 512], strides = [1, 1]} : vector<1x12800xf32> to vector<1x512xf32>
    %mul3A_1083 = arith.mulf %slice3A_1082, %exp3A_1066 : vector<1x512xf32>
    %mul3A_1084 = arith.mulf %mul3A_1083, %div3A_1081 : vector<1x512xf32>
    %add3A_1085 = arith.addf %add3A_1056, %mul3A_1084 : vector<1x512xf32>
    %slice3A_1086 = vector.extract_strided_slice %max3A_886 {offsets = [0, 10752], sizes = [1, 512], strides = [1, 1]} : vector<1x12800xf32> to vector<1x512xf32>
    %mul3A_1087 = arith.mulf %slice3A_1086, %exp3A_1069 : vector<1x512xf32>
    %mul3A_1088 = arith.mulf %mul3A_1087, %div3A_1081 : vector<1x512xf32>
    %add3A_1089 = arith.addf %add3A_1085, %mul3A_1088 : vector<1x512xf32>
    %slice3A_1090 = vector.extract_strided_slice %max3A_886 {offsets = [0, 11264], sizes = [1, 512], strides = [1, 1]} : vector<1x12800xf32> to vector<1x512xf32>
    %mul3A_1091 = arith.mulf %slice3A_1090, %exp3A_1072 : vector<1x512xf32>
    %mul3A_1092 = arith.mulf %mul3A_1091, %div3A_1081 : vector<1x512xf32>
    %add3A_1093 = arith.addf %add3A_1089, %mul3A_1092 : vector<1x512xf32>
    %slice3A_1094 = vector.extract_strided_slice %max3A_886 {offsets = [0, 11776], sizes = [1, 512], strides = [1, 1]} : vector<1x12800xf32> to vector<1x512xf32>
    %mul3A_1095 = arith.mulf %slice3A_1094, %exp3A_1075 : vector<1x512xf32>
    %mul3A_1096 = arith.mulf %mul3A_1095, %div3A_1081 : vector<1x512xf32>
    %add3A_1097 = arith.addf %add3A_1093, %mul3A_1096 : vector<1x512xf32>
    %add3A_1098 = arith.addf %reshape3A_160, %add3A_1097 : vector<1x512xf32>
    %dot_general3A_1099 = arith.constant dense<0.000000e+00> : vector<32x512xf32>
    %dot_general3A_1100 = tpu.matmul %get3A_148, %slice3A_43, %dot_general3A_1099 {dimension_numbers = #tpu.dot_dimension_numbers<[1], [0], [0], [1], [0, 0, 1, 1], [], []>, transpose_lhs_hint = false} : vector<32x32xf32>, vector<32x512xf32>, vector<32x512xf32> -> vector<32x512xf32>
    %add3A_1101 = vector.broadcast %get3A_151 : vector<32x1xf32> to vector<32x512xf32>
    %add3A_1102 = arith.addf %dot_general3A_1100, %add3A_1101 : vector<32x512xf32>
    %dot_general3A_1103 = arith.constant dense<0.000000e+00> : vector<32x512xf32>
    %dot_general3A_1104 = tpu.matmul %get3A_148, %slice3A_44, %dot_general3A_1103 {dimension_numbers = #tpu.dot_dimension_numbers<[1], [0], [0], [1], [0, 0, 1, 1], [], []>, transpose_lhs_hint = false} : vector<32x32xf32>, vector<32x512xf32>, vector<32x512xf32> -> vector<32x512xf32>
    %add3A_1105 = vector.broadcast %get3A_151 : vector<32x1xf32> to vector<32x512xf32>
    %add3A_1106 = arith.addf %dot_general3A_1104, %add3A_1105 : vector<32x512xf32>
    %dot_general3A_1107 = arith.constant dense<0.000000e+00> : vector<32x512xf32>
    %dot_general3A_1108 = tpu.matmul %get3A_148, %slice3A_45, %dot_general3A_1107 {dimension_numbers = #tpu.dot_dimension_numbers<[1], [0], [0], [1], [0, 0, 1, 1], [], []>, transpose_lhs_hint = false} : vector<32x32xf32>, vector<32x512xf32>, vector<32x512xf32> -> vector<32x512xf32>
    %add3A_1109 = vector.broadcast %get3A_151 : vector<32x1xf32> to vector<32x512xf32>
    %add3A_1110 = arith.addf %dot_general3A_1108, %add3A_1109 : vector<32x512xf32>
    %dot_general3A_1111 = arith.constant dense<0.000000e+00> : vector<32x512xf32>
    %dot_general3A_1112 = tpu.matmul %get3A_148, %slice3A_46, %dot_general3A_1111 {dimension_numbers = #tpu.dot_dimension_numbers<[1], [0], [0], [1], [0, 0, 1, 1], [], []>, transpose_lhs_hint = false} : vector<32x32xf32>, vector<32x512xf32>, vector<32x512xf32> -> vector<32x512xf32>
    %add3A_1113 = vector.broadcast %get3A_151 : vector<32x1xf32> to vector<32x512xf32>
    %add3A_1114 = arith.addf %dot_general3A_1112, %add3A_1113 : vector<32x512xf32>
    %dot_general3A_1115 = arith.constant dense<0.000000e+00> : vector<32x512xf32>
    %dot_general3A_1116 = tpu.matmul %get3A_148, %slice3A_47, %dot_general3A_1115 {dimension_numbers = #tpu.dot_dimension_numbers<[1], [0], [0], [1], [0, 0, 1, 1], [], []>, transpose_lhs_hint = false} : vector<32x32xf32>, vector<32x512xf32>, vector<32x512xf32> -> vector<32x512xf32>
    %add3A_1117 = vector.broadcast %get3A_151 : vector<32x1xf32> to vector<32x512xf32>
    %add3A_1118 = arith.addf %dot_general3A_1116, %add3A_1117 : vector<32x512xf32>
    %mul3A_1119 = arith.mulf %slice3A_43, %slice3A_48 : vector<32x512xf32>
    %mul3A_1120 = arith.mulf %add3A_1102, %slice3A_48 : vector<32x512xf32>
    %mul3A_1121 = arith.mulf %slice3A_43, %slice3A_49 : vector<32x512xf32>
    %mul3A_1122 = arith.mulf %add3A_1102, %slice3A_49 : vector<32x512xf32>
    %mul3A_1123 = arith.mulf %slice3A_43, %slice3A_50 : vector<32x512xf32>
    %mul3A_1124 = arith.mulf %add3A_1102, %slice3A_50 : vector<32x512xf32>
    %mul3A_1125 = arith.mulf %slice3A_43, %slice3A_51 : vector<32x512xf32>
    %mul3A_1126 = arith.mulf %add3A_1102, %slice3A_51 : vector<32x512xf32>
    %mul3A_1127 = arith.mulf %slice3A_43, %slice3A_52 : vector<32x512xf32>
    %mul3A_1128 = arith.mulf %add3A_1102, %slice3A_52 : vector<32x512xf32>
    %mul3A_1129 = arith.mulf %slice3A_44, %slice3A_48 : vector<32x512xf32>
    %mul3A_1130 = arith.mulf %add3A_1106, %slice3A_48 : vector<32x512xf32>
    %mul3A_1131 = arith.mulf %slice3A_44, %slice3A_49 : vector<32x512xf32>
    %mul3A_1132 = arith.mulf %add3A_1106, %slice3A_49 : vector<32x512xf32>
    %mul3A_1133 = arith.mulf %slice3A_44, %slice3A_50 : vector<32x512xf32>
    %mul3A_1134 = arith.mulf %add3A_1106, %slice3A_50 : vector<32x512xf32>
    %mul3A_1135 = arith.mulf %slice3A_44, %slice3A_51 : vector<32x512xf32>
    %mul3A_1136 = arith.mulf %add3A_1106, %slice3A_51 : vector<32x512xf32>
    %mul3A_1137 = arith.mulf %slice3A_44, %slice3A_52 : vector<32x512xf32>
    %mul3A_1138 = arith.mulf %add3A_1106, %slice3A_52 : vector<32x512xf32>
    %mul3A_1139 = arith.mulf %slice3A_45, %slice3A_48 : vector<32x512xf32>
    %mul3A_1140 = arith.mulf %add3A_1110, %slice3A_48 : vector<32x512xf32>
    %mul3A_1141 = arith.mulf %slice3A_45, %slice3A_49 : vector<32x512xf32>
    %mul3A_1142 = arith.mulf %add3A_1110, %slice3A_49 : vector<32x512xf32>
    %mul3A_1143 = arith.mulf %slice3A_45, %slice3A_50 : vector<32x512xf32>
    %mul3A_1144 = arith.mulf %add3A_1110, %slice3A_50 : vector<32x512xf32>
    %mul3A_1145 = arith.mulf %slice3A_45, %slice3A_51 : vector<32x512xf32>
    %mul3A_1146 = arith.mulf %add3A_1110, %slice3A_51 : vector<32x512xf32>
    %mul3A_1147 = arith.mulf %slice3A_45, %slice3A_52 : vector<32x512xf32>
    %mul3A_1148 = arith.mulf %add3A_1110, %slice3A_52 : vector<32x512xf32>
    %mul3A_1149 = arith.mulf %slice3A_46, %slice3A_48 : vector<32x512xf32>
    %mul3A_1150 = arith.mulf %add3A_1114, %slice3A_48 : vector<32x512xf32>
    %mul3A_1151 = arith.mulf %slice3A_46, %slice3A_49 : vector<32x512xf32>
    %mul3A_1152 = arith.mulf %add3A_1114, %slice3A_49 : vector<32x512xf32>
    %mul3A_1153 = arith.mulf %slice3A_46, %slice3A_50 : vector<32x512xf32>
    %mul3A_1154 = arith.mulf %add3A_1114, %slice3A_50 : vector<32x512xf32>
    %mul3A_1155 = arith.mulf %slice3A_46, %slice3A_51 : vector<32x512xf32>
    %mul3A_1156 = arith.mulf %add3A_1114, %slice3A_51 : vector<32x512xf32>
    %mul3A_1157 = arith.mulf %slice3A_46, %slice3A_52 : vector<32x512xf32>
    %mul3A_1158 = arith.mulf %add3A_1114, %slice3A_52 : vector<32x512xf32>
    %mul3A_1159 = arith.mulf %slice3A_47, %slice3A_48 : vector<32x512xf32>
    %mul3A_1160 = arith.mulf %add3A_1118, %slice3A_48 : vector<32x512xf32>
    %mul3A_1161 = arith.mulf %slice3A_47, %slice3A_49 : vector<32x512xf32>
    %mul3A_1162 = arith.mulf %add3A_1118, %slice3A_49 : vector<32x512xf32>
    %mul3A_1163 = arith.mulf %slice3A_47, %slice3A_50 : vector<32x512xf32>
    %mul3A_1164 = arith.mulf %add3A_1118, %slice3A_50 : vector<32x512xf32>
    %mul3A_1165 = arith.mulf %slice3A_47, %slice3A_51 : vector<32x512xf32>
    %mul3A_1166 = arith.mulf %add3A_1118, %slice3A_51 : vector<32x512xf32>
    %mul3A_1167 = arith.mulf %slice3A_47, %slice3A_52 : vector<32x512xf32>
    %mul3A_1168 = arith.mulf %add3A_1118, %slice3A_52 : vector<32x512xf32>
    %concatenate3A_1169 = tpu.concatenate %mul3A_1119, %mul3A_1121, %mul3A_1123, %mul3A_1125, %mul3A_1127, %mul3A_1129, %mul3A_1131, %mul3A_1133, %mul3A_1135, %mul3A_1137, %mul3A_1139, %mul3A_1141, %mul3A_1143, %mul3A_1145, %mul3A_1147, %mul3A_1149, %mul3A_1151, %mul3A_1153, %mul3A_1155, %mul3A_1157, %mul3A_1159, %mul3A_1161, %mul3A_1163, %mul3A_1165, %mul3A_1167 in 1 : vector<32x512xf32>, vector<32x512xf32>, vector<32x512xf32>, vector<32x512xf32>, vector<32x512xf32>, vector<32x512xf32>, vector<32x512xf32>, vector<32x512xf32>, vector<32x512xf32>, vector<32x512xf32>, vector<32x512xf32>, vector<32x512xf32>, vector<32x512xf32>, vector<32x512xf32>, vector<32x512xf32>, vector<32x512xf32>, vector<32x512xf32>, vector<32x512xf32>, vector<32x512xf32>, vector<32x512xf32>, vector<32x512xf32>, vector<32x512xf32>, vector<32x512xf32>, vector<32x512xf32>, vector<32x512xf32> -> vector<32x12800xf32>
    %concatenate3A_1170 = tpu.concatenate %mul3A_1120, %mul3A_1122, %mul3A_1124, %mul3A_1126, %mul3A_1128, %mul3A_1130, %mul3A_1132, %mul3A_1134, %mul3A_1136, %mul3A_1138, %mul3A_1140, %mul3A_1142, %mul3A_1144, %mul3A_1146, %mul3A_1148, %mul3A_1150, %mul3A_1152, %mul3A_1154, %mul3A_1156, %mul3A_1158, %mul3A_1160, %mul3A_1162, %mul3A_1164, %mul3A_1166, %mul3A_1168 in 1 : vector<32x512xf32>, vector<32x512xf32>, vector<32x512xf32>, vector<32x512xf32>, vector<32x512xf32>, vector<32x512xf32>, vector<32x512xf32>, vector<32x512xf32>, vector<32x512xf32>, vector<32x512xf32>, vector<32x512xf32>, vector<32x512xf32>, vector<32x512xf32>, vector<32x512xf32>, vector<32x512xf32>, vector<32x512xf32>, vector<32x512xf32>, vector<32x512xf32>, vector<32x512xf32>, vector<32x512xf32>, vector<32x512xf32>, vector<32x512xf32>, vector<32x512xf32>, vector<32x512xf32>, vector<32x512xf32> -> vector<32x12800xf32>
    %dot_general3A_1171 = arith.constant dense<0.000000e+00> : vector<50x12800xf32>
    %dot_general3A_1172 = tpu.matmul %get3A_136, %concatenate3A_1169, %dot_general3A_1171 {dimension_numbers = #tpu.dot_dimension_numbers<[1], [0], [0], [1], [0, 0, 1, 1], [], []>, transpose_lhs_hint = false} : vector<50x32xf32>, vector<32x12800xf32>, vector<50x12800xf32> -> vector<50x12800xf32>
    %add3A_1173 = vector.broadcast %get3A_139 : vector<50x1xf32> to vector<50x12800xf32>
    %add3A_1174 = arith.addf %dot_general3A_1172, %add3A_1173 : vector<50x12800xf32>
    %max3A_1175 = arith.constant 0.000000e+00 : f32
    %max3A_1176 = vector.broadcast %max3A_1175 : f32 to vector<50x12800xf32>
    %max3A_1177 = arith.maximumf %add3A_1174, %max3A_1176 : vector<50x12800xf32>
    %dot_general3A_1178 = arith.constant dense<0.000000e+00> : vector<1x12800xf32>
    %dot_general3A_1179 = tpu.matmul %get3A_142, %max3A_1177, %dot_general3A_1178 {dimension_numbers = #tpu.dot_dimension_numbers<[1], [0], [0], [1], [0, 0, 1, 1], [], []>, transpose_lhs_hint = false} : vector<1x50xf32>, vector<50x12800xf32>, vector<1x12800xf32> -> vector<1x12800xf32>
    %add3A_1180 = vector.broadcast %get3A_145 : vector<1x1xf32> to vector<1x12800xf32>
    %add3A_1181 = arith.addf %dot_general3A_1179, %add3A_1180 : vector<1x12800xf32>
    %max3A_1182 = arith.constant 0.000000e+00 : f32
    %max3A_1183 = vector.broadcast %max3A_1182 : f32 to vector<1x12800xf32>
    %max3A_1184 = arith.maximumf %add3A_1181, %max3A_1183 : vector<1x12800xf32>
    %broadcast_in_dim3A_1185 = arith.constant 1.000000e+00 : f32
    %broadcast_in_dim3A_1186 = vector.broadcast %broadcast_in_dim3A_1185 : f32 to vector<1x32xf32>
    %dot_general3A_1187 = arith.constant dense<0.000000e+00> : vector<1x12800xf32>
    %dot_general3A_1188 = tpu.matmul %broadcast_in_dim3A_1186, %concatenate3A_1170, %dot_general3A_1187 {dimension_numbers = #tpu.dot_dimension_numbers<[1], [0], [0], [1], [0, 0, 1, 1], [], []>, transpose_lhs_hint = false} : vector<1x32xf32>, vector<32x12800xf32>, vector<1x12800xf32> -> vector<1x12800xf32>
    %broadcast_in_dim3A_1189 = arith.constant 0.000000e+00 : f32
    %broadcast_in_dim3A_1190 = vector.broadcast %broadcast_in_dim3A_1189 : f32 to vector<1x512xf32>
    %slice3A_1191 = vector.extract_strided_slice %dot_general3A_1188 {offsets = [0, 0], sizes = [1, 512], strides = [1, 1]} : vector<1x12800xf32> to vector<1x512xf32>
    %slice3A_1192 = vector.extract_strided_slice %dot_general3A_1188 {offsets = [0, 512], sizes = [1, 512], strides = [1, 1]} : vector<1x12800xf32> to vector<1x512xf32>
    %max3A_1193 = arith.maximumf %slice3A_1191, %slice3A_1192 : vector<1x512xf32>
    %slice3A_1194 = vector.extract_strided_slice %dot_general3A_1188 {offsets = [0, 1024], sizes = [1, 512], strides = [1, 1]} : vector<1x12800xf32> to vector<1x512xf32>
    %max3A_1195 = arith.maximumf %max3A_1193, %slice3A_1194 : vector<1x512xf32>
    %slice3A_1196 = vector.extract_strided_slice %dot_general3A_1188 {offsets = [0, 1536], sizes = [1, 512], strides = [1, 1]} : vector<1x12800xf32> to vector<1x512xf32>
    %max3A_1197 = arith.maximumf %max3A_1195, %slice3A_1196 : vector<1x512xf32>
    %slice3A_1198 = vector.extract_strided_slice %dot_general3A_1188 {offsets = [0, 2048], sizes = [1, 512], strides = [1, 1]} : vector<1x12800xf32> to vector<1x512xf32>
    %max3A_1199 = arith.maximumf %max3A_1197, %slice3A_1198 : vector<1x512xf32>
    %slice3A_1200 = vector.extract_strided_slice %dot_general3A_1188 {offsets = [0, 0], sizes = [1, 512], strides = [1, 1]} : vector<1x12800xf32> to vector<1x512xf32>
    %sub3A_1201 = arith.subf %slice3A_1200, %max3A_1199 : vector<1x512xf32>
    %exp3A_1202 = math.exp %sub3A_1201 : vector<1x512xf32>
    %slice3A_1203 = vector.extract_strided_slice %dot_general3A_1188 {offsets = [0, 512], sizes = [1, 512], strides = [1, 1]} : vector<1x12800xf32> to vector<1x512xf32>
    %sub3A_1204 = arith.subf %slice3A_1203, %max3A_1199 : vector<1x512xf32>
    %exp3A_1205 = math.exp %sub3A_1204 : vector<1x512xf32>
    %slice3A_1206 = vector.extract_strided_slice %dot_general3A_1188 {offsets = [0, 1024], sizes = [1, 512], strides = [1, 1]} : vector<1x12800xf32> to vector<1x512xf32>
    %sub3A_1207 = arith.subf %slice3A_1206, %max3A_1199 : vector<1x512xf32>
    %exp3A_1208 = math.exp %sub3A_1207 : vector<1x512xf32>
    %slice3A_1209 = vector.extract_strided_slice %dot_general3A_1188 {offsets = [0, 1536], sizes = [1, 512], strides = [1, 1]} : vector<1x12800xf32> to vector<1x512xf32>
    %sub3A_1210 = arith.subf %slice3A_1209, %max3A_1199 : vector<1x512xf32>
    %exp3A_1211 = math.exp %sub3A_1210 : vector<1x512xf32>
    %slice3A_1212 = vector.extract_strided_slice %dot_general3A_1188 {offsets = [0, 2048], sizes = [1, 512], strides = [1, 1]} : vector<1x12800xf32> to vector<1x512xf32>
    %sub3A_1213 = arith.subf %slice3A_1212, %max3A_1199 : vector<1x512xf32>
    %exp3A_1214 = math.exp %sub3A_1213 : vector<1x512xf32>
    %add3A_1215 = arith.addf %exp3A_1202, %exp3A_1205 : vector<1x512xf32>
    %add3A_1216 = arith.addf %add3A_1215, %exp3A_1208 : vector<1x512xf32>
    %add3A_1217 = arith.addf %add3A_1216, %exp3A_1211 : vector<1x512xf32>
    %add3A_1218 = arith.addf %add3A_1217, %exp3A_1214 : vector<1x512xf32>
    %div3A_1219 = arith.constant 1.000000e+00 : f32
    %div3A_1220 = vector.broadcast %div3A_1219 : f32 to vector<1x512xf32>
    %div3A_1221 = arith.divf %div3A_1220, %add3A_1218 : vector<1x512xf32>
    %slice3A_1222 = vector.extract_strided_slice %max3A_1184 {offsets = [0, 0], sizes = [1, 512], strides = [1, 1]} : vector<1x12800xf32> to vector<1x512xf32>
    %mul3A_1223 = arith.mulf %slice3A_1222, %exp3A_1202 : vector<1x512xf32>
    %mul3A_1224 = arith.mulf %mul3A_1223, %div3A_1221 : vector<1x512xf32>
    %add3A_1225 = arith.addf %broadcast_in_dim3A_1190, %mul3A_1224 : vector<1x512xf32>
    %slice3A_1226 = vector.extract_strided_slice %max3A_1184 {offsets = [0, 512], sizes = [1, 512], strides = [1, 1]} : vector<1x12800xf32> to vector<1x512xf32>
    %mul3A_1227 = arith.mulf %slice3A_1226, %exp3A_1205 : vector<1x512xf32>
    %mul3A_1228 = arith.mulf %mul3A_1227, %div3A_1221 : vector<1x512xf32>
    %add3A_1229 = arith.addf %add3A_1225, %mul3A_1228 : vector<1x512xf32>
    %slice3A_1230 = vector.extract_strided_slice %max3A_1184 {offsets = [0, 1024], sizes = [1, 512], strides = [1, 1]} : vector<1x12800xf32> to vector<1x512xf32>
    %mul3A_1231 = arith.mulf %slice3A_1230, %exp3A_1208 : vector<1x512xf32>
    %mul3A_1232 = arith.mulf %mul3A_1231, %div3A_1221 : vector<1x512xf32>
    %add3A_1233 = arith.addf %add3A_1229, %mul3A_1232 : vector<1x512xf32>
    %slice3A_1234 = vector.extract_strided_slice %max3A_1184 {offsets = [0, 1536], sizes = [1, 512], strides = [1, 1]} : vector<1x12800xf32> to vector<1x512xf32>
    %mul3A_1235 = arith.mulf %slice3A_1234, %exp3A_1211 : vector<1x512xf32>
    %mul3A_1236 = arith.mulf %mul3A_1235, %div3A_1221 : vector<1x512xf32>
    %add3A_1237 = arith.addf %add3A_1233, %mul3A_1236 : vector<1x512xf32>
    %slice3A_1238 = vector.extract_strided_slice %max3A_1184 {offsets = [0, 2048], sizes = [1, 512], strides = [1, 1]} : vector<1x12800xf32> to vector<1x512xf32>
    %mul3A_1239 = arith.mulf %slice3A_1238, %exp3A_1214 : vector<1x512xf32>
    %mul3A_1240 = arith.mulf %mul3A_1239, %div3A_1221 : vector<1x512xf32>
    %add3A_1241 = arith.addf %add3A_1237, %mul3A_1240 : vector<1x512xf32>
    %slice3A_1242 = vector.extract_strided_slice %dot_general3A_1188 {offsets = [0, 2560], sizes = [1, 512], strides = [1, 1]} : vector<1x12800xf32> to vector<1x512xf32>
    %slice3A_1243 = vector.extract_strided_slice %dot_general3A_1188 {offsets = [0, 3072], sizes = [1, 512], strides = [1, 1]} : vector<1x12800xf32> to vector<1x512xf32>
    %max3A_1244 = arith.maximumf %slice3A_1242, %slice3A_1243 : vector<1x512xf32>
    %slice3A_1245 = vector.extract_strided_slice %dot_general3A_1188 {offsets = [0, 3584], sizes = [1, 512], strides = [1, 1]} : vector<1x12800xf32> to vector<1x512xf32>
    %max3A_1246 = arith.maximumf %max3A_1244, %slice3A_1245 : vector<1x512xf32>
    %slice3A_1247 = vector.extract_strided_slice %dot_general3A_1188 {offsets = [0, 4096], sizes = [1, 512], strides = [1, 1]} : vector<1x12800xf32> to vector<1x512xf32>
    %max3A_1248 = arith.maximumf %max3A_1246, %slice3A_1247 : vector<1x512xf32>
    %slice3A_1249 = vector.extract_strided_slice %dot_general3A_1188 {offsets = [0, 4608], sizes = [1, 512], strides = [1, 1]} : vector<1x12800xf32> to vector<1x512xf32>
    %max3A_1250 = arith.maximumf %max3A_1248, %slice3A_1249 : vector<1x512xf32>
    %slice3A_1251 = vector.extract_strided_slice %dot_general3A_1188 {offsets = [0, 2560], sizes = [1, 512], strides = [1, 1]} : vector<1x12800xf32> to vector<1x512xf32>
    %sub3A_1252 = arith.subf %slice3A_1251, %max3A_1250 : vector<1x512xf32>
    %exp3A_1253 = math.exp %sub3A_1252 : vector<1x512xf32>
    %slice3A_1254 = vector.extract_strided_slice %dot_general3A_1188 {offsets = [0, 3072], sizes = [1, 512], strides = [1, 1]} : vector<1x12800xf32> to vector<1x512xf32>
    %sub3A_1255 = arith.subf %slice3A_1254, %max3A_1250 : vector<1x512xf32>
    %exp3A_1256 = math.exp %sub3A_1255 : vector<1x512xf32>
    %slice3A_1257 = vector.extract_strided_slice %dot_general3A_1188 {offsets = [0, 3584], sizes = [1, 512], strides = [1, 1]} : vector<1x12800xf32> to vector<1x512xf32>
    %sub3A_1258 = arith.subf %slice3A_1257, %max3A_1250 : vector<1x512xf32>
    %exp3A_1259 = math.exp %sub3A_1258 : vector<1x512xf32>
    %slice3A_1260 = vector.extract_strided_slice %dot_general3A_1188 {offsets = [0, 4096], sizes = [1, 512], strides = [1, 1]} : vector<1x12800xf32> to vector<1x512xf32>
    %sub3A_1261 = arith.subf %slice3A_1260, %max3A_1250 : vector<1x512xf32>
    %exp3A_1262 = math.exp %sub3A_1261 : vector<1x512xf32>
    %slice3A_1263 = vector.extract_strided_slice %dot_general3A_1188 {offsets = [0, 4608], sizes = [1, 512], strides = [1, 1]} : vector<1x12800xf32> to vector<1x512xf32>
    %sub3A_1264 = arith.subf %slice3A_1263, %max3A_1250 : vector<1x512xf32>
    %exp3A_1265 = math.exp %sub3A_1264 : vector<1x512xf32>
    %add3A_1266 = arith.addf %exp3A_1253, %exp3A_1256 : vector<1x512xf32>
    %add3A_1267 = arith.addf %add3A_1266, %exp3A_1259 : vector<1x512xf32>
    %add3A_1268 = arith.addf %add3A_1267, %exp3A_1262 : vector<1x512xf32>
    %add3A_1269 = arith.addf %add3A_1268, %exp3A_1265 : vector<1x512xf32>
    %div3A_1270 = arith.constant 1.000000e+00 : f32
    %div3A_1271 = vector.broadcast %div3A_1270 : f32 to vector<1x512xf32>
    %div3A_1272 = arith.divf %div3A_1271, %add3A_1269 : vector<1x512xf32>
    %slice3A_1273 = vector.extract_strided_slice %max3A_1184 {offsets = [0, 2560], sizes = [1, 512], strides = [1, 1]} : vector<1x12800xf32> to vector<1x512xf32>
    %mul3A_1274 = arith.mulf %slice3A_1273, %exp3A_1253 : vector<1x512xf32>
    %mul3A_1275 = arith.mulf %mul3A_1274, %div3A_1272 : vector<1x512xf32>
    %add3A_1276 = arith.addf %add3A_1241, %mul3A_1275 : vector<1x512xf32>
    %slice3A_1277 = vector.extract_strided_slice %max3A_1184 {offsets = [0, 3072], sizes = [1, 512], strides = [1, 1]} : vector<1x12800xf32> to vector<1x512xf32>
    %mul3A_1278 = arith.mulf %slice3A_1277, %exp3A_1256 : vector<1x512xf32>
    %mul3A_1279 = arith.mulf %mul3A_1278, %div3A_1272 : vector<1x512xf32>
    %add3A_1280 = arith.addf %add3A_1276, %mul3A_1279 : vector<1x512xf32>
    %slice3A_1281 = vector.extract_strided_slice %max3A_1184 {offsets = [0, 3584], sizes = [1, 512], strides = [1, 1]} : vector<1x12800xf32> to vector<1x512xf32>
    %mul3A_1282 = arith.mulf %slice3A_1281, %exp3A_1259 : vector<1x512xf32>
    %mul3A_1283 = arith.mulf %mul3A_1282, %div3A_1272 : vector<1x512xf32>
    %add3A_1284 = arith.addf %add3A_1280, %mul3A_1283 : vector<1x512xf32>
    %slice3A_1285 = vector.extract_strided_slice %max3A_1184 {offsets = [0, 4096], sizes = [1, 512], strides = [1, 1]} : vector<1x12800xf32> to vector<1x512xf32>
    %mul3A_1286 = arith.mulf %slice3A_1285, %exp3A_1262 : vector<1x512xf32>
    %mul3A_1287 = arith.mulf %mul3A_1286, %div3A_1272 : vector<1x512xf32>
    %add3A_1288 = arith.addf %add3A_1284, %mul3A_1287 : vector<1x512xf32>
    %slice3A_1289 = vector.extract_strided_slice %max3A_1184 {offsets = [0, 4608], sizes = [1, 512], strides = [1, 1]} : vector<1x12800xf32> to vector<1x512xf32>
    %mul3A_1290 = arith.mulf %slice3A_1289, %exp3A_1265 : vector<1x512xf32>
    %mul3A_1291 = arith.mulf %mul3A_1290, %div3A_1272 : vector<1x512xf32>
    %add3A_1292 = arith.addf %add3A_1288, %mul3A_1291 : vector<1x512xf32>
    %slice3A_1293 = vector.extract_strided_slice %dot_general3A_1188 {offsets = [0, 5120], sizes = [1, 512], strides = [1, 1]} : vector<1x12800xf32> to vector<1x512xf32>
    %slice3A_1294 = vector.extract_strided_slice %dot_general3A_1188 {offsets = [0, 5632], sizes = [1, 512], strides = [1, 1]} : vector<1x12800xf32> to vector<1x512xf32>
    %max3A_1295 = arith.maximumf %slice3A_1293, %slice3A_1294 : vector<1x512xf32>
    %slice3A_1296 = vector.extract_strided_slice %dot_general3A_1188 {offsets = [0, 6144], sizes = [1, 512], strides = [1, 1]} : vector<1x12800xf32> to vector<1x512xf32>
    %max3A_1297 = arith.maximumf %max3A_1295, %slice3A_1296 : vector<1x512xf32>
    %slice3A_1298 = vector.extract_strided_slice %dot_general3A_1188 {offsets = [0, 6656], sizes = [1, 512], strides = [1, 1]} : vector<1x12800xf32> to vector<1x512xf32>
    %max3A_1299 = arith.maximumf %max3A_1297, %slice3A_1298 : vector<1x512xf32>
    %slice3A_1300 = vector.extract_strided_slice %dot_general3A_1188 {offsets = [0, 7168], sizes = [1, 512], strides = [1, 1]} : vector<1x12800xf32> to vector<1x512xf32>
    %max3A_1301 = arith.maximumf %max3A_1299, %slice3A_1300 : vector<1x512xf32>
    %slice3A_1302 = vector.extract_strided_slice %dot_general3A_1188 {offsets = [0, 5120], sizes = [1, 512], strides = [1, 1]} : vector<1x12800xf32> to vector<1x512xf32>
    %sub3A_1303 = arith.subf %slice3A_1302, %max3A_1301 : vector<1x512xf32>
    %exp3A_1304 = math.exp %sub3A_1303 : vector<1x512xf32>
    %slice3A_1305 = vector.extract_strided_slice %dot_general3A_1188 {offsets = [0, 5632], sizes = [1, 512], strides = [1, 1]} : vector<1x12800xf32> to vector<1x512xf32>
    %sub3A_1306 = arith.subf %slice3A_1305, %max3A_1301 : vector<1x512xf32>
    %exp3A_1307 = math.exp %sub3A_1306 : vector<1x512xf32>
    %slice3A_1308 = vector.extract_strided_slice %dot_general3A_1188 {offsets = [0, 6144], sizes = [1, 512], strides = [1, 1]} : vector<1x12800xf32> to vector<1x512xf32>
    %sub3A_1309 = arith.subf %slice3A_1308, %max3A_1301 : vector<1x512xf32>
    %exp3A_1310 = math.exp %sub3A_1309 : vector<1x512xf32>
    %slice3A_1311 = vector.extract_strided_slice %dot_general3A_1188 {offsets = [0, 6656], sizes = [1, 512], strides = [1, 1]} : vector<1x12800xf32> to vector<1x512xf32>
    %sub3A_1312 = arith.subf %slice3A_1311, %max3A_1301 : vector<1x512xf32>
    %exp3A_1313 = math.exp %sub3A_1312 : vector<1x512xf32>
    %slice3A_1314 = vector.extract_strided_slice %dot_general3A_1188 {offsets = [0, 7168], sizes = [1, 512], strides = [1, 1]} : vector<1x12800xf32> to vector<1x512xf32>
    %sub3A_1315 = arith.subf %slice3A_1314, %max3A_1301 : vector<1x512xf32>
    %exp3A_1316 = math.exp %sub3A_1315 : vector<1x512xf32>
    %add3A_1317 = arith.addf %exp3A_1304, %exp3A_1307 : vector<1x512xf32>
    %add3A_1318 = arith.addf %add3A_1317, %exp3A_1310 : vector<1x512xf32>
    %add3A_1319 = arith.addf %add3A_1318, %exp3A_1313 : vector<1x512xf32>
    %add3A_1320 = arith.addf %add3A_1319, %exp3A_1316 : vector<1x512xf32>
    %div3A_1321 = arith.constant 1.000000e+00 : f32
    %div3A_1322 = vector.broadcast %div3A_1321 : f32 to vector<1x512xf32>
    %div3A_1323 = arith.divf %div3A_1322, %add3A_1320 : vector<1x512xf32>
    %slice3A_1324 = vector.extract_strided_slice %max3A_1184 {offsets = [0, 5120], sizes = [1, 512], strides = [1, 1]} : vector<1x12800xf32> to vector<1x512xf32>
    %mul3A_1325 = arith.mulf %slice3A_1324, %exp3A_1304 : vector<1x512xf32>
    %mul3A_1326 = arith.mulf %mul3A_1325, %div3A_1323 : vector<1x512xf32>
    %add3A_1327 = arith.addf %add3A_1292, %mul3A_1326 : vector<1x512xf32>
    %slice3A_1328 = vector.extract_strided_slice %max3A_1184 {offsets = [0, 5632], sizes = [1, 512], strides = [1, 1]} : vector<1x12800xf32> to vector<1x512xf32>
    %mul3A_1329 = arith.mulf %slice3A_1328, %exp3A_1307 : vector<1x512xf32>
    %mul3A_1330 = arith.mulf %mul3A_1329, %div3A_1323 : vector<1x512xf32>
    %add3A_1331 = arith.addf %add3A_1327, %mul3A_1330 : vector<1x512xf32>
    %slice3A_1332 = vector.extract_strided_slice %max3A_1184 {offsets = [0, 6144], sizes = [1, 512], strides = [1, 1]} : vector<1x12800xf32> to vector<1x512xf32>
    %mul3A_1333 = arith.mulf %slice3A_1332, %exp3A_1310 : vector<1x512xf32>
    %mul3A_1334 = arith.mulf %mul3A_1333, %div3A_1323 : vector<1x512xf32>
    %add3A_1335 = arith.addf %add3A_1331, %mul3A_1334 : vector<1x512xf32>
    %slice3A_1336 = vector.extract_strided_slice %max3A_1184 {offsets = [0, 6656], sizes = [1, 512], strides = [1, 1]} : vector<1x12800xf32> to vector<1x512xf32>
    %mul3A_1337 = arith.mulf %slice3A_1336, %exp3A_1313 : vector<1x512xf32>
    %mul3A_1338 = arith.mulf %mul3A_1337, %div3A_1323 : vector<1x512xf32>
    %add3A_1339 = arith.addf %add3A_1335, %mul3A_1338 : vector<1x512xf32>
    %slice3A_1340 = vector.extract_strided_slice %max3A_1184 {offsets = [0, 7168], sizes = [1, 512], strides = [1, 1]} : vector<1x12800xf32> to vector<1x512xf32>
    %mul3A_1341 = arith.mulf %slice3A_1340, %exp3A_1316 : vector<1x512xf32>
    %mul3A_1342 = arith.mulf %mul3A_1341, %div3A_1323 : vector<1x512xf32>
    %add3A_1343 = arith.addf %add3A_1339, %mul3A_1342 : vector<1x512xf32>
    %slice3A_1344 = vector.extract_strided_slice %dot_general3A_1188 {offsets = [0, 7680], sizes = [1, 512], strides = [1, 1]} : vector<1x12800xf32> to vector<1x512xf32>
    %slice3A_1345 = vector.extract_strided_slice %dot_general3A_1188 {offsets = [0, 8192], sizes = [1, 512], strides = [1, 1]} : vector<1x12800xf32> to vector<1x512xf32>
    %max3A_1346 = arith.maximumf %slice3A_1344, %slice3A_1345 : vector<1x512xf32>
    %slice3A_1347 = vector.extract_strided_slice %dot_general3A_1188 {offsets = [0, 8704], sizes = [1, 512], strides = [1, 1]} : vector<1x12800xf32> to vector<1x512xf32>
    %max3A_1348 = arith.maximumf %max3A_1346, %slice3A_1347 : vector<1x512xf32>
    %slice3A_1349 = vector.extract_strided_slice %dot_general3A_1188 {offsets = [0, 9216], sizes = [1, 512], strides = [1, 1]} : vector<1x12800xf32> to vector<1x512xf32>
    %max3A_1350 = arith.maximumf %max3A_1348, %slice3A_1349 : vector<1x512xf32>
    %slice3A_1351 = vector.extract_strided_slice %dot_general3A_1188 {offsets = [0, 9728], sizes = [1, 512], strides = [1, 1]} : vector<1x12800xf32> to vector<1x512xf32>
    %max3A_1352 = arith.maximumf %max3A_1350, %slice3A_1351 : vector<1x512xf32>
    %slice3A_1353 = vector.extract_strided_slice %dot_general3A_1188 {offsets = [0, 7680], sizes = [1, 512], strides = [1, 1]} : vector<1x12800xf32> to vector<1x512xf32>
    %sub3A_1354 = arith.subf %slice3A_1353, %max3A_1352 : vector<1x512xf32>
    %exp3A_1355 = math.exp %sub3A_1354 : vector<1x512xf32>
    %slice3A_1356 = vector.extract_strided_slice %dot_general3A_1188 {offsets = [0, 8192], sizes = [1, 512], strides = [1, 1]} : vector<1x12800xf32> to vector<1x512xf32>
    %sub3A_1357 = arith.subf %slice3A_1356, %max3A_1352 : vector<1x512xf32>
    %exp3A_1358 = math.exp %sub3A_1357 : vector<1x512xf32>
    %slice3A_1359 = vector.extract_strided_slice %dot_general3A_1188 {offsets = [0, 8704], sizes = [1, 512], strides = [1, 1]} : vector<1x12800xf32> to vector<1x512xf32>
    %sub3A_1360 = arith.subf %slice3A_1359, %max3A_1352 : vector<1x512xf32>
    %exp3A_1361 = math.exp %sub3A_1360 : vector<1x512xf32>
    %slice3A_1362 = vector.extract_strided_slice %dot_general3A_1188 {offsets = [0, 9216], sizes = [1, 512], strides = [1, 1]} : vector<1x12800xf32> to vector<1x512xf32>
    %sub3A_1363 = arith.subf %slice3A_1362, %max3A_1352 : vector<1x512xf32>
    %exp3A_1364 = math.exp %sub3A_1363 : vector<1x512xf32>
    %slice3A_1365 = vector.extract_strided_slice %dot_general3A_1188 {offsets = [0, 9728], sizes = [1, 512], strides = [1, 1]} : vector<1x12800xf32> to vector<1x512xf32>
    %sub3A_1366 = arith.subf %slice3A_1365, %max3A_1352 : vector<1x512xf32>
    %exp3A_1367 = math.exp %sub3A_1366 : vector<1x512xf32>
    %add3A_1368 = arith.addf %exp3A_1355, %exp3A_1358 : vector<1x512xf32>
    %add3A_1369 = arith.addf %add3A_1368, %exp3A_1361 : vector<1x512xf32>
    %add3A_1370 = arith.addf %add3A_1369, %exp3A_1364 : vector<1x512xf32>
    %add3A_1371 = arith.addf %add3A_1370, %exp3A_1367 : vector<1x512xf32>
    %div3A_1372 = arith.constant 1.000000e+00 : f32
    %div3A_1373 = vector.broadcast %div3A_1372 : f32 to vector<1x512xf32>
    %div3A_1374 = arith.divf %div3A_1373, %add3A_1371 : vector<1x512xf32>
    %slice3A_1375 = vector.extract_strided_slice %max3A_1184 {offsets = [0, 7680], sizes = [1, 512], strides = [1, 1]} : vector<1x12800xf32> to vector<1x512xf32>
    %mul3A_1376 = arith.mulf %slice3A_1375, %exp3A_1355 : vector<1x512xf32>
    %mul3A_1377 = arith.mulf %mul3A_1376, %div3A_1374 : vector<1x512xf32>
    %add3A_1378 = arith.addf %add3A_1343, %mul3A_1377 : vector<1x512xf32>
    %slice3A_1379 = vector.extract_strided_slice %max3A_1184 {offsets = [0, 8192], sizes = [1, 512], strides = [1, 1]} : vector<1x12800xf32> to vector<1x512xf32>
    %mul3A_1380 = arith.mulf %slice3A_1379, %exp3A_1358 : vector<1x512xf32>
    %mul3A_1381 = arith.mulf %mul3A_1380, %div3A_1374 : vector<1x512xf32>
    %add3A_1382 = arith.addf %add3A_1378, %mul3A_1381 : vector<1x512xf32>
    %slice3A_1383 = vector.extract_strided_slice %max3A_1184 {offsets = [0, 8704], sizes = [1, 512], strides = [1, 1]} : vector<1x12800xf32> to vector<1x512xf32>
    %mul3A_1384 = arith.mulf %slice3A_1383, %exp3A_1361 : vector<1x512xf32>
    %mul3A_1385 = arith.mulf %mul3A_1384, %div3A_1374 : vector<1x512xf32>
    %add3A_1386 = arith.addf %add3A_1382, %mul3A_1385 : vector<1x512xf32>
    %slice3A_1387 = vector.extract_strided_slice %max3A_1184 {offsets = [0, 9216], sizes = [1, 512], strides = [1, 1]} : vector<1x12800xf32> to vector<1x512xf32>
    %mul3A_1388 = arith.mulf %slice3A_1387, %exp3A_1364 : vector<1x512xf32>
    %mul3A_1389 = arith.mulf %mul3A_1388, %div3A_1374 : vector<1x512xf32>
    %add3A_1390 = arith.addf %add3A_1386, %mul3A_1389 : vector<1x512xf32>
    %slice3A_1391 = vector.extract_strided_slice %max3A_1184 {offsets = [0, 9728], sizes = [1, 512], strides = [1, 1]} : vector<1x12800xf32> to vector<1x512xf32>
    %mul3A_1392 = arith.mulf %slice3A_1391, %exp3A_1367 : vector<1x512xf32>
    %mul3A_1393 = arith.mulf %mul3A_1392, %div3A_1374 : vector<1x512xf32>
    %add3A_1394 = arith.addf %add3A_1390, %mul3A_1393 : vector<1x512xf32>
    %slice3A_1395 = vector.extract_strided_slice %dot_general3A_1188 {offsets = [0, 10240], sizes = [1, 512], strides = [1, 1]} : vector<1x12800xf32> to vector<1x512xf32>
    %slice3A_1396 = vector.extract_strided_slice %dot_general3A_1188 {offsets = [0, 10752], sizes = [1, 512], strides = [1, 1]} : vector<1x12800xf32> to vector<1x512xf32>
    %max3A_1397 = arith.maximumf %slice3A_1395, %slice3A_1396 : vector<1x512xf32>
    %slice3A_1398 = vector.extract_strided_slice %dot_general3A_1188 {offsets = [0, 11264], sizes = [1, 512], strides = [1, 1]} : vector<1x12800xf32> to vector<1x512xf32>
    %max3A_1399 = arith.maximumf %max3A_1397, %slice3A_1398 : vector<1x512xf32>
    %slice3A_1400 = vector.extract_strided_slice %dot_general3A_1188 {offsets = [0, 11776], sizes = [1, 512], strides = [1, 1]} : vector<1x12800xf32> to vector<1x512xf32>
    %max3A_1401 = arith.maximumf %max3A_1399, %slice3A_1400 : vector<1x512xf32>
    %slice3A_1402 = vector.extract_strided_slice %dot_general3A_1188 {offsets = [0, 12288], sizes = [1, 512], strides = [1, 1]} : vector<1x12800xf32> to vector<1x512xf32>
    %max3A_1403 = arith.maximumf %max3A_1401, %slice3A_1402 : vector<1x512xf32>
    %slice3A_1404 = vector.extract_strided_slice %dot_general3A_1188 {offsets = [0, 10240], sizes = [1, 512], strides = [1, 1]} : vector<1x12800xf32> to vector<1x512xf32>
    %sub3A_1405 = arith.subf %slice3A_1404, %max3A_1403 : vector<1x512xf32>
    %exp3A_1406 = math.exp %sub3A_1405 : vector<1x512xf32>
    %slice3A_1407 = vector.extract_strided_slice %dot_general3A_1188 {offsets = [0, 10752], sizes = [1, 512], strides = [1, 1]} : vector<1x12800xf32> to vector<1x512xf32>
    %sub3A_1408 = arith.subf %slice3A_1407, %max3A_1403 : vector<1x512xf32>
    %exp3A_1409 = math.exp %sub3A_1408 : vector<1x512xf32>
    %slice3A_1410 = vector.extract_strided_slice %dot_general3A_1188 {offsets = [0, 11264], sizes = [1, 512], strides = [1, 1]} : vector<1x12800xf32> to vector<1x512xf32>
    %sub3A_1411 = arith.subf %slice3A_1410, %max3A_1403 : vector<1x512xf32>
    %exp3A_1412 = math.exp %sub3A_1411 : vector<1x512xf32>
    %slice3A_1413 = vector.extract_strided_slice %dot_general3A_1188 {offsets = [0, 11776], sizes = [1, 512], strides = [1, 1]} : vector<1x12800xf32> to vector<1x512xf32>
    %sub3A_1414 = arith.subf %slice3A_1413, %max3A_1403 : vector<1x512xf32>
    %exp3A_1415 = math.exp %sub3A_1414 : vector<1x512xf32>
    %slice3A_1416 = vector.extract_strided_slice %dot_general3A_1188 {offsets = [0, 12288], sizes = [1, 512], strides = [1, 1]} : vector<1x12800xf32> to vector<1x512xf32>
    %sub3A_1417 = arith.subf %slice3A_1416, %max3A_1403 : vector<1x512xf32>
    %exp3A_1418 = math.exp %sub3A_1417 : vector<1x512xf32>
    %add3A_1419 = arith.addf %exp3A_1406, %exp3A_1409 : vector<1x512xf32>
    %add3A_1420 = arith.addf %add3A_1419, %exp3A_1412 : vector<1x512xf32>
    %add3A_1421 = arith.addf %add3A_1420, %exp3A_1415 : vector<1x512xf32>
    %add3A_1422 = arith.addf %add3A_1421, %exp3A_1418 : vector<1x512xf32>
    %div3A_1423 = arith.constant 1.000000e+00 : f32
    %div3A_1424 = vector.broadcast %div3A_1423 : f32 to vector<1x512xf32>
    %div3A_1425 = arith.divf %div3A_1424, %add3A_1422 : vector<1x512xf32>
    %slice3A_1426 = vector.extract_strided_slice %max3A_1184 {offsets = [0, 10240], sizes = [1, 512], strides = [1, 1]} : vector<1x12800xf32> to vector<1x512xf32>
    %mul3A_1427 = arith.mulf %slice3A_1426, %exp3A_1406 : vector<1x512xf32>
    %mul3A_1428 = arith.mulf %mul3A_1427, %div3A_1425 : vector<1x512xf32>
    %add3A_1429 = arith.addf %add3A_1394, %mul3A_1428 : vector<1x512xf32>
    %slice3A_1430 = vector.extract_strided_slice %max3A_1184 {offsets = [0, 10752], sizes = [1, 512], strides = [1, 1]} : vector<1x12800xf32> to vector<1x512xf32>
    %mul3A_1431 = arith.mulf %slice3A_1430, %exp3A_1409 : vector<1x512xf32>
    %mul3A_1432 = arith.mulf %mul3A_1431, %div3A_1425 : vector<1x512xf32>
    %add3A_1433 = arith.addf %add3A_1429, %mul3A_1432 : vector<1x512xf32>
    %slice3A_1434 = vector.extract_strided_slice %max3A_1184 {offsets = [0, 11264], sizes = [1, 512], strides = [1, 1]} : vector<1x12800xf32> to vector<1x512xf32>
    %mul3A_1435 = arith.mulf %slice3A_1434, %exp3A_1412 : vector<1x512xf32>
    %mul3A_1436 = arith.mulf %mul3A_1435, %div3A_1425 : vector<1x512xf32>
    %add3A_1437 = arith.addf %add3A_1433, %mul3A_1436 : vector<1x512xf32>
    %slice3A_1438 = vector.extract_strided_slice %max3A_1184 {offsets = [0, 11776], sizes = [1, 512], strides = [1, 1]} : vector<1x12800xf32> to vector<1x512xf32>
    %mul3A_1439 = arith.mulf %slice3A_1438, %exp3A_1415 : vector<1x512xf32>
    %mul3A_1440 = arith.mulf %mul3A_1439, %div3A_1425 : vector<1x512xf32>
    %add3A_1441 = arith.addf %add3A_1437, %mul3A_1440 : vector<1x512xf32>
    %slice3A_1442 = vector.extract_strided_slice %max3A_1184 {offsets = [0, 12288], sizes = [1, 512], strides = [1, 1]} : vector<1x12800xf32> to vector<1x512xf32>
    %mul3A_1443 = arith.mulf %slice3A_1442, %exp3A_1418 : vector<1x512xf32>
    %mul3A_1444 = arith.mulf %mul3A_1443, %div3A_1425 : vector<1x512xf32>
    %add3A_1445 = arith.addf %add3A_1441, %mul3A_1444 : vector<1x512xf32>
    %add3A_1446 = arith.addf %add3A_1098, %add3A_1445 : vector<1x512xf32>
    %sub3A_1447 = arith.subf %add3A_800, %add3A_1446 : vector<1x512xf32>
    %logistic3A = arith.negf %sub3A_1447 : vector<1x512xf32>
    %logistic3A_1448 = math.exp %logistic3A : vector<1x512xf32>
    %logistic3A_1449 = arith.constant 1.000000e+00 : f32
    %logistic3A_1450 = vector.broadcast %logistic3A_1449 : f32 to vector<1x512xf32>
    %logistic3A_1451 = arith.addf %logistic3A_1450, %logistic3A_1448 : vector<1x512xf32>
    %logistic3A_1452 = arith.divf %logistic3A_1450, %logistic3A_1451 : vector<1x512xf32>
    %reshape3A_1453 = vector.shape_cast %logistic3A_1452 : vector<1x512xf32> to vector<512xf32>
    %swap3A = arith.constant 0 : index
    %swap3A_1454 = vector.load %arg24[%swap3A] : memref<512xf32, #tpu.memory_space<vmem>>, vector<512xf32>
    tpu.vector_store %arg24[%swap3A], %reshape3A_1453 {strides = array<i32>} : memref<512xf32, #tpu.memory_space<vmem>>, vector<512xf32>,
    return
  }
  func.func @transform_0(%arg0: i32) -> (i32, i32) {
    %add3A = arith.constant 0 : i32
    %add3A_0 = arith.addi %add3A, %arg0 : i32
    %c0_i32 = arith.constant 0 : i32
    %c0_i32_1 = arith.constant 0 : i32
    return %add3A_0, %c0_i32 : i32, i32
  }
  func.func @transform_1(%arg0: i32) -> (i32, i32) {
    %add3A = arith.constant 8 : i32
    %add3A_0 = arith.addi %add3A, %arg0 : i32
    %c0_i32 = arith.constant 0 : i32
    %c0_i32_1 = arith.constant 0 : i32
    return %add3A_0, %c0_i32 : i32, i32
  }
  func.func @transform_2(%arg0: i32) -> (i32, i32) {
    %add3A = arith.constant 16 : i32
    %add3A_0 = arith.addi %add3A, %arg0 : i32
    %c0_i32 = arith.constant 0 : i32
    %c0_i32_1 = arith.constant 0 : i32
    return %add3A_0, %c0_i32 : i32, i32
  }
  func.func @transform_3(%arg0: i32) -> (i32, i32) {
    %add3A = arith.constant 24 : i32
    %add3A_0 = arith.addi %add3A, %arg0 : i32
    %c0_i32 = arith.constant 0 : i32
    %c0_i32_1 = arith.constant 0 : i32
    return %add3A_0, %c0_i32 : i32, i32
  }
  func.func @transform_4(%arg0: i32) -> (i32, i32) {
    %add3A = arith.constant 32 : i32
    %add3A_0 = arith.addi %add3A, %arg0 : i32
    %c0_i32 = arith.constant 0 : i32
    %c0_i32_1 = arith.constant 0 : i32
    return %add3A_0, %c0_i32 : i32, i32
  }
  func.func @transform_5(%arg0: i32) -> (i32, i32) {
    %add3A = arith.constant 40 : i32
    %add3A_0 = arith.addi %add3A, %arg0 : i32
    %c0_i32 = arith.constant 0 : i32
    %c0_i32_1 = arith.constant 0 : i32
    return %add3A_0, %c0_i32 : i32, i32
  }
  func.func @transform_6(%arg0: i32) -> (i32, i32) {
    %add3A = arith.constant 48 : i32
    %add3A_0 = arith.addi %add3A, %arg0 : i32
    %c0_i32 = arith.constant 0 : i32
    %c0_i32_1 = arith.constant 0 : i32
    return %add3A_0, %c0_i32 : i32, i32
  }
  func.func @transform_7(%arg0: i32) -> (i32, i32) {
    %add3A = arith.constant 56 : i32
    %add3A_0 = arith.addi %add3A, %arg0 : i32
    %c0_i32 = arith.constant 0 : i32
    %c0_i32_1 = arith.constant 0 : i32
    return %add3A_0, %c0_i32 : i32, i32
  }
  func.func @transform_8(%arg0: i32) -> (i32, i32) {
    %add3A = arith.constant 64 : i32
    %add3A_0 = arith.addi %add3A, %arg0 : i32
    %c0_i32 = arith.constant 0 : i32
    %c0_i32_1 = arith.constant 0 : i32
    return %add3A_0, %c0_i32 : i32, i32
  }
  func.func @transform_9(%arg0: i32) -> (i32, i32) {
    %add3A = arith.constant 72 : i32
    %add3A_0 = arith.addi %add3A, %arg0 : i32
    %c0_i32 = arith.constant 0 : i32
    %c0_i32_1 = arith.constant 0 : i32
    return %add3A_0, %c0_i32 : i32, i32
  }
  func.func @transform_10(%arg0: i32) -> i32 {
    %c0_i32 = arith.constant 0 : i32
    %c0_i32_0 = arith.constant 0 : i32
    return %c0_i32 : i32
  }
  func.func @transform_11(%arg0: i32) -> (i32, i32) {
    %c0_i32 = arith.constant 0 : i32
    %c0_i32_0 = arith.constant 0 : i32
    %c0_i32_1 = arith.constant 0 : i32
    return %c0_i32, %c0_i32_0 : i32, i32
  }
  func.func @transform_12(%arg0: i32) -> (i32, i32) {
    %c0_i32 = arith.constant 0 : i32
    %c0_i32_0 = arith.constant 0 : i32
    %c0_i32_1 = arith.constant 0 : i32
    return %c0_i32, %c0_i32_0 : i32, i32
  }
  func.func @transform_13(%arg0: i32) -> (i32, i32) {
    %c0_i32 = arith.constant 0 : i32
    %c0_i32_0 = arith.constant 0 : i32
    %c0_i32_1 = arith.constant 0 : i32
    return %c0_i32, %c0_i32_0 : i32, i32
  }
  func.func @transform_14(%arg0: i32) -> (i32, i32) {
    %c0_i32 = arith.constant 0 : i32
    %c0_i32_0 = arith.constant 0 : i32
    %c0_i32_1 = arith.constant 0 : i32
    return %c0_i32, %c0_i32_0 : i32, i32
  }
  func.func @transform_15(%arg0: i32) -> (i32, i32) {
    %c0_i32 = arith.constant 0 : i32
    %c0_i32_0 = arith.constant 0 : i32
    %c0_i32_1 = arith.constant 0 : i32
    return %c0_i32, %c0_i32_0 : i32, i32
  }
  func.func @transform_16(%arg0: i32) -> (i32, i32) {
    %c0_i32 = arith.constant 0 : i32
    %c0_i32_0 = arith.constant 0 : i32
    %c0_i32_1 = arith.constant 0 : i32
    return %c0_i32, %c0_i32_0 : i32, i32
  }
  func.func @transform_17(%arg0: i32) -> (i32, i32) {
    %c0_i32 = arith.constant 0 : i32
    %c0_i32_0 = arith.constant 0 : i32
    %c0_i32_1 = arith.constant 0 : i32
    return %c0_i32, %c0_i32_0 : i32, i32
  }
  func.func @transform_18(%arg0: i32) -> (i32, i32) {
    %c0_i32 = arith.constant 0 : i32
    %c0_i32_0 = arith.constant 0 : i32
    %c0_i32_1 = arith.constant 0 : i32
    return %c0_i32, %c0_i32_0 : i32, i32
  }
  func.func @transform_19(%arg0: i32) -> (i32, i32) {
    %c0_i32 = arith.constant 0 : i32
    %c0_i32_0 = arith.constant 0 : i32
    %c0_i32_1 = arith.constant 0 : i32
    return %c0_i32, %c0_i32_0 : i32, i32
  }
  func.func @transform_20(%arg0: i32) -> (i32, i32) {
    %c0_i32 = arith.constant 0 : i32
    %c0_i32_0 = arith.constant 0 : i32
    %c0_i32_1 = arith.constant 0 : i32
    return %c0_i32, %c0_i32_0 : i32, i32
  }
  func.func @transform_21(%arg0: i32) -> (i32, i32) {
    %c0_i32 = arith.constant 0 : i32
    %c0_i32_0 = arith.constant 0 : i32
    %c0_i32_1 = arith.constant 0 : i32
    return %c0_i32, %c0_i32_0 : i32, i32
  }
  func.func @transform_22(%arg0: i32) -> (i32, i32) {
    %c0_i32 = arith.constant 0 : i32
    %c0_i32_0 = arith.constant 0 : i32
    %c0_i32_1 = arith.constant 0 : i32
    return %c0_i32, %c0_i32_0 : i32, i32
  }
  func.func @transform_23(%arg0: i32) -> i32 {
    %c0_i32 = arith.constant 0 : i32
    return %arg0 : i32
  }
}

</mosaic_0001>

<sc_bundles>
// kernel: kernel.4.cloned.1.call-start
scs
__scs_entry_jumppad:
0x0: {  	(pc) =	sbr.rel $0x88, $3  }
0x1: {  	(tag) =	ssettag $0x0;
	lr =	simm.s32 $0x1  }
0x2: {  	[smem:$0x3F90] =	sst lr;
	_ =	strace $0xD0000000  }
0x3: {  	_ = 	snop  }
0x4: {  	_ = 	snop  }
0x5: {  	_ = 	snop  }
0x6: {  	_ = 	snop  }
0x7: {  	_ = 	snop  }
__scs_overlays_trampoline_lowered:
0x8: {  	[smem:$0x3F9F] =	sst s0  }
0x9: {  	[smem:$0x3FA0] =	sst s1  }
0xa: {  	[smem:$0x3FA1] =	sst s2  }
0xb: {  	[smem:$0x3FA2] =	sst s3  }
0xc: {  	[smem:$0x3FA3] =	sst s4  }
0xd: {  	[smem:$0x3FA4] =	sst s5  }
0xe: {  	[smem:$0x3FA5] =	sst s6  }
0xf: {  	[smem:$0x3FA6] =	sst s7  }
0x10: {  	[smem:$0x3FA7] =	sst s8  }
0x11: {  	[smem:$0x3FA8] =	sst s9;
	s0 =	simm.s32 @!p0 $0x0  }
0x12: {  	s1 =	sld [smem:$0x3F8E];
	s0 =	simm.s32 @p0 $0x1  }
0x13: {  	[smem:$0x3FA9] =	sst s0;
	s0 =	simm.s32 @!p1 $0x0  }
0x14: {  	s2 =	sld [smem:$0x3F8D];
	s0 =	simm.s32 @p1 $0x1  }
0x15: {  	[smem:$0x3FAA] =	sst s0;
	s0 =	simm.s32 @!p2 $0x0  }
0x16: {  	s3 =	sld [smem:$0x3FDB];
	s0 =	simm.s32 @p2 $0x1  }
0x17: {  	s4 =	simm.s32 $0x1BF5;
	[smem:$0x3FAC] =	sst s0  }
0x18: {  	s0 =	sld [smem:$0x3F8F];
	_ =	swait.ge [sflag:s4], $0x0  }
0x19: {  	s7 =	sld [smem:$0x3F90]  }
0x1a: {  	s8 =	sadd.s32 $0xFFFFE003, lr  }
0x1b: {  	s9 =	sadd.s32 $0xFFFFFEF7, lr;
	s5 =	simm.s32 $0xFFFFFFFF;
	p2 =	slt.u32 s8, $0xFFFFF086  }
0x1c: {  	p1 =	slt.u32 s9, $0xF7A;
	s5 =	simm.s32 @!p2 $0x0  }
0x1d: {  	s5 =	simm.s32 @p1 $0x1;
	p0 =	seq.s32 s7, s2  }
0x1e: {  	s7 =	smul.u32 @!p0 $0xF7A, s2;
	p2 =	seq.s32 @!p0 s5, $0x0  }
0x1f: {  	s9 =	smul.u32 $0xF7A, s1;
	s8 =	simm.s32 @!p0 $0x1BF5;
	p2 =	por !p2, p0  }
0x20: {  	[sflag:s8] =	ssyncset.s32 @!p0 $0xFFFFF086;
	s6 =	sadd.s32 @!p0 s3, s7;
	s7 =	simm.s32 @!p0 $0x108  }
0x21: {  	s3 =	sadd.s32 s3, s9;
	s6 =	sadd.s32 @!p0 $0x88, s6;
	s7 =	simm.s32 @p2 $0x1082  }
0x22: {  	[simem:s7], [sflag:s8] =	dma.local @!p0 [hbm:s6], $0xF7A  }
0x23: {  	s9 =	sor.u32 $0xD0000000, s2;
	s6 =	simm.s32 $0x108;
	_ =	swait.ge @!p0 [sflag:s8], $0x0  }
0x24: {  	s3 =	sadd.s32 $0x88, s3;
	s6 =	simm.s32 @!p1 $0x1082;
	[sflag:s4] =	ssyncset.s32 $0xFFFFF086  }
0x25: {  	[simem:s6], [sflag:s4] =	dma.local [hbm:s3], $0xF7A  }
0x26: {  	[smem:$0x3F90] =	sst s1;
	(tag) =	ssettag s2;
	_ =	strace s9  }
0x27: {  	s1 =	sld [smem:$0x3FA0]  }
0x28: {  	s2 =	sld [smem:$0x3FA1]  }
0x29: {  	s4 =	sld [smem:$0x3FA3]  }
0x2a: {  	p0 =	seq.s32 s5, $0x0;
	s5 =	sld [smem:$0x3FA4]  }
0x2b: {  	s6 =	sld [smem:$0x3FA5]  }
0x2c: {  	s7 =	sld [smem:$0x3FA6]  }
0x2d: {  	s3 =	simm.s32 $0x108;
	s8 =	sld [smem:$0x3FA7]  }
0x2e: {  	s3 =	simm.s32 @!p0 $0x1082;
	s9 =	sld [smem:$0x3FA8]  }
0x2f: {  	lr =	sadd.s32 s0, s3;
	s0 =	sld [smem:$0x3F9F]  }
0x30: {  	s3 =	sld [smem:$0x3FA2]  }
0x31: {  	[smem:$0x3FAB] =	sst s10  }
0x32: {  	s10 =	sld [smem:$0x3FA9];
	_ =	sdelay $0x3  }
0x33: {  	p0 =	seq.s32 s10, $0x1;
	s10 =	sld [smem:$0x3FAB];
	_ =	sdelay $0x3  }
0x34: {  	[smem:$0x3FAB] =	sst s10  }
0x35: {  	s10 =	sld [smem:$0x3FAA];
	_ =	sdelay $0x3  }
0x36: {  	p1 =	seq.s32 s10, $0x1;
	s10 =	sld [smem:$0x3FAB];
	_ =	sdelay $0x3  }
0x37: {  	[smem:$0x3FAB] =	sst s10  }
0x38: {  	s10 =	sld [smem:$0x3FAC]  }
0x39: {  	_ = 	snop;
	(pc) =	sbr.ind lr, $3  }
0x3a: {  	_ = 	snop  }
0x3b: {  	_ = 	snop  }
0x3c: {  	p2 =	seq.s32 s10, $0x1;
	s10 =	sld [smem:$0x3FAB]  }
0x3d: {  	_ =	shalt  }
0x3e: {  	_ =	shalt  }
0x3f: {  	_ =	shalt  }
0x40: {  	_ =	shalt  }
0x41: {  	_ =	shalt  }
0x42: {  	_ =	shalt  }
0x43: {  	_ =	shalt  }
0x44: {  	_ =	shalt  }
0x45: {  	_ =	shalt  }
0x46: {  	_ =	shalt  }
0x47: {  	_ =	shalt  }
0x48: {  	_ =	shalt  }
0x49: {  	_ =	shalt  }
0x4a: {  	_ =	shalt  }
0x4b: {  	_ =	shalt  }
0x4c: {  	_ =	shalt  }
0x4d: {  	_ =	shalt  }
0x4e: {  	_ =	shalt  }
0x4f: {  	_ =	shalt  }
0x50: {  	_ =	shalt  }
0x51: {  	_ =	shalt  }
0x52: {  	_ =	shalt  }
0x53: {  	_ =	shalt  }
0x54: {  	_ =	shalt  }
0x55: {  	_ =	shalt  }
0x56: {  	_ =	shalt  }
0x57: {  	_ =	shalt  }
0x58: {  	_ =	shalt  }
0x59: {  	_ =	shalt  }
0x5a: {  	_ =	shalt  }
0x5b: {  	_ =	shalt  }
0x5c: {  	_ =	shalt  }
0x5d: {  	_ =	shalt  }
0x5e: {  	_ =	shalt  }
0x5f: {  	_ =	shalt  }
0x60: {  	_ =	shalt  }
0x61: {  	_ =	shalt  }
0x62: {  	_ =	shalt  }
0x63: {  	_ =	shalt  }
0x64: {  	_ =	shalt  }
0x65: {  	_ =	shalt  }
0x66: {  	_ =	shalt  }
0x67: {  	_ =	shalt  }
0x68: {  	_ =	shalt  }
0x69: {  	_ =	shalt  }
0x6a: {  	_ =	shalt  }
0x6b: {  	_ =	shalt  }
0x6c: {  	_ =	shalt  }
0x6d: {  	_ =	shalt  }
0x6e: {  	_ =	shalt  }
0x6f: {  	_ =	shalt  }
0x70: {  	_ =	shalt  }
0x71: {  	_ =	shalt  }
0x72: {  	_ =	shalt  }
0x73: {  	_ =	shalt  }
0x74: {  	_ =	shalt  }
0x75: {  	_ =	shalt  }
0x76: {  	_ =	shalt  }
0x77: {  	_ =	shalt  }
0x78: {  	_ =	shalt  }
0x79: {  	_ =	shalt  }
0x7a: {  	_ =	shalt  }
0x7b: {  	_ =	shalt  }
0x7c: {  	_ =	shalt  }
0x7d: {  	_ =	shalt  }
0x7e: {  	_ =	shalt  }
0x7f: {  	_ =	shalt  }
0x80: {  	_ =	shalt  }
0x81: {  	_ =	shalt  }
0x82: {  	_ =	shalt  }
0x83: {  	_ =	shalt  }
0x84: {  	_ =	shalt  }
0x85: {  	_ =	shalt  }
0x86: {  	_ =	shalt  }
0x87: {  	_ =	shalt  }
.Lfunc_end0:
.L_simem_size_0:
called_computation_lowered:
.L_overlay_start_0:
0x88: {  	s2 =	sld [smem:$0x3FD9]  }
0x89: {  	s3 =	sld [smem:$0x3FFE];
	_ =	sdelay $0x1  }
0x8a: {  	s1 =	srdreg.scid  }
0x8b: {  	s0 =	sand.u32 $0x1, s1  }
0x8c: {  	s16 =	sshll.u32 s0, $0xA;
	s2 =	sadd.s32 s3, s2  }
0x8d: {  	s2 =	sadd.s32 s2, s16  }
0x8e: {  	[smem:$0x3FB7] =	sst s2  }
0x8f: {  	_ = 	snop  }
0x90: {  	(tm) =	ssettm $0x1  }
0x91: {  	s17 =	sld [smem:$0x3FFB];
	_ =	sdelay $0x3  }
0x92: {  	_ =	strace s17  }
0x93: {  	s2 =	sld [smem:$0x3FFC];
	_ =	sdelay $0x3  }
0x94: {  	_ =	strace s2  }
0x95: {  	s2 =	sld [smem:$0x3FFD];
	_ =	sdelay $0x3  }
0x96: {  	_ =	strace s2  }
0x97: {  	_ =	strace $0x8FFFFFFF  }
0x98: {  	s18 =	sld [smem:$0x3FDB];
	_ =	sdelay $0x1  }
0x99: {  	s19 =	simm.s32 $_scs_section_size  }
0x9a: {  	s4 =	simm.s32 $_size__tile_overlayer_lowered;
	s5 =	simm.s32 $_tile_overlayer_lowered  }
0x9b: {  	s22 =	simm.s32 $0x1BFF;
	s21 =	sshll.u32 s5, $0x1;
	s2 =	sadd.s32 s19, s18  }
0x9c: {  	s6 =	simm.s32 $0x0;
	s20 =	sshll.u32 s4, $0x1;
	s4 =	sadd.s32 s21, s2  }
0x9d: {  	[timem:s6], [sflag:s22] =	dma.local [hbm:s4], s20  }
0x9e: {  	_ =	swait.ge [sflag:s22], s20  }
0x9f: {  	s3 =	ssub.s32 $0x0, s20;
	[sflag:s22] =	ssyncset.done $0x0  }
0xa0: {  	[sflag:s22] =	ssyncadd.s32 s3;
	_ =	sdelay $0x1  }
0xa1: {  	s23 =	simm.s32 $0x1B8B  }
0xa2: {  	_ =	swait.ge [sflag:s23], $0x1  }
0xa3: {  	[sflag:s23] =	ssyncset.done $0x0  }
0xa4: {  	s25 =	simm.s32 $0x1B8E;
	s24 =	sld [smem:$0x3FFE];
	[sflag:s23] =	ssyncadd.s32 $0xFFFFFFFF  }
0xa5: {  	s26 =	simm.s32 $execute0_lowered;
	[smem:$0x3FD2] =	sst s25  }
0xa6: {  	s4 =	sshll.u32 s26, $0x1;
	_ =	strace $0x80000046;
	[dreg:$0x1] =	wrdreg $0xFFFFFFFF  }
0xa7: {  	s28 =	simm.s32 $_size_execute0_lowered;
	s2 =	sadd.s32 s2, s4;
	[dreg:$0x0] =	wrdreg $0x0  }
0xa8: {  	s4 =	sshll.u32 s28, $0x1;
	[dreg:$0x2] =	wrdreg s2  }
0xa9: {  	[dreg:$0x3] =	wrdreg s4  }
0xaa: {  	[dreg:$0x4] =	wrdreg $0xC0  }
0xab: {  	_ =	task [dreg:s6], $0x5FFFF  }
0xac: {  	[dreg:$0x1] =	wrdreg $0xFFFFFFFF  }
0xad: {  	[dreg:$0x0] =	wrdreg $0x60  }
0xae: {  	[dreg:$0x2] =	wrdreg s24  }
0xaf: {  	[dreg:$0x3] =	wrdreg $0x9  }
0xb0: {  	_ =	task.clear_ibuf [dreg:s6], $0x4FFFF;
	_ =	strace $0x90000046  }
0xb1: {  	s29 =	simm.s32 $0x9;
	_ =	strace $0x80000048  }
0xb2: {  	_ =	swait.ge [sflag:s29], $0x1  }
0xb3: {  	[sflag:s29] =	ssyncadd.s32 $0xFFFFFFFF  }
0xb4: {  	_ =	strace $0x90000048  }
0xb5: {  	_ =	sfence  }
0xb6: {  	s30 =	sld [smem:$0x0];
	_ =	sdelay $0x2  }
0xb7: {  	s31 =	sshll.u32 s1, $0xD;
	s1 =	sshrl.u32 s1, $0x2  }
0xb8: {  	s3 =	sand.u32 $0x4000, s31;
	s1 =	sadd.s32 s1, s30  }
0xb9: {  	s0 =	sor.u32 s3, s0;
	s1 =	sshll.u32 s1, $0x11  }
0xba: {  	s0 =	sor.u32 s1, s0  }
0xbb: {  	s0 =	sadd.s32 $0x8F2B, s0  }
0xbc: {  	[sflag:s0] =	ssyncadd.remote.s32 $0x1  }
0xbd: {  	_ =	sfence.sel $0xFFFF  }
0xbe: {  	[dreg:$0x0] =	wrdreg $0xFFFFFFFF;
	(pc) =	sbr.abs _section_cstart, $3  }
0xbf: {  	[dreg:$0x1] =	wrdreg $0xFFFFFFFF  }
0xc0: {  	_ =	task.clear_ibuf [dreg:s6], $0x2FFFF;
	_ =	strace $0x9FFFFFFF  }
0xc1: {  	(tm) =	ssettm $0x7FFFFFFF  }
tec
execute0_lowered:
.L_overlay_start_1:
0x0: {  	(tag) =	ssettag $0x1  }
0x1: {  	s3 =	rddreg [dreg:$0x0]  }
0x2: {  	s30 =	rddreg [dreg:$0x1];
	s2 =	simm.s32 $0x0  }
0x3: {  	s19 =	simm.s32 $0x1500;
	[smem:$0x7FF] =	sst s2  }
0x4: {  	s20 =	simm.s32 $0xB500;
	_ =	strace $0x80000047;
	[dreg:$0x4] =	wrdreg s19  }
0x5: {  	s21 =	simm.s32 $0x15500;
	[dreg:$0x5] =	wrdreg s20  }
0x6: {  	s22 =	simm.s32 $0x1E580;
	[dreg:$0x6] =	wrdreg s21  }
0x7: {  	s23 =	simm.s32 $0x2500;
	[dreg:$0x7] =	wrdreg s22  }
0x8: {  	s24 =	simm.s32 $0xC500;
	[dreg:$0x8] =	wrdreg s23  }
0x9: {  	s25 =	simm.s32 $0x16500;
	[dreg:$0x9] =	wrdreg s24  }
0xa: {  	s0 =	srdreg.scid;
	s6 =	simm.s32 $0x1E600;
	[dreg:$0xa] =	wrdreg s25  }
0xb: {  	s18 =	stileid.u32;
	s26 =	simm.s32 $0x3500;
	[dreg:$0xb] =	wrdreg s6  }
0xc: {  	s8 =	simm.s32 $0xD500;
	s9 =	simm.s32 $0x17500;
	[dreg:$0xc] =	wrdreg s26  }
0xd: {  	s10 =	simm.s32 $0x1E680;
	s11 =	simm.s32 $0x4500;
	[dreg:$0xd] =	wrdreg s8  }
0xe: {  	s12 =	simm.s32 $0xE500;
	s14 =	simm.s32 $0x18500;
	[dreg:$0xe] =	wrdreg s9  }
0xf: {  	s15 =	simm.s32 $0x1E700;
	s16 =	simm.s32 $0x5500;
	[dreg:$0xf] =	wrdreg s10  }
0x10: {  	s17 =	simm.s32 $0xF500;
	s29 =	simm.s32 $0x100;
	[dreg:$0x10] =	wrdreg s11  }
0x11: {  	s28 =	simm.s32 $0x180;
	p0 =	por $0x0, $0x0;
	[dreg:$0x11] =	wrdreg s12  }
0x12: {  	s31 =	simm.s32 $0x1E980;
	s0 =	sand.u32 $0x1, s0;
	[dreg:$0x12] =	wrdreg s14  }
0x13: {  	s1 =	sshll.u32 s18, $0x1;
	s7 =	sadd.s32 $0x18A800, s3;
	[dreg:$0x13] =	wrdreg s15  }
0x14: {  	s1 =	sor.u32 s0, s1;
	s8 =	sadd.s32 $0x5200, s3;
	[dreg:$0x14] =	wrdreg s16  }
0x15: {  	s0 =	ssub.s32 $0x2, s0;
	[dreg:$0x15] =	wrdreg s17;
	s19 =	simm.s32 $0x19500  }
0x16: {  	s20 =	simm.s32 $0x1E780;
	s12 =	simm.s32 $0x500;
	[dreg:$0x16] =	wrdreg s19  }
0x17: {  	s21 =	simm.s32 $0x6500;
	s11 =	simm.s32 $0xA500;
	[dreg:$0x17] =	wrdreg s20  }
0x18: {  	s22 =	simm.s32 $0x10500;
	s10 =	simm.s32 $0x14500;
	[dreg:$0x18] =	wrdreg s21  }
0x19: {  	s23 =	simm.s32 $0x1A500;
	s9 =	simm.s32 $0x1E500;
	[dreg:$0x19] =	wrdreg s22  }
0x1a: {  	s24 =	simm.s32 $0x1E800;
	s14 =	simm.s32 $0x1;
	[dreg:$0x1a] =	wrdreg s23  }
0x1b: {  	s25 =	simm.s32 $0x7500;
	s26 =	simm.s32 $0x11500;
	[dreg:$0x1b] =	wrdreg s24  }
0x1c: {  	s15 =	simm.s32 $0x1B500;
	s16 =	simm.s32 $0x1E880;
	[dreg:$0x1c] =	wrdreg s25  }
0x1d: {  	s17 =	simm.s32 $0x8500;
	s4 =	smul.u32 $0xA0, s1;
	[dreg:$0x1d] =	wrdreg s26  }
0x1e: {  	s1 =	smul.u32 $0x3C00, s1;
	s13 =	sshrl.u32 s0, $0x1;
	[dreg:$0x1e] =	wrdreg s15  }
0x1f: {  	s26 =	simm.s32 $0x200;
	s25 =	simm.s32 $0x280;
	[dreg:$0x1f] =	wrdreg s16  }
0x20: {  	s24 =	simm.s32 $0x300;
	[smem:$0x7FA] =	sst s17;
	s19 =	simm.s32 $0x12500  }
0x21: {  	s23 =	simm.s32 $0x380;
	s20 =	simm.s32 $0x1C500;
	s22 =	simm.s32 $0x400  }
0x22: {  	s21 =	simm.s32 $0x1E900;
	s17 =	simm.s32 $0x480;
	s15 =	simm.s32 $0x20  }
0x23: {  	s16 =	simm.s32 $0x60;
	s0 =	ssub.s32 s0, s13;
	[smem:$0x7FB] =	sst s19  }
0x24: {  	s13 =	simm.s32 $0x80;
	[smem:$0x7FC] =	sst s20;
	s0 =	smax.u32 s0, $0x1  }
0x25: {  	[smem:$0x7FD] =	sst s21;
	s19 =	simm.s32 $0x9500;
	p1 =	sne.s32 s0, $0x1  }
.Ltmp0:
0x26: {  	s20 =	simm.s32 $0x13500;
	s4 =	sadd.s32 s4, s3;
	(pc) =	sbr.rel @!p1 .LBB2_5-.Ltmp0, $4  }
0x27: {  	s21 =	simm.s32 $0x1D500;
	s1 =	sadd.s32 s1, s3;
	s5 =	sadd.s32 $0x3E00, s4  }
0x28: {  	s4 =	sadd.s32 $0x80400, s4;
	s6 =	sadd.s32 $0x8400, s1;
	[dreg:$0x2] =	wrdreg s5  }
0x29: {  	s1 =	sadd.s32 $0xFFFFFFFF, s0;
	[dreg:$0x3] =	wrdreg s4;
	s4 =	sadd.s32 $0x24E000, s3  }
0x2a: {  	s5 =	sadd.s32 $0x1EC400, s3;
	s3 =	simm.s32 $0x2;
	s0 =	rddreg [dreg:$0x2]  }
0x2b: {  	[tilespmem:s2], [sflag:$0x2] =	stream.linear.gather [hbm4b:s0+s2], $0x500, $0x38;
	[tilespmem:$0x1EA00] =	vst v63  }
0x2c: {  	_ =	swait.ge [sflag:s3], $0x500  }
0x2d: {  	[sflag:s3] =	ssyncset.done $0x0  }
0x2e: {  	[sflag:s3] =	ssyncadd.s32 $0xFFFFFB00  }
0x2f: {  	[tilespmem:s12], [sflag:$0x1] =	stream.indirect.gather [hbm4b:s4+s13], $0x20, s2, s13, $0xb8;
	[tilespmem:$0x1EA00] =	vst v63  }
0x30: {  	_ = 	snop  }
0x31: {  	[tilespmem:s11], [sflag:$0x1] =	stream.indirect.gather [hbm4b:s5+s13], $0x20, s2, s13, $0xb8;
	[tilespmem:$0x1EA00] =	vst v63  }
0x32: {  	_ = 	snop  }
0x33: {  	[tilespmem:s10], [sflag:$0x1] =	stream.indirect.gather [hbm4b:s7+s13], $0x20, s2, s13, $0xb8;
	[tilespmem:$0x1EA00] =	vst v63  }
0x34: {  	_ = 	snop  }
0x35: {  	[tilespmem:s9], [sflag:$0x1] =	stream.indirect.gather [hbm4b:s8+s13], $0x1, s2, s13, $0xb8;
	[tilespmem:$0x1EA00] =	vst v63  }
0x36: {  	_ =	swait.ge [sflag:s14], $0x1000  }
0x37: {  	[sflag:s14] =	ssyncset.done $0x0  }
0x38: {  	[sflag:s14] =	ssyncadd.s32 $0xFFFFF000  }
0x39: {  	_ =	swait.ge [sflag:s14], $0x1000  }
0x3a: {  	[sflag:s14] =	ssyncset.done $0x0  }
0x3b: {  	[sflag:s14] =	ssyncadd.s32 $0xFFFFF000  }
0x3c: {  	_ =	swait.ge [sflag:s14], $0x1000  }
0x3d: {  	[sflag:s14] =	ssyncset.done $0x0  }
0x3e: {  	[sflag:s14] =	ssyncadd.s32 $0xFFFFF000  }
0x3f: {  	_ =	swait.ge [sflag:s14], $0x80  }
0x40: {  	[sflag:s14] =	ssyncset.done $0x0  }
0x41: {  	s18 =	rddreg [dreg:$0x4];
	[sflag:s14] =	ssyncadd.s32 $0xFFFFFF80  }
0x42: {  	[tilespmem:s18], [sflag:$0x1] =	stream.indirect.gather [hbm4b:s4+s13], $0x20, s13, s13, $0xb8;
	[tilespmem:$0x1EA00] =	vst v63  }
0x43: {  	s30 =	rddreg [dreg:$0x5]  }
0x44: {  	[tilespmem:s30], [sflag:$0x1] =	stream.indirect.gather [hbm4b:s5+s13], $0x20, s13, s13, $0xb8;
	[tilespmem:$0x1EA00] =	vst v63  }
0x45: {  	s18 =	rddreg [dreg:$0x6]  }
0x46: {  	[tilespmem:s18], [sflag:$0x1] =	stream.indirect.gather [hbm4b:s7+s13], $0x20, s13, s13, $0xb8;
	[tilespmem:$0x1EA00] =	vst v63  }
0x47: {  	s30 =	rddreg [dreg:$0x7]  }
0x48: {  	[tilespmem:s30], [sflag:$0x1] =	stream.indirect.gather [hbm4b:s8+s13], $0x1, s13, s13, $0xb8;
	[tilespmem:$0x1EA00] =	vst v63  }
0x49: {  	_ =	swait.ge [sflag:s14], $0x1000  }
0x4a: {  	[sflag:s14] =	ssyncset.done $0x0  }
0x4b: {  	[sflag:s14] =	ssyncadd.s32 $0xFFFFF000  }
0x4c: {  	_ =	swait.ge [sflag:s14], $0x1000  }
0x4d: {  	[sflag:s14] =	ssyncset.done $0x0  }
0x4e: {  	[sflag:s14] =	ssyncadd.s32 $0xFFFFF000  }
0x4f: {  	_ =	swait.ge [sflag:s14], $0x1000  }
0x50: {  	[sflag:s14] =	ssyncset.done $0x0  }
0x51: {  	[sflag:s14] =	ssyncadd.s32 $0xFFFFF000  }
0x52: {  	_ =	swait.ge [sflag:s14], $0x80  }
0x53: {  	[sflag:s14] =	ssyncset.done $0x0  }
0x54: {  	s18 =	rddreg [dreg:$0x8];
	[sflag:s14] =	ssyncadd.s32 $0xFFFFFF80  }
0x55: {  	[tilespmem:s18], [sflag:$0x1] =	stream.indirect.gather [hbm4b:s4+s13], $0x20, s29, s13, $0xb8;
	[tilespmem:$0x1EA00] =	vst v63  }
0x56: {  	s30 =	rddreg [dreg:$0x9]  }
0x57: {  	[tilespmem:s30], [sflag:$0x1] =	stream.indirect.gather [hbm4b:s5+s13], $0x20, s29, s13, $0xb8;
	[tilespmem:$0x1EA00] =	vst v63  }
0x58: {  	s18 =	rddreg [dreg:$0xa]  }
0x59: {  	[tilespmem:s18], [sflag:$0x1] =	stream.indirect.gather [hbm4b:s7+s13], $0x20, s29, s13, $0xb8;
	[tilespmem:$0x1EA00] =	vst v63  }
0x5a: {  	s30 =	rddreg [dreg:$0xb]  }
0x5b: {  	[tilespmem:s30], [sflag:$0x1] =	stream.indirect.gather [hbm4b:s8+s13], $0x1, s29, s13, $0xb8;
	[tilespmem:$0x1EA00] =	vst v63  }
0x5c: {  	_ =	swait.ge [sflag:s14], $0x1000  }
0x5d: {  	[sflag:s14] =	ssyncset.done $0x0  }
0x5e: {  	[sflag:s14] =	ssyncadd.s32 $0xFFFFF000  }
0x5f: {  	_ =	swait.ge [sflag:s14], $0x1000  }
0x60: {  	[sflag:s14] =	ssyncset.done $0x0  }
0x61: {  	[sflag:s14] =	ssyncadd.s32 $0xFFFFF000  }
0x62: {  	_ =	swait.ge [sflag:s14], $0x1000  }
0x63: {  	[sflag:s14] =	ssyncset.done $0x0  }
0x64: {  	[sflag:s14] =	ssyncadd.s32 $0xFFFFF000  }
0x65: {  	_ =	swait.ge [sflag:s14], $0x80  }
0x66: {  	[sflag:s14] =	ssyncset.done $0x0  }
0x67: {  	s18 =	rddreg [dreg:$0xc];
	[sflag:s14] =	ssyncadd.s32 $0xFFFFFF80  }
0x68: {  	[tilespmem:s18], [sflag:$0x1] =	stream.indirect.gather [hbm4b:s4+s13], $0x20, s28, s13, $0xb8;
	[tilespmem:$0x1EA00] =	vst v63  }
0x69: {  	s30 =	rddreg [dreg:$0xd]  }
0x6a: {  	[tilespmem:s30], [sflag:$0x1] =	stream.indirect.gather [hbm4b:s5+s13], $0x20, s28, s13, $0xb8;
	[tilespmem:$0x1EA00] =	vst v63  }
0x6b: {  	s18 =	rddreg [dreg:$0xe]  }
0x6c: {  	[tilespmem:s18], [sflag:$0x1] =	stream.indirect.gather [hbm4b:s7+s13], $0x20, s28, s13, $0xb8;
	[tilespmem:$0x1EA00] =	vst v63  }
0x6d: {  	s30 =	rddreg [dreg:$0xf]  }
0x6e: {  	[tilespmem:s30], [sflag:$0x1] =	stream.indirect.gather [hbm4b:s8+s13], $0x1, s28, s13, $0xb8;
	[tilespmem:$0x1EA00] =	vst v63  }
0x6f: {  	_ =	swait.ge [sflag:s14], $0x1000  }
0x70: {  	[sflag:s14] =	ssyncset.done $0x0  }
0x71: {  	[sflag:s14] =	ssyncadd.s32 $0xFFFFF000  }
0x72: {  	_ =	swait.ge [sflag:s14], $0x1000  }
0x73: {  	[sflag:s14] =	ssyncset.done $0x0  }
0x74: {  	[sflag:s14] =	ssyncadd.s32 $0xFFFFF000  }
0x75: {  	_ =	swait.ge [sflag:s14], $0x1000  }
0x76: {  	[sflag:s14] =	ssyncset.done $0x0  }
0x77: {  	[sflag:s14] =	ssyncadd.s32 $0xFFFFF000  }
0x78: {  	_ =	swait.ge [sflag:s14], $0x80  }
0x79: {  	[sflag:s14] =	ssyncset.done $0x0  }
0x7a: {  	s18 =	rddreg [dreg:$0x10];
	[sflag:s14] =	ssyncadd.s32 $0xFFFFFF80  }
0x7b: {  	[tilespmem:s18], [sflag:$0x1] =	stream.indirect.gather [hbm4b:s4+s13], $0x20, s26, s13, $0xb8;
	[tilespmem:$0x1EA00] =	vst v63  }
0x7c: {  	s30 =	rddreg [dreg:$0x11]  }
0x7d: {  	[tilespmem:s30], [sflag:$0x1] =	stream.indirect.gather [hbm4b:s5+s13], $0x20, s26, s13, $0xb8;
	[tilespmem:$0x1EA00] =	vst v63  }
0x7e: {  	s18 =	rddreg [dreg:$0x12]  }
0x7f: {  	[tilespmem:s18], [sflag:$0x1] =	stream.indirect.gather [hbm4b:s7+s13], $0x20, s26, s13, $0xb8;
	[tilespmem:$0x1EA00] =	vst v63  }
0x80: {  	s30 =	rddreg [dreg:$0x13]  }
0x81: {  	[tilespmem:s30], [sflag:$0x1] =	stream.indirect.gather [hbm4b:s8+s13], $0x1, s26, s13, $0xb8;
	[tilespmem:$0x1EA00] =	vst v63  }
0x82: {  	_ =	swait.ge [sflag:s14], $0x1000  }
0x83: {  	[sflag:s14] =	ssyncset.done $0x0  }
0x84: {  	[sflag:s14] =	ssyncadd.s32 $0xFFFFF000  }
0x85: {  	_ =	swait.ge [sflag:s14], $0x1000  }
0x86: {  	[sflag:s14] =	ssyncset.done $0x0  }
0x87: {  	[sflag:s14] =	ssyncadd.s32 $0xFFFFF000  }
0x88: {  	_ =	swait.ge [sflag:s14], $0x1000  }
0x89: {  	[sflag:s14] =	ssyncset.done $0x0  }
0x8a: {  	[sflag:s14] =	ssyncadd.s32 $0xFFFFF000  }
0x8b: {  	_ =	swait.ge [sflag:s14], $0x80  }
0x8c: {  	[sflag:s14] =	ssyncset.done $0x0  }
0x8d: {  	s18 =	rddreg [dreg:$0x14];
	[sflag:s14] =	ssyncadd.s32 $0xFFFFFF80  }
0x8e: {  	[tilespmem:s18], [sflag:$0x1] =	stream.indirect.gather [hbm4b:s4+s13], $0x20, s25, s13, $0xb8;
	[tilespmem:$0x1EA00] =	vst v63  }
0x8f: {  	s30 =	rddreg [dreg:$0x15]  }
0x90: {  	[tilespmem:s30], [sflag:$0x1] =	stream.indirect.gather [hbm4b:s5+s13], $0x20, s25, s13, $0xb8;
	[tilespmem:$0x1EA00] =	vst v63  }
0x91: {  	s18 =	rddreg [dreg:$0x16]  }
0x92: {  	[tilespmem:s18], [sflag:$0x1] =	stream.indirect.gather [hbm4b:s7+s13], $0x20, s25, s13, $0xb8;
	[tilespmem:$0x1EA00] =	vst v63  }
0x93: {  	s30 =	rddreg [dreg:$0x17]  }
0x94: {  	[tilespmem:s30], [sflag:$0x1] =	stream.indirect.gather [hbm4b:s8+s13], $0x1, s25, s13, $0xb8;
	[tilespmem:$0x1EA00] =	vst v63  }
0x95: {  	_ =	swait.ge [sflag:s14], $0x1000  }
0x96: {  	[sflag:s14] =	ssyncset.done $0x0  }
0x97: {  	[sflag:s14] =	ssyncadd.s32 $0xFFFFF000  }
0x98: {  	_ =	swait.ge [sflag:s14], $0x1000  }
0x99: {  	[sflag:s14] =	ssyncset.done $0x0  }
0x9a: {  	[sflag:s14] =	ssyncadd.s32 $0xFFFFF000  }
0x9b: {  	_ =	swait.ge [sflag:s14], $0x1000  }
0x9c: {  	[sflag:s14] =	ssyncset.done $0x0  }
0x9d: {  	[sflag:s14] =	ssyncadd.s32 $0xFFFFF000  }
0x9e: {  	_ =	swait.ge [sflag:s14], $0x80  }
0x9f: {  	[sflag:s14] =	ssyncset.done $0x0  }
0xa0: {  	s18 =	rddreg [dreg:$0x18];
	[sflag:s14] =	ssyncadd.s32 $0xFFFFFF80  }
0xa1: {  	[tilespmem:s18], [sflag:$0x1] =	stream.indirect.gather [hbm4b:s4+s13], $0x20, s24, s13, $0xb8;
	[tilespmem:$0x1EA00] =	vst v63  }
0xa2: {  	s30 =	rddreg [dreg:$0x19]  }
0xa3: {  	[tilespmem:s30], [sflag:$0x1] =	stream.indirect.gather [hbm4b:s5+s13], $0x20, s24, s13, $0xb8;
	[tilespmem:$0x1EA00] =	vst v63  }
0xa4: {  	s18 =	rddreg [dreg:$0x1a]  }
0xa5: {  	[tilespmem:s18], [sflag:$0x1] =	stream.indirect.gather [hbm4b:s7+s13], $0x20, s24, s13, $0xb8;
	[tilespmem:$0x1EA00] =	vst v63  }
0xa6: {  	s30 =	rddreg [dreg:$0x1b]  }
0xa7: {  	[tilespmem:s30], [sflag:$0x1] =	stream.indirect.gather [hbm4b:s8+s13], $0x1, s24, s13, $0xb8;
	[tilespmem:$0x1EA00] =	vst v63  }
0xa8: {  	_ =	swait.ge [sflag:s14], $0x1000  }
0xa9: {  	[sflag:s14] =	ssyncset.done $0x0  }
0xaa: {  	[sflag:s14] =	ssyncadd.s32 $0xFFFFF000  }
0xab: {  	_ =	swait.ge [sflag:s14], $0x1000  }
0xac: {  	[sflag:s14] =	ssyncset.done $0x0  }
0xad: {  	[sflag:s14] =	ssyncadd.s32 $0xFFFFF000  }
0xae: {  	_ =	swait.ge [sflag:s14], $0x1000  }
0xaf: {  	[sflag:s14] =	ssyncset.done $0x0  }
0xb0: {  	[sflag:s14] =	ssyncadd.s32 $0xFFFFF000  }
0xb1: {  	_ =	swait.ge [sflag:s14], $0x80  }
0xb2: {  	[sflag:s14] =	ssyncset.done $0x0  }
0xb3: {  	s18 =	rddreg [dreg:$0x1c];
	[sflag:s14] =	ssyncadd.s32 $0xFFFFFF80  }
0xb4: {  	[tilespmem:s18], [sflag:$0x1] =	stream.indirect.gather [hbm4b:s4+s13], $0x20, s23, s13, $0xb8;
	[tilespmem:$0x1EA00] =	vst v63  }
0xb5: {  	s30 =	rddreg [dreg:$0x1d]  }
0xb6: {  	[tilespmem:s30], [sflag:$0x1] =	stream.indirect.gather [hbm4b:s5+s13], $0x20, s23, s13, $0xb8;
	[tilespmem:$0x1EA00] =	vst v63  }
0xb7: {  	s18 =	rddreg [dreg:$0x1e]  }
0xb8: {  	[tilespmem:s18], [sflag:$0x1] =	stream.indirect.gather [hbm4b:s7+s13], $0x20, s23, s13, $0xb8;
	[tilespmem:$0x1EA00] =	vst v63  }
0xb9: {  	s30 =	rddreg [dreg:$0x1f]  }
0xba: {  	[tilespmem:s30], [sflag:$0x1] =	stream.indirect.gather [hbm4b:s8+s13], $0x1, s23, s13, $0xb8;
	[tilespmem:$0x1EA00] =	vst v63  }
0xbb: {  	_ =	swait.ge [sflag:s14], $0x1000  }
0xbc: {  	[sflag:s14] =	ssyncset.done $0x0  }
0xbd: {  	[sflag:s14] =	ssyncadd.s32 $0xFFFFF000  }
0xbe: {  	_ =	swait.ge [sflag:s14], $0x1000  }
0xbf: {  	[sflag:s14] =	ssyncset.done $0x0  }
0xc0: {  	[sflag:s14] =	ssyncadd.s32 $0xFFFFF000  }
0xc1: {  	_ =	swait.ge [sflag:s14], $0x1000  }
0xc2: {  	[sflag:s14] =	ssyncset.done $0x0  }
0xc3: {  	[sflag:s14] =	ssyncadd.s32 $0xFFFFF000  }
0xc4: {  	_ =	swait.ge [sflag:s14], $0x80  }
0xc5: {  	s18 =	sld [smem:$0x7FA]  }
0xc6: {  	[sflag:s14] =	ssyncset.done $0x0  }
0xc7: {  	s30 =	sld [smem:$0x7FB];
	[sflag:s14] =	ssyncadd.s32 $0xFFFFFF80  }
0xc8: {  	[tilespmem:s18], [sflag:$0x1] =	stream.indirect.gather [hbm4b:s4+s13], $0x20, s22, s13, $0xb8;
	[tilespmem:$0x1EA00] =	vst v63  }
0xc9: {  	s18 =	sld [smem:$0x7FC]  }
0xca: {  	[tilespmem:s30], [sflag:$0x1] =	stream.indirect.gather [hbm4b:s5+s13], $0x20, s22, s13, $0xb8;
	[tilespmem:$0x1EA00] =	vst v63  }
0xcb: {  	s30 =	sld [smem:$0x7FD]  }
0xcc: {  	[tilespmem:s18], [sflag:$0x1] =	stream.indirect.gather [hbm4b:s7+s13], $0x20, s22, s13, $0xb8;
	[tilespmem:$0x1EA00] =	vst v63  }
0xcd: {  	_ = 	snop  }
0xce: {  	[tilespmem:s30], [sflag:$0x1] =	stream.indirect.gather [hbm4b:s8+s13], $0x1, s22, s13, $0xb8;
	[tilespmem:$0x1EA00] =	vst v63  }
0xcf: {  	_ =	swait.ge [sflag:s14], $0x1000  }
0xd0: {  	[sflag:s14] =	ssyncset.done $0x0  }
0xd1: {  	[sflag:s14] =	ssyncadd.s32 $0xFFFFF000  }
0xd2: {  	_ =	swait.ge [sflag:s14], $0x1000  }
0xd3: {  	[sflag:s14] =	ssyncset.done $0x0  }
0xd4: {  	[sflag:s14] =	ssyncadd.s32 $0xFFFFF000  }
0xd5: {  	_ =	swait.ge [sflag:s14], $0x1000  }
0xd6: {  	[sflag:s14] =	ssyncset.done $0x0  }
0xd7: {  	[sflag:s14] =	ssyncadd.s32 $0xFFFFF000  }
0xd8: {  	_ =	swait.ge [sflag:s14], $0x80  }
0xd9: {  	[sflag:s14] =	ssyncset.done $0x0  }
0xda: {  	[sflag:s14] =	ssyncadd.s32 $0xFFFFFF80  }
0xdb: {  	[tilespmem:s19], [sflag:$0x1] =	stream.indirect.gather [hbm4b:s4+s13], $0x20, s17, s13, $0xb8;
	[tilespmem:$0x1EA00] =	vst v63  }
0xdc: {  	_ = 	snop  }
0xdd: {  	[tilespmem:s20], [sflag:$0x1] =	stream.indirect.gather [hbm4b:s5+s13], $0x20, s17, s13, $0xb8;
	[tilespmem:$0x1EA00] =	vst v63  }
0xde: {  	_ = 	snop  }
0xdf: {  	[tilespmem:s21], [sflag:$0x1] =	stream.indirect.gather [hbm4b:s7+s13], $0x20, s17, s13, $0xb8;
	[tilespmem:$0x1EA00] =	vst v63  }
0xe0: {  	_ = 	snop  }
0xe1: {  	[tilespmem:s31], [sflag:$0x1] =	stream.indirect.gather [hbm4b:s8+s13], $0x1, s17, s13, $0xb8;
	[tilespmem:$0x1EA00] =	vst v63  }
0xe2: {  	_ =	swait.ge [sflag:s14], $0x1000  }
0xe3: {  	[sflag:s14] =	ssyncset.done $0x0  }
0xe4: {  	[sflag:s14] =	ssyncadd.s32 $0xFFFFF000  }
0xe5: {  	_ =	swait.ge [sflag:s14], $0x1000  }
0xe6: {  	[sflag:s14] =	ssyncset.done $0x0  }
0xe7: {  	[sflag:s14] =	ssyncadd.s32 $0xFFFFF000  }
0xe8: {  	_ =	swait.ge [sflag:s14], $0x1000  }
0xe9: {  	[sflag:s14] =	ssyncset.done $0x0  }
0xea: {  	[sflag:s14] =	ssyncadd.s32 $0xFFFFF000  }
0xeb: {  	_ =	swait.ge [sflag:s14], $0x80  }
0xec: {  	[sflag:s14] =	ssyncset.done $0x0  }
0xed: {  	[sflag:s14] =	ssyncadd.s32 $0xFFFFFF80  }
0xee: {  	[hbm4b:s6+s15] =	stream.strided.scatter [tilespmem:s12], [sflag:$0x2], $0xA000, s16, s15, $0x38;
	[tilespmem:$0x1EA00] =	vst v63  }
0xef: {  	_ =	swait.ge [sflag:s3], $0xA000  }
0xf0: {  	[sflag:s3] =	ssyncset.done $0x0  }
0xf1: {  	s30 =	sadd.s32 $0x4, s6;
	[sflag:s3] =	ssyncadd.s32 $0xFFFF6000  }
0xf2: {  	[hbm4b:s30+s15] =	stream.strided.scatter [tilespmem:s11], [sflag:$0x2], $0xA000, s16, s15, $0x38;
	[tilespmem:$0x1EA00] =	vst v63  }
0xf3: {  	_ =	swait.ge [sflag:s3], $0xA000  }
0xf4: {  	[sflag:s3] =	ssyncset.done $0x0  }
0xf5: {  	s31 =	sadd.s32 $0x8, s6;
	[sflag:s3] =	ssyncadd.s32 $0xFFFF6000  }
0xf6: {  	[hbm4b:s31+s15] =	stream.strided.scatter [tilespmem:s10], [sflag:$0x2], $0xA000, s16, s15, $0x38;
	[tilespmem:$0x1EA00] =	vst v63  }
0xf7: {  	p1 =	sne.s32 s1, $0x1;
	_ =	swait.ge [sflag:s3], $0xA000  }
.Ltmp1:
0xf8: {  	s1 =	sadd.s32 $0xFFFFFFFF, s1;
	[sflag:s3] =	ssyncset.done $0x0;
	(pc) =	sbr.rel @!p1 .LBB2_2-.Ltmp1, $4  }
0xf9: {  	p0 =	por $0x1, $0x1;
	s18 =	rddreg [dreg:$0x3];
	[sflag:s3] =	ssyncadd.s32 $0xFFFF6000  }
0xfa: {  	[hbm4b:s18+s2] =	stream.linear.scatter [tilespmem:s9], [sflag:$0x2], $0x500, $0x38;
	[tilespmem:$0x1EA00] =	vst v63  }
0xfb: {  	s19 =	simm.s32 $0x1E980;
	s20 =	simm.s32 $0x13500;
	_ =	swait.ge [sflag:s3], $0x500  }
0xfc: {  	s21 =	simm.s32 $0x1D500;
	s0 =	rddreg [dreg:$0x2];
	[sflag:s3] =	ssyncset.done $0x0  }
.LBB2_3:
0xfd: {  	[sflag:s3] =	ssyncadd.s32 $0xFFFFFB00  }
0xfe: {  	[tilespmem:s2], [sflag:$0x2] =	stream.linear.gather [hbm4b:s0+s2], $0x500, $0x38;
	[tilespmem:$0x1EA00] =	vst v63  }
0xff: {  	_ =	swait.ge [sflag:s3], $0x500  }
0x100: {  	[sflag:s3] =	ssyncset.done $0x0  }
0x101: {  	[sflag:s3] =	ssyncadd.s32 $0xFFFFFB00  }
0x102: {  	[tilespmem:s12], [sflag:$0x1] =	stream.indirect.gather [hbm4b:s4+s13], $0x20, s2, s13, $0xb8;
	[tilespmem:$0x1EA00] =	vst v63  }
0x103: {  	_ = 	snop  }
0x104: {  	[tilespmem:s11], [sflag:$0x1] =	stream.indirect.gather [hbm4b:s5+s13], $0x20, s2, s13, $0xb8;
	[tilespmem:$0x1EA00] =	vst v63  }
0x105: {  	_ = 	snop  }
0x106: {  	[tilespmem:s10], [sflag:$0x1] =	stream.indirect.gather [hbm4b:s7+s13], $0x20, s2, s13, $0xb8;
	[tilespmem:$0x1EA00] =	vst v63  }
0x107: {  	_ = 	snop  }
0x108: {  	[tilespmem:s9], [sflag:$0x1] =	stream.indirect.gather [hbm4b:s8+s13], $0x1, s2, s13, $0xb8;
	[tilespmem:$0x1EA00] =	vst v63  }
0x109: {  	_ =	swait.ge [sflag:s14], $0x1000  }
0x10a: {  	[sflag:s14] =	ssyncset.done $0x0  }
0x10b: {  	[sflag:s14] =	ssyncadd.s32 $0xFFFFF000  }
0x10c: {  	_ =	swait.ge [sflag:s14], $0x1000  }
0x10d: {  	[sflag:s14] =	ssyncset.done $0x0  }
0x10e: {  	[sflag:s14] =	ssyncadd.s32 $0xFFFFF000  }
0x10f: {  	_ =	swait.ge [sflag:s14], $0x1000  }
0x110: {  	[sflag:s14] =	ssyncset.done $0x0  }
0x111: {  	[sflag:s14] =	ssyncadd.s32 $0xFFFFF000  }
0x112: {  	_ =	swait.ge [sflag:s14], $0x80  }
0x113: {  	[sflag:s14] =	ssyncset.done $0x0  }
0x114: {  	s0 =	rddreg [dreg:$0x4];
	[sflag:s14] =	ssyncadd.s32 $0xFFFFFF80  }
0x115: {  	[tilespmem:s0], [sflag:$0x1] =	stream.indirect.gather [hbm4b:s4+s13], $0x20, s13, s13, $0xb8;
	[tilespmem:$0x1EA00] =	vst v63  }
0x116: {  	s18 =	rddreg [dreg:$0x5]  }
0x117: {  	[tilespmem:s18], [sflag:$0x1] =	stream.indirect.gather [hbm4b:s5+s13], $0x20, s13, s13, $0xb8;
	[tilespmem:$0x1EA00] =	vst v63  }
0x118: {  	s0 =	rddreg [dreg:$0x6]  }
0x119: {  	[tilespmem:s0], [sflag:$0x1] =	stream.indirect.gather [hbm4b:s7+s13], $0x20, s13, s13, $0xb8;
	[tilespmem:$0x1EA00] =	vst v63  }
0x11a: {  	s18 =	rddreg [dreg:$0x7]  }
0x11b: {  	[tilespmem:s18], [sflag:$0x1] =	stream.indirect.gather [hbm4b:s8+s13], $0x1, s13, s13, $0xb8;
	[tilespmem:$0x1EA00] =	vst v63  }
0x11c: {  	_ =	swait.ge [sflag:s14], $0x1000  }
0x11d: {  	[sflag:s14] =	ssyncset.done $0x0  }
0x11e: {  	[sflag:s14] =	ssyncadd.s32 $0xFFFFF000  }
0x11f: {  	_ =	swait.ge [sflag:s14], $0x1000  }
0x120: {  	[sflag:s14] =	ssyncset.done $0x0  }
0x121: {  	[sflag:s14] =	ssyncadd.s32 $0xFFFFF000  }
0x122: {  	_ =	swait.ge [sflag:s14], $0x1000  }
0x123: {  	[sflag:s14] =	ssyncset.done $0x0  }
0x124: {  	[sflag:s14] =	ssyncadd.s32 $0xFFFFF000  }
0x125: {  	_ =	swait.ge [sflag:s14], $0x80  }
0x126: {  	[sflag:s14] =	ssyncset.done $0x0  }
0x127: {  	s0 =	rddreg [dreg:$0x8];
	[sflag:s14] =	ssyncadd.s32 $0xFFFFFF80  }
0x128: {  	[tilespmem:s0], [sflag:$0x1] =	stream.indirect.gather [hbm4b:s4+s13], $0x20, s29, s13, $0xb8;
	[tilespmem:$0x1EA00] =	vst v63  }
0x129: {  	s18 =	rddreg [dreg:$0x9]  }
0x12a: {  	[tilespmem:s18], [sflag:$0x1] =	stream.indirect.gather [hbm4b:s5+s13], $0x20, s29, s13, $0xb8;
	[tilespmem:$0x1EA00] =	vst v63  }
0x12b: {  	s0 =	rddreg [dreg:$0xa]  }
0x12c: {  	[tilespmem:s0], [sflag:$0x1] =	stream.indirect.gather [hbm4b:s7+s13], $0x20, s29, s13, $0xb8;
	[tilespmem:$0x1EA00] =	vst v63  }
0x12d: {  	s18 =	rddreg [dreg:$0xb]  }
0x12e: {  	[tilespmem:s18], [sflag:$0x1] =	stream.indirect.gather [hbm4b:s8+s13], $0x1, s29, s13, $0xb8;
	[tilespmem:$0x1EA00] =	vst v63  }
0x12f: {  	_ =	swait.ge [sflag:s14], $0x1000  }
0x130: {  	[sflag:s14] =	ssyncset.done $0x0  }
0x131: {  	[sflag:s14] =	ssyncadd.s32 $0xFFFFF000  }
0x132: {  	_ =	swait.ge [sflag:s14], $0x1000  }
0x133: {  	[sflag:s14] =	ssyncset.done $0x0  }
0x134: {  	[sflag:s14] =	ssyncadd.s32 $0xFFFFF000  }
0x135: {  	_ =	swait.ge [sflag:s14], $0x1000  }
0x136: {  	[sflag:s14] =	ssyncset.done $0x0  }
0x137: {  	[sflag:s14] =	ssyncadd.s32 $0xFFFFF000  }
0x138: {  	_ =	swait.ge [sflag:s14], $0x80  }
0x139: {  	[sflag:s14] =	ssyncset.done $0x0  }
0x13a: {  	s0 =	rddreg [dreg:$0xc];
	[sflag:s14] =	ssyncadd.s32 $0xFFFFFF80  }
0x13b: {  	[tilespmem:s0], [sflag:$0x1] =	stream.indirect.gather [hbm4b:s4+s13], $0x20, s28, s13, $0xb8;
	[tilespmem:$0x1EA00] =	vst v63  }
0x13c: {  	s18 =	rddreg [dreg:$0xd]  }
0x13d: {  	[tilespmem:s18], [sflag:$0x1] =	stream.indirect.gather [hbm4b:s5+s13], $0x20, s28, s13, $0xb8;
	[tilespmem:$0x1EA00] =	vst v63  }
0x13e: {  	s0 =	rddreg [dreg:$0xe]  }
0x13f: {  	[tilespmem:s0], [sflag:$0x1] =	stream.indirect.gather [hbm4b:s7+s13], $0x20, s28, s13, $0xb8;
	[tilespmem:$0x1EA00] =	vst v63  }
0x140: {  	s18 =	rddreg [dreg:$0xf]  }
0x141: {  	[tilespmem:s18], [sflag:$0x1] =	stream.indirect.gather [hbm4b:s8+s13], $0x1, s28, s13, $0xb8;
	[tilespmem:$0x1EA00] =	vst v63  }
0x142: {  	_ =	swait.ge [sflag:s14], $0x1000  }
0x143: {  	[sflag:s14] =	ssyncset.done $0x0  }
0x144: {  	[sflag:s14] =	ssyncadd.s32 $0xFFFFF000  }
0x145: {  	_ =	swait.ge [sflag:s14], $0x1000  }
0x146: {  	[sflag:s14] =	ssyncset.done $0x0  }
0x147: {  	[sflag:s14] =	ssyncadd.s32 $0xFFFFF000  }
0x148: {  	_ =	swait.ge [sflag:s14], $0x1000  }
0x149: {  	[sflag:s14] =	ssyncset.done $0x0  }
0x14a: {  	[sflag:s14] =	ssyncadd.s32 $0xFFFFF000  }
0x14b: {  	_ =	swait.ge [sflag:s14], $0x80  }
0x14c: {  	[sflag:s14] =	ssyncset.done $0x0  }
0x14d: {  	s0 =	rddreg [dreg:$0x10];
	[sflag:s14] =	ssyncadd.s32 $0xFFFFFF80  }
0x14e: {  	[tilespmem:s0], [sflag:$0x1] =	stream.indirect.gather [hbm4b:s4+s13], $0x20, s26, s13, $0xb8;
	[tilespmem:$0x1EA00] =	vst v63  }
0x14f: {  	s18 =	rddreg [dreg:$0x11]  }
0x150: {  	[tilespmem:s18], [sflag:$0x1] =	stream.indirect.gather [hbm4b:s5+s13], $0x20, s26, s13, $0xb8;
	[tilespmem:$0x1EA00] =	vst v63  }
0x151: {  	s0 =	rddreg [dreg:$0x12]  }
0x152: {  	[tilespmem:s0], [sflag:$0x1] =	stream.indirect.gather [hbm4b:s7+s13], $0x20, s26, s13, $0xb8;
	[tilespmem:$0x1EA00] =	vst v63  }
0x153: {  	s18 =	rddreg [dreg:$0x13]  }
0x154: {  	[tilespmem:s18], [sflag:$0x1] =	stream.indirect.gather [hbm4b:s8+s13], $0x1, s26, s13, $0xb8;
	[tilespmem:$0x1EA00] =	vst v63  }
0x155: {  	_ =	swait.ge [sflag:s14], $0x1000  }
0x156: {  	[sflag:s14] =	ssyncset.done $0x0  }
0x157: {  	[sflag:s14] =	ssyncadd.s32 $0xFFFFF000  }
0x158: {  	_ =	swait.ge [sflag:s14], $0x1000  }
0x159: {  	[sflag:s14] =	ssyncset.done $0x0  }
0x15a: {  	[sflag:s14] =	ssyncadd.s32 $0xFFFFF000  }
0x15b: {  	_ =	swait.ge [sflag:s14], $0x1000  }
0x15c: {  	[sflag:s14] =	ssyncset.done $0x0  }
0x15d: {  	[sflag:s14] =	ssyncadd.s32 $0xFFFFF000  }
0x15e: {  	_ =	swait.ge [sflag:s14], $0x80  }
0x15f: {  	[sflag:s14] =	ssyncset.done $0x0  }
0x160: {  	s0 =	rddreg [dreg:$0x14];
	[sflag:s14] =	ssyncadd.s32 $0xFFFFFF80  }
0x161: {  	[tilespmem:s0], [sflag:$0x1] =	stream.indirect.gather [hbm4b:s4+s13], $0x20, s25, s13, $0xb8;
	[tilespmem:$0x1EA00] =	vst v63  }
0x162: {  	s18 =	rddreg [dreg:$0x15]  }
0x163: {  	[tilespmem:s18], [sflag:$0x1] =	stream.indirect.gather [hbm4b:s5+s13], $0x20, s25, s13, $0xb8;
	[tilespmem:$0x1EA00] =	vst v63  }
0x164: {  	s0 =	rddreg [dreg:$0x16]  }
0x165: {  	[tilespmem:s0], [sflag:$0x1] =	stream.indirect.gather [hbm4b:s7+s13], $0x20, s25, s13, $0xb8;
	[tilespmem:$0x1EA00] =	vst v63  }
0x166: {  	s18 =	rddreg [dreg:$0x17]  }
0x167: {  	[tilespmem:s18], [sflag:$0x1] =	stream.indirect.gather [hbm4b:s8+s13], $0x1, s25, s13, $0xb8;
	[tilespmem:$0x1EA00] =	vst v63  }
0x168: {  	_ =	swait.ge [sflag:s14], $0x1000  }
0x169: {  	[sflag:s14] =	ssyncset.done $0x0  }
0x16a: {  	[sflag:s14] =	ssyncadd.s32 $0xFFFFF000  }
0x16b: {  	_ =	swait.ge [sflag:s14], $0x1000  }
0x16c: {  	[sflag:s14] =	ssyncset.done $0x0  }
0x16d: {  	[sflag:s14] =	ssyncadd.s32 $0xFFFFF000  }
0x16e: {  	_ =	swait.ge [sflag:s14], $0x1000  }
0x16f: {  	[sflag:s14] =	ssyncset.done $0x0  }
0x170: {  	[sflag:s14] =	ssyncadd.s32 $0xFFFFF000  }
0x171: {  	_ =	swait.ge [sflag:s14], $0x80  }
0x172: {  	[sflag:s14] =	ssyncset.done $0x0  }
0x173: {  	s0 =	rddreg [dreg:$0x18];
	[sflag:s14] =	ssyncadd.s32 $0xFFFFFF80  }
0x174: {  	[tilespmem:s0], [sflag:$0x1] =	stream.indirect.gather [hbm4b:s4+s13], $0x20, s24, s13, $0xb8;
	[tilespmem:$0x1EA00] =	vst v63  }
0x175: {  	s18 =	rddreg [dreg:$0x19]  }
0x176: {  	[tilespmem:s18], [sflag:$0x1] =	stream.indirect.gather [hbm4b:s5+s13], $0x20, s24, s13, $0xb8;
	[tilespmem:$0x1EA00] =	vst v63  }
0x177: {  	s0 =	rddreg [dreg:$0x1a]  }
0x178: {  	[tilespmem:s0], [sflag:$0x1] =	stream.indirect.gather [hbm4b:s7+s13], $0x20, s24, s13, $0xb8;
	[tilespmem:$0x1EA00] =	vst v63  }
0x179: {  	s18 =	rddreg [dreg:$0x1b]  }
0x17a: {  	[tilespmem:s18], [sflag:$0x1] =	stream.indirect.gather [hbm4b:s8+s13], $0x1, s24, s13, $0xb8;
	[tilespmem:$0x1EA00] =	vst v63  }
0x17b: {  	_ =	swait.ge [sflag:s14], $0x1000  }
0x17c: {  	[sflag:s14] =	ssyncset.done $0x0  }
0x17d: {  	[sflag:s14] =	ssyncadd.s32 $0xFFFFF000  }
0x17e: {  	_ =	swait.ge [sflag:s14], $0x1000  }
0x17f: {  	[sflag:s14] =	ssyncset.done $0x0  }
0x180: {  	[sflag:s14] =	ssyncadd.s32 $0xFFFFF000  }
0x181: {  	_ =	swait.ge [sflag:s14], $0x1000  }
0x182: {  	[sflag:s14] =	ssyncset.done $0x0  }
0x183: {  	[sflag:s14] =	ssyncadd.s32 $0xFFFFF000  }
0x184: {  	_ =	swait.ge [sflag:s14], $0x80  }
0x185: {  	[sflag:s14] =	ssyncset.done $0x0  }
0x186: {  	s0 =	rddreg [dreg:$0x1c];
	[sflag:s14] =	ssyncadd.s32 $0xFFFFFF80  }
0x187: {  	[tilespmem:s0], [sflag:$0x1] =	stream.indirect.gather [hbm4b:s4+s13], $0x20, s23, s13, $0xb8;
	[tilespmem:$0x1EA00] =	vst v63  }
0x188: {  	s18 =	rddreg [dreg:$0x1d]  }
0x189: {  	[tilespmem:s18], [sflag:$0x1] =	stream.indirect.gather [hbm4b:s5+s13], $0x20, s23, s13, $0xb8;
	[tilespmem:$0x1EA00] =	vst v63  }
0x18a: {  	s0 =	rddreg [dreg:$0x1e]  }
0x18b: {  	[tilespmem:s0], [sflag:$0x1] =	stream.indirect.gather [hbm4b:s7+s13], $0x20, s23, s13, $0xb8;
	[tilespmem:$0x1EA00] =	vst v63  }
0x18c: {  	s18 =	rddreg [dreg:$0x1f]  }
0x18d: {  	[tilespmem:s18], [sflag:$0x1] =	stream.indirect.gather [hbm4b:s8+s13], $0x1, s23, s13, $0xb8;
	[tilespmem:$0x1EA00] =	vst v63  }
0x18e: {  	_ =	swait.ge [sflag:s14], $0x1000  }
0x18f: {  	[sflag:s14] =	ssyncset.done $0x0  }
0x190: {  	[sflag:s14] =	ssyncadd.s32 $0xFFFFF000  }
0x191: {  	_ =	swait.ge [sflag:s14], $0x1000  }
0x192: {  	[sflag:s14] =	ssyncset.done $0x0  }
0x193: {  	[sflag:s14] =	ssyncadd.s32 $0xFFFFF000  }
0x194: {  	_ =	swait.ge [sflag:s14], $0x1000  }
0x195: {  	[sflag:s14] =	ssyncset.done $0x0  }
0x196: {  	[sflag:s14] =	ssyncadd.s32 $0xFFFFF000  }
0x197: {  	_ =	swait.ge [sflag:s14], $0x80  }
0x198: {  	s0 =	sld [smem:$0x7FA]  }
0x199: {  	[sflag:s14] =	ssyncset.done $0x0  }
0x19a: {  	s18 =	sld [smem:$0x7FB];
	[sflag:s14] =	ssyncadd.s32 $0xFFFFFF80  }
0x19b: {  	[tilespmem:s0], [sflag:$0x1] =	stream.indirect.gather [hbm4b:s4+s13], $0x20, s22, s13, $0xb8;
	[tilespmem:$0x1EA00] =	vst v63  }
0x19c: {  	s0 =	sld [smem:$0x7FC]  }
0x19d: {  	[tilespmem:s18], [sflag:$0x1] =	stream.indirect.gather [hbm4b:s5+s13], $0x20, s22, s13, $0xb8;
	[tilespmem:$0x1EA00] =	vst v63  }
0x19e: {  	s18 =	sld [smem:$0x7FD]  }
0x19f: {  	[tilespmem:s0], [sflag:$0x1] =	stream.indirect.gather [hbm4b:s7+s13], $0x20, s22, s13, $0xb8;
	[tilespmem:$0x1EA00] =	vst v63  }
0x1a0: {  	_ = 	snop  }
0x1a1: {  	[tilespmem:s18], [sflag:$0x1] =	stream.indirect.gather [hbm4b:s8+s13], $0x1, s22, s13, $0xb8;
	[tilespmem:$0x1EA00] =	vst v63  }
0x1a2: {  	_ =	swait.ge [sflag:s14], $0x1000  }
0x1a3: {  	[sflag:s14] =	ssyncset.done $0x0  }
0x1a4: {  	[sflag:s14] =	ssyncadd.s32 $0xFFFFF000  }
0x1a5: {  	_ =	swait.ge [sflag:s14], $0x1000  }
0x1a6: {  	[sflag:s14] =	ssyncset.done $0x0  }
0x1a7: {  	[sflag:s14] =	ssyncadd.s32 $0xFFFFF000  }
0x1a8: {  	_ =	swait.ge [sflag:s14], $0x1000  }
0x1a9: {  	[sflag:s14] =	ssyncset.done $0x0  }
0x1aa: {  	[sflag:s14] =	ssyncadd.s32 $0xFFFFF000  }
0x1ab: {  	_ =	swait.ge [sflag:s14], $0x80  }
0x1ac: {  	[sflag:s14] =	ssyncset.done $0x0  }
0x1ad: {  	s18 =	simm.s32 $0x9500;
	[sflag:s14] =	ssyncadd.s32 $0xFFFFFF80  }
0x1ae: {  	[tilespmem:s18], [sflag:$0x1] =	stream.indirect.gather [hbm4b:s4+s13], $0x20, s17, s13, $0xb8;
	[tilespmem:$0x1EA00] =	vst v63  }
0x1af: {  	_ = 	snop  }
0x1b0: {  	[tilespmem:s20], [sflag:$0x1] =	stream.indirect.gather [hbm4b:s5+s13], $0x20, s17, s13, $0xb8;
	[tilespmem:$0x1EA00] =	vst v63  }
0x1b1: {  	_ = 	snop  }
0x1b2: {  	[tilespmem:s21], [sflag:$0x1] =	stream.indirect.gather [hbm4b:s7+s13], $0x20, s17, s13, $0xb8;
	[tilespmem:$0x1EA00] =	vst v63  }
0x1b3: {  	_ = 	snop  }
0x1b4: {  	[tilespmem:s19], [sflag:$0x1] =	stream.indirect.gather [hbm4b:s8+s13], $0x1, s17, s13, $0xb8;
	[tilespmem:$0x1EA00] =	vst v63  }
0x1b5: {  	_ =	swait.ge [sflag:s14], $0x1000  }
0x1b6: {  	[sflag:s14] =	ssyncset.done $0x0  }
0x1b7: {  	[sflag:s14] =	ssyncadd.s32 $0xFFFFF000  }
0x1b8: {  	_ =	swait.ge [sflag:s14], $0x1000  }
0x1b9: {  	[sflag:s14] =	ssyncset.done $0x0  }
0x1ba: {  	[sflag:s14] =	ssyncadd.s32 $0xFFFFF000  }
0x1bb: {  	_ =	swait.ge [sflag:s14], $0x1000  }
0x1bc: {  	[sflag:s14] =	ssyncset.done $0x0  }
0x1bd: {  	[sflag:s14] =	ssyncadd.s32 $0xFFFFF000  }
0x1be: {  	_ =	swait.ge [sflag:s14], $0x80  }
0x1bf: {  	[sflag:s14] =	ssyncset.done $0x0  }
0x1c0: {  	[sflag:s14] =	ssyncadd.s32 $0xFFFFFF80  }
0x1c1: {  	[hbm4b:s6+s15] =	stream.strided.scatter [tilespmem:s12], [sflag:$0x2], $0xA000, s16, s15, $0x38;
	[tilespmem:$0x1EA00] =	vst v63  }
0x1c2: {  	_ =	swait.ge [sflag:s3], $0xA000  }
0x1c3: {  	[sflag:s3] =	ssyncset.done $0x0  }
0x1c4: {  	[sflag:s3] =	ssyncadd.s32 $0xFFFF6000  }
0x1c5: {  	[hbm4b:s30+s15] =	stream.strided.scatter [tilespmem:s11], [sflag:$0x2], $0xA000, s16, s15, $0x38;
	[tilespmem:$0x1EA00] =	vst v63  }
0x1c6: {  	_ =	swait.ge [sflag:s3], $0xA000  }
0x1c7: {  	[sflag:s3] =	ssyncset.done $0x0  }
0x1c8: {  	[sflag:s3] =	ssyncadd.s32 $0xFFFF6000  }
0x1c9: {  	[hbm4b:s31+s15] =	stream.strided.scatter [tilespmem:s10], [sflag:$0x2], $0xA000, s16, s15, $0x38;
	[tilespmem:$0x1EA00] =	vst v63  }
0x1ca: {  	p1 =	sne.s32 s1, $0x1;
	_ =	swait.ge [sflag:s3], $0xA000  }
.Ltmp2:
0x1cb: {  	[sflag:s3] =	ssyncset.done $0x0;
	(pc) =	sbr.rel @p1 .LBB2_3-.Ltmp2, $4  }
0x1cc: {  	s18 =	rddreg [dreg:$0x3];
	[sflag:s3] =	ssyncadd.s32 $0xFFFF6000  }
0x1cd: {  	[hbm4b:s18+s2] =	stream.linear.scatter [tilespmem:s9], [sflag:$0x2], $0x500, $0x38;
	[tilespmem:$0x1EA00] =	vst v63  }
0x1ce: {  	_ =	swait.ge [sflag:s3], $0x500  }
0x1cf: {  	s1 =	sadd.s32 $0xFFFFFFFF, s1;
	s0 =	rddreg [dreg:$0x2];
	[sflag:s3] =	ssyncset.done $0x0  }
0x1d0: {  	s18 =	stileid.u32;
	s30 =	rddreg [dreg:$0x1];
	s19 =	simm.s32 $0x9500  }
0x1d1: {  	s20 =	simm.s32 $0x13500;
	s21 =	simm.s32 $0x1D500;
	s31 =	simm.s32 $0x1E980  }
.LBB2_5:
0x1d2: {  	[sflag:s3] =	ssyncadd.s32 @p0 $0xFFFFFB00  }
0x1d3: {  	[tilespmem:s2], [sflag:$0x2] =	stream.linear.gather [hbm4b:s0+s2], $0x500, $0x38;
	[tilespmem:$0x1EA00] =	vst v63  }
0x1d4: {  	_ =	swait.ge [sflag:s3], $0x500  }
0x1d5: {  	[sflag:s3] =	ssyncset.done $0x0  }
0x1d6: {  	[sflag:s3] =	ssyncadd.s32 $0xFFFFFB00  }
0x1d7: {  	[tilespmem:s12], [sflag:$0x1] =	stream.indirect.gather [hbm4b:s4+s13], $0x20, s2, s13, $0xb8;
	[tilespmem:$0x1EA00] =	vst v63  }
0x1d8: {  	_ = 	snop  }
0x1d9: {  	[tilespmem:s11], [sflag:$0x1] =	stream.indirect.gather [hbm4b:s5+s13], $0x20, s2, s13, $0xb8;
	[tilespmem:$0x1EA00] =	vst v63  }
0x1da: {  	_ = 	snop  }
0x1db: {  	[tilespmem:s10], [sflag:$0x1] =	stream.indirect.gather [hbm4b:s7+s13], $0x20, s2, s13, $0xb8;
	[tilespmem:$0x1EA00] =	vst v63  }
0x1dc: {  	_ = 	snop  }
0x1dd: {  	[tilespmem:s9], [sflag:$0x1] =	stream.indirect.gather [hbm4b:s8+s13], $0x1, s2, s13, $0xb8;
	[tilespmem:$0x1EA00] =	vst v63  }
0x1de: {  	_ =	swait.ge [sflag:s14], $0x1000  }
0x1df: {  	[sflag:s14] =	ssyncset.done $0x0  }
0x1e0: {  	[sflag:s14] =	ssyncadd.s32 $0xFFFFF000  }
0x1e1: {  	_ =	swait.ge [sflag:s14], $0x1000  }
0x1e2: {  	[sflag:s14] =	ssyncset.done $0x0  }
0x1e3: {  	[sflag:s14] =	ssyncadd.s32 $0xFFFFF000  }
0x1e4: {  	_ =	swait.ge [sflag:s14], $0x1000  }
0x1e5: {  	[sflag:s14] =	ssyncset.done $0x0  }
0x1e6: {  	[sflag:s14] =	ssyncadd.s32 $0xFFFFF000  }
0x1e7: {  	_ =	swait.ge [sflag:s14], $0x80  }
0x1e8: {  	[sflag:s14] =	ssyncset.done $0x0  }
0x1e9: {  	s0 =	rddreg [dreg:$0x4];
	[sflag:s14] =	ssyncadd.s32 $0xFFFFFF80  }
0x1ea: {  	[tilespmem:s0], [sflag:$0x1] =	stream.indirect.gather [hbm4b:s4+s13], $0x20, s13, s13, $0xb8;
	[tilespmem:$0x1EA00] =	vst v63  }
0x1eb: {  	s1 =	rddreg [dreg:$0x5]  }
0x1ec: {  	[tilespmem:s1], [sflag:$0x1] =	stream.indirect.gather [hbm4b:s5+s13], $0x20, s13, s13, $0xb8;
	[tilespmem:$0x1EA00] =	vst v63  }
0x1ed: {  	s0 =	rddreg [dreg:$0x6]  }
0x1ee: {  	[tilespmem:s0], [sflag:$0x1] =	stream.indirect.gather [hbm4b:s7+s13], $0x20, s13, s13, $0xb8;
	[tilespmem:$0x1EA00] =	vst v63  }
0x1ef: {  	s1 =	rddreg [dreg:$0x7]  }
0x1f0: {  	[tilespmem:s1], [sflag:$0x1] =	stream.indirect.gather [hbm4b:s8+s13], $0x1, s13, s13, $0xb8;
	[tilespmem:$0x1EA00] =	vst v63  }
0x1f1: {  	_ =	swait.ge [sflag:s14], $0x1000  }
0x1f2: {  	[sflag:s14] =	ssyncset.done $0x0  }
0x1f3: {  	[sflag:s14] =	ssyncadd.s32 $0xFFFFF000  }
0x1f4: {  	_ =	swait.ge [sflag:s14], $0x1000  }
0x1f5: {  	[sflag:s14] =	ssyncset.done $0x0  }
0x1f6: {  	[sflag:s14] =	ssyncadd.s32 $0xFFFFF000  }
0x1f7: {  	_ =	swait.ge [sflag:s14], $0x1000  }
0x1f8: {  	[sflag:s14] =	ssyncset.done $0x0  }
0x1f9: {  	[sflag:s14] =	ssyncadd.s32 $0xFFFFF000  }
0x1fa: {  	_ =	swait.ge [sflag:s14], $0x80  }
0x1fb: {  	[sflag:s14] =	ssyncset.done $0x0  }
0x1fc: {  	s0 =	rddreg [dreg:$0x8];
	[sflag:s14] =	ssyncadd.s32 $0xFFFFFF80  }
0x1fd: {  	[tilespmem:s0], [sflag:$0x1] =	stream.indirect.gather [hbm4b:s4+s13], $0x20, s29, s13, $0xb8;
	[tilespmem:$0x1EA00] =	vst v63  }
0x1fe: {  	s1 =	rddreg [dreg:$0x9]  }
0x1ff: {  	[tilespmem:s1], [sflag:$0x1] =	stream.indirect.gather [hbm4b:s5+s13], $0x20, s29, s13, $0xb8;
	[tilespmem:$0x1EA00] =	vst v63  }
0x200: {  	s0 =	rddreg [dreg:$0xa]  }
0x201: {  	[tilespmem:s0], [sflag:$0x1] =	stream.indirect.gather [hbm4b:s7+s13], $0x20, s29, s13, $0xb8;
	[tilespmem:$0x1EA00] =	vst v63  }
0x202: {  	s1 =	rddreg [dreg:$0xb]  }
0x203: {  	[tilespmem:s1], [sflag:$0x1] =	stream.indirect.gather [hbm4b:s8+s13], $0x1, s29, s13, $0xb8;
	[tilespmem:$0x1EA00] =	vst v63  }
0x204: {  	_ =	swait.ge [sflag:s14], $0x1000  }
0x205: {  	[sflag:s14] =	ssyncset.done $0x0  }
0x206: {  	[sflag:s14] =	ssyncadd.s32 $0xFFFFF000  }
0x207: {  	_ =	swait.ge [sflag:s14], $0x1000  }
0x208: {  	[sflag:s14] =	ssyncset.done $0x0  }
0x209: {  	[sflag:s14] =	ssyncadd.s32 $0xFFFFF000  }
0x20a: {  	_ =	swait.ge [sflag:s14], $0x1000  }
0x20b: {  	[sflag:s14] =	ssyncset.done $0x0  }
0x20c: {  	[sflag:s14] =	ssyncadd.s32 $0xFFFFF000  }
0x20d: {  	_ =	swait.ge [sflag:s14], $0x80  }
0x20e: {  	[sflag:s14] =	ssyncset.done $0x0  }
0x20f: {  	s1 =	rddreg [dreg:$0xc];
	[sflag:s14] =	ssyncadd.s32 $0xFFFFFF80  }
0x210: {  	[tilespmem:s1], [sflag:$0x1] =	stream.indirect.gather [hbm4b:s4+s13], $0x20, s28, s13, $0xb8;
	[tilespmem:$0x1EA00] =	vst v63  }
0x211: {  	s29 =	rddreg [dreg:$0xd]  }
0x212: {  	[tilespmem:s29], [sflag:$0x1] =	stream.indirect.gather [hbm4b:s5+s13], $0x20, s28, s13, $0xb8;
	[tilespmem:$0x1EA00] =	vst v63  }
0x213: {  	s0 =	rddreg [dreg:$0xe]  }
0x214: {  	[tilespmem:s0], [sflag:$0x1] =	stream.indirect.gather [hbm4b:s7+s13], $0x20, s28, s13, $0xb8;
	[tilespmem:$0x1EA00] =	vst v63  }
0x215: {  	s29 =	rddreg [dreg:$0xf]  }
0x216: {  	[tilespmem:s29], [sflag:$0x1] =	stream.indirect.gather [hbm4b:s8+s13], $0x1, s28, s13, $0xb8;
	[tilespmem:$0x1EA00] =	vst v63  }
0x217: {  	_ =	swait.ge [sflag:s14], $0x1000  }
0x218: {  	[sflag:s14] =	ssyncset.done $0x0  }
0x219: {  	[sflag:s14] =	ssyncadd.s32 $0xFFFFF000  }
0x21a: {  	_ =	swait.ge [sflag:s14], $0x1000  }
0x21b: {  	[sflag:s14] =	ssyncset.done $0x0  }
0x21c: {  	[sflag:s14] =	ssyncadd.s32 $0xFFFFF000  }
0x21d: {  	_ =	swait.ge [sflag:s14], $0x1000  }
0x21e: {  	[sflag:s14] =	ssyncset.done $0x0  }
0x21f: {  	[sflag:s14] =	ssyncadd.s32 $0xFFFFF000  }
0x220: {  	_ =	swait.ge [sflag:s14], $0x80  }
0x221: {  	[sflag:s14] =	ssyncset.done $0x0  }
0x222: {  	s28 =	rddreg [dreg:$0x10];
	[sflag:s14] =	ssyncadd.s32 $0xFFFFFF80  }
0x223: {  	[tilespmem:s28], [sflag:$0x1] =	stream.indirect.gather [hbm4b:s4+s13], $0x20, s26, s13, $0xb8;
	[tilespmem:$0x1EA00] =	vst v63  }
0x224: {  	s29 =	rddreg [dreg:$0x11]  }
0x225: {  	[tilespmem:s29], [sflag:$0x1] =	stream.indirect.gather [hbm4b:s5+s13], $0x20, s26, s13, $0xb8;
	[tilespmem:$0x1EA00] =	vst v63  }
0x226: {  	s28 =	rddreg [dreg:$0x12]  }
0x227: {  	[tilespmem:s28], [sflag:$0x1] =	stream.indirect.gather [hbm4b:s7+s13], $0x20, s26, s13, $0xb8;
	[tilespmem:$0x1EA00] =	vst v63  }
0x228: {  	s29 =	rddreg [dreg:$0x13]  }
0x229: {  	[tilespmem:s29], [sflag:$0x1] =	stream.indirect.gather [hbm4b:s8+s13], $0x1, s26, s13, $0xb8;
	[tilespmem:$0x1EA00] =	vst v63  }
0x22a: {  	_ =	swait.ge [sflag:s14], $0x1000  }
0x22b: {  	[sflag:s14] =	ssyncset.done $0x0  }
0x22c: {  	[sflag:s14] =	ssyncadd.s32 $0xFFFFF000  }
0x22d: {  	_ =	swait.ge [sflag:s14], $0x1000  }
0x22e: {  	[sflag:s14] =	ssyncset.done $0x0  }
0x22f: {  	[sflag:s14] =	ssyncadd.s32 $0xFFFFF000  }
0x230: {  	_ =	swait.ge [sflag:s14], $0x1000  }
0x231: {  	[sflag:s14] =	ssyncset.done $0x0  }
0x232: {  	[sflag:s14] =	ssyncadd.s32 $0xFFFFF000  }
0x233: {  	_ =	swait.ge [sflag:s14], $0x80  }
0x234: {  	[sflag:s14] =	ssyncset.done $0x0  }
0x235: {  	s1 =	rddreg [dreg:$0x14];
	[sflag:s14] =	ssyncadd.s32 $0xFFFFFF80  }
0x236: {  	[tilespmem:s1], [sflag:$0x1] =	stream.indirect.gather [hbm4b:s4+s13], $0x20, s25, s13, $0xb8;
	[tilespmem:$0x1EA00] =	vst v63  }
0x237: {  	s26 =	rddreg [dreg:$0x15]  }
0x238: {  	[tilespmem:s26], [sflag:$0x1] =	stream.indirect.gather [hbm4b:s5+s13], $0x20, s25, s13, $0xb8;
	[tilespmem:$0x1EA00] =	vst v63  }
0x239: {  	s28 =	rddreg [dreg:$0x16]  }
0x23a: {  	[tilespmem:s28], [sflag:$0x1] =	stream.indirect.gather [hbm4b:s7+s13], $0x20, s25, s13, $0xb8;
	[tilespmem:$0x1EA00] =	vst v63  }
0x23b: {  	s29 =	rddreg [dreg:$0x17]  }
0x23c: {  	[tilespmem:s29], [sflag:$0x1] =	stream.indirect.gather [hbm4b:s8+s13], $0x1, s25, s13, $0xb8;
	[tilespmem:$0x1EA00] =	vst v63  }
0x23d: {  	_ =	swait.ge [sflag:s14], $0x1000  }
0x23e: {  	[sflag:s14] =	ssyncset.done $0x0  }
0x23f: {  	[sflag:s14] =	ssyncadd.s32 $0xFFFFF000  }
0x240: {  	_ =	swait.ge [sflag:s14], $0x1000  }
0x241: {  	[sflag:s14] =	ssyncset.done $0x0  }
0x242: {  	[sflag:s14] =	ssyncadd.s32 $0xFFFFF000  }
0x243: {  	_ =	swait.ge [sflag:s14], $0x1000  }
0x244: {  	[sflag:s14] =	ssyncset.done $0x0  }
0x245: {  	[sflag:s14] =	ssyncadd.s32 $0xFFFFF000  }
0x246: {  	_ =	swait.ge [sflag:s14], $0x80  }
0x247: {  	[sflag:s14] =	ssyncset.done $0x0  }
0x248: {  	s25 =	rddreg [dreg:$0x18];
	[sflag:s14] =	ssyncadd.s32 $0xFFFFFF80  }
0x249: {  	[tilespmem:s25], [sflag:$0x1] =	stream.indirect.gather [hbm4b:s4+s13], $0x20, s24, s13, $0xb8;
	[tilespmem:$0x1EA00] =	vst v63  }
0x24a: {  	s26 =	rddreg [dreg:$0x19]  }
0x24b: {  	[tilespmem:s26], [sflag:$0x1] =	stream.indirect.gather [hbm4b:s5+s13], $0x20, s24, s13, $0xb8;
	[tilespmem:$0x1EA00] =	vst v63  }
0x24c: {  	s28 =	rddreg [dreg:$0x1a]  }
0x24d: {  	[tilespmem:s28], [sflag:$0x1] =	stream.indirect.gather [hbm4b:s7+s13], $0x20, s24, s13, $0xb8;
	[tilespmem:$0x1EA00] =	vst v63  }
0x24e: {  	s29 =	rddreg [dreg:$0x1b]  }
0x24f: {  	[tilespmem:s29], [sflag:$0x1] =	stream.indirect.gather [hbm4b:s8+s13], $0x1, s24, s13, $0xb8;
	[tilespmem:$0x1EA00] =	vst v63  }
0x250: {  	_ =	swait.ge [sflag:s14], $0x1000  }
0x251: {  	[sflag:s14] =	ssyncset.done $0x0  }
0x252: {  	[sflag:s14] =	ssyncadd.s32 $0xFFFFF000  }
0x253: {  	_ =	swait.ge [sflag:s14], $0x1000  }
0x254: {  	[sflag:s14] =	ssyncset.done $0x0  }
0x255: {  	[sflag:s14] =	ssyncadd.s32 $0xFFFFF000  }
0x256: {  	_ =	swait.ge [sflag:s14], $0x1000  }
0x257: {  	[sflag:s14] =	ssyncset.done $0x0  }
0x258: {  	[sflag:s14] =	ssyncadd.s32 $0xFFFFF000  }
0x259: {  	_ =	swait.ge [sflag:s14], $0x80  }
0x25a: {  	[sflag:s14] =	ssyncset.done $0x0  }
0x25b: {  	s25 =	rddreg [dreg:$0x1c];
	[sflag:s14] =	ssyncadd.s32 $0xFFFFFF80  }
0x25c: {  	[tilespmem:s25], [sflag:$0x1] =	stream.indirect.gather [hbm4b:s4+s13], $0x20, s23, s13, $0xb8;
	[tilespmem:$0x1EA00] =	vst v63  }
0x25d: {  	s26 =	rddreg [dreg:$0x1d]  }
0x25e: {  	[tilespmem:s26], [sflag:$0x1] =	stream.indirect.gather [hbm4b:s5+s13], $0x20, s23, s13, $0xb8;
	[tilespmem:$0x1EA00] =	vst v63  }
0x25f: {  	s28 =	rddreg [dreg:$0x1e]  }
0x260: {  	[tilespmem:s28], [sflag:$0x1] =	stream.indirect.gather [hbm4b:s7+s13], $0x20, s23, s13, $0xb8;
	[tilespmem:$0x1EA00] =	vst v63  }
0x261: {  	s29 =	rddreg [dreg:$0x1f]  }
0x262: {  	[tilespmem:s29], [sflag:$0x1] =	stream.indirect.gather [hbm4b:s8+s13], $0x1, s23, s13, $0xb8;
	[tilespmem:$0x1EA00] =	vst v63  }
0x263: {  	_ =	swait.ge [sflag:s14], $0x1000  }
0x264: {  	[sflag:s14] =	ssyncset.done $0x0  }
0x265: {  	[sflag:s14] =	ssyncadd.s32 $0xFFFFF000  }
0x266: {  	_ =	swait.ge [sflag:s14], $0x1000  }
0x267: {  	[sflag:s14] =	ssyncset.done $0x0  }
0x268: {  	[sflag:s14] =	ssyncadd.s32 $0xFFFFF000  }
0x269: {  	_ =	swait.ge [sflag:s14], $0x1000  }
0x26a: {  	[sflag:s14] =	ssyncset.done $0x0  }
0x26b: {  	[sflag:s14] =	ssyncadd.s32 $0xFFFFF000  }
0x26c: {  	_ =	swait.ge [sflag:s14], $0x80  }
0x26d: {  	s23 =	sld [smem:$0x7FA]  }
0x26e: {  	[sflag:s14] =	ssyncset.done $0x0  }
0x26f: {  	s24 =	sld [smem:$0x7FB];
	[sflag:s14] =	ssyncadd.s32 $0xFFFFFF80  }
0x270: {  	[tilespmem:s23], [sflag:$0x1] =	stream.indirect.gather [hbm4b:s4+s13], $0x20, s22, s13, $0xb8;
	[tilespmem:$0x1EA00] =	vst v63  }
0x271: {  	s25 =	sld [smem:$0x7FC]  }
0x272: {  	[tilespmem:s24], [sflag:$0x1] =	stream.indirect.gather [hbm4b:s5+s13], $0x20, s22, s13, $0xb8;
	[tilespmem:$0x1EA00] =	vst v63  }
0x273: {  	s26 =	sld [smem:$0x7FD]  }
0x274: {  	[tilespmem:s25], [sflag:$0x1] =	stream.indirect.gather [hbm4b:s7+s13], $0x20, s22, s13, $0xb8;
	[tilespmem:$0x1EA00] =	vst v63  }
0x275: {  	_ = 	snop  }
0x276: {  	[tilespmem:s26], [sflag:$0x1] =	stream.indirect.gather [hbm4b:s8+s13], $0x1, s22, s13, $0xb8;
	[tilespmem:$0x1EA00] =	vst v63  }
0x277: {  	_ =	swait.ge [sflag:s14], $0x1000  }
0x278: {  	[sflag:s14] =	ssyncset.done $0x0  }
0x279: {  	[sflag:s14] =	ssyncadd.s32 $0xFFFFF000  }
0x27a: {  	_ =	swait.ge [sflag:s14], $0x1000  }
0x27b: {  	[sflag:s14] =	ssyncset.done $0x0  }
0x27c: {  	[sflag:s14] =	ssyncadd.s32 $0xFFFFF000  }
0x27d: {  	_ =	swait.ge [sflag:s14], $0x1000  }
0x27e: {  	[sflag:s14] =	ssyncset.done $0x0  }
0x27f: {  	[sflag:s14] =	ssyncadd.s32 $0xFFFFF000  }
0x280: {  	_ =	swait.ge [sflag:s14], $0x80  }
0x281: {  	[sflag:s14] =	ssyncset.done $0x0  }
0x282: {  	[sflag:s14] =	ssyncadd.s32 $0xFFFFFF80  }
0x283: {  	[tilespmem:s19], [sflag:$0x1] =	stream.indirect.gather [hbm4b:s4+s13], $0x20, s17, s13, $0xb8;
	[tilespmem:$0x1EA00] =	vst v63  }
0x284: {  	_ = 	snop  }
0x285: {  	[tilespmem:s20], [sflag:$0x1] =	stream.indirect.gather [hbm4b:s5+s13], $0x20, s17, s13, $0xb8;
	[tilespmem:$0x1EA00] =	vst v63  }
0x286: {  	_ = 	snop  }
0x287: {  	[tilespmem:s21], [sflag:$0x1] =	stream.indirect.gather [hbm4b:s7+s13], $0x20, s17, s13, $0xb8;
	[tilespmem:$0x1EA00] =	vst v63  }
0x288: {  	_ = 	snop  }
0x289: {  	[tilespmem:s31], [sflag:$0x1] =	stream.indirect.gather [hbm4b:s8+s13], $0x1, s17, s13, $0xb8;
	[tilespmem:$0x1EA00] =	vst v63  }
0x28a: {  	_ =	swait.ge [sflag:s14], $0x1000  }
0x28b: {  	[sflag:s14] =	ssyncset.done $0x0  }
0x28c: {  	[sflag:s14] =	ssyncadd.s32 $0xFFFFF000  }
0x28d: {  	_ =	swait.ge [sflag:s14], $0x1000  }
0x28e: {  	[sflag:s14] =	ssyncset.done $0x0  }
0x28f: {  	[sflag:s14] =	ssyncadd.s32 $0xFFFFF000  }
0x290: {  	_ =	swait.ge [sflag:s14], $0x1000  }
0x291: {  	[sflag:s14] =	ssyncset.done $0x0  }
0x292: {  	[sflag:s14] =	ssyncadd.s32 $0xFFFFF000  }
0x293: {  	_ =	swait.ge [sflag:s14], $0x80  }
0x294: {  	[sflag:s14] =	ssyncset.done $0x0  }
0x295: {  	[sflag:s14] =	ssyncadd.s32 $0xFFFFFF80  }
0x296: {  	[hbm4b:s6+s15] =	stream.strided.scatter [tilespmem:s12], [sflag:$0x2], $0xA000, s16, s15, $0x38;
	[tilespmem:$0x1EA00] =	vst v63  }
0x297: {  	_ =	swait.ge [sflag:s3], $0xA000  }
0x298: {  	[sflag:s3] =	ssyncset.done $0x0  }
0x299: {  	s28 =	sadd.s32 $0x4, s6;
	[sflag:s3] =	ssyncadd.s32 $0xFFFF6000  }
0x29a: {  	[hbm4b:s28+s15] =	stream.strided.scatter [tilespmem:s11], [sflag:$0x2], $0xA000, s16, s15, $0x38;
	[tilespmem:$0x1EA00] =	vst v63  }
0x29b: {  	_ =	swait.ge [sflag:s3], $0xA000  }
0x29c: {  	[sflag:s3] =	ssyncset.done $0x0  }
0x29d: {  	s29 =	sadd.s32 $0x8, s6;
	[sflag:s3] =	ssyncadd.s32 $0xFFFF6000  }
0x29e: {  	[hbm4b:s29+s15] =	stream.strided.scatter [tilespmem:s10], [sflag:$0x2], $0xA000, s16, s15, $0x38;
	[tilespmem:$0x1EA00] =	vst v63  }
0x29f: {  	_ =	swait.ge [sflag:s3], $0xA000  }
0x2a0: {  	[sflag:s3] =	ssyncset.done $0x0  }
0x2a1: {  	s31 =	rddreg [dreg:$0x3];
	[sflag:s3] =	ssyncadd.s32 $0xFFFF6000  }
0x2a2: {  	[hbm4b:s31+s2] =	stream.linear.scatter [tilespmem:s9], [sflag:$0x2], $0x500, $0x38;
	[tilespmem:$0x1EA00] =	vst v63  }
0x2a3: {  	_ =	swait.ge [sflag:s3], $0x500  }
0x2a4: {  	[sflag:s3] =	ssyncset.done $0x0  }
0x2a5: {  	[sflag:s3] =	ssyncadd.s32 $0xFFFFFB00  }
0x2a6: {  	_ =	sfence.sel $0x180000  }
0x2a7: {  	[bflag:$0x0] =	sbarrier.arrive $0xFFFF  }
0x2a8: {  	p0 =	sne.s32 s18, $0x0;
	_ =	strace $0x90000047  }
0x2a9: {  	s0 =	sadd.s32 @!p0 $0x100000, s30;
	[bflag:$0x2] =	sbarrier.arrive $0xFFFF  }
0x2aa: {  	[sflag:s0] =	ssyncadd.tile.s32 @!p0 $0x1;
	_ =	shalt  }
.LBB2_2:
.Ltmp3:
0x2ab: {  	(pc) =	sbr.rel .LBB2_5-.Ltmp3, $3  }
0x2ac: {  	_ =	sdelay $0x1  }
0x2ad: {  	s18 =	stileid.u32;
	s30 =	rddreg [dreg:$0x1];
	s19 =	simm.s32 $0x9500  }
0x2ae: {  	s20 =	simm.s32 $0x13500;
	s21 =	simm.s32 $0x1D500;
	s31 =	simm.s32 $0x1E980  }
.Lfunc_end2:
_tile_overlayer_lowered:
.L_overlay_start_2:
0x2af: {  	(tag) =	ssettag $0x2  }
0x2b0: {  	s0 =	rddreg [dreg:$0x0];
	s2 =	stileid.u32  }
0x2b1: {  	s1 =	rddreg [dreg:$0x1];
	p0 =	sne.s32 s2, $0x0  }
0x2b2: {  	s3 =	rddreg [dreg:$0x2];
	[bflag:$0x3] =	sbarrier.arrive $0xFFFF;
	s2 =	simm.s32 @!p0 $0x1C02  }
0x2b3: {  	[timem:s3], [sflag:s2] =	dma.local @!p0 [hbm:s0], s1  }
0x2b4: {  	s0 =	simm.s32 @!p0 $0x2  }
0x2b5: {  	_ =	swait.ge @!p0 [sflag:s0], s1  }
0x2b6: {  	s1 =	ssub.s32 @!p0 $0x0, s1;
	[sflag:s0] =	ssyncset.done @!p0 $0x0  }
0x2b7: {  	[sflag:s0] =	ssyncadd.s32 @!p0 s1  }
0x2b8: {  	[bflag:$0x3] =	sbarrier.arrive $0xFFFF  }
0x2b9: {  	_ =	shalt  }

</sc_bundles>
